<compile_context>
chip_gen: v7x
topology: tpu7x:2x2x1
jax: 0.10.2.dev20260603
libtpu: 0.0.44.dev20260713+nightly
codegen_flags: <defaults>
</compile_context>

<pallas_src>
import functools

import jax
import jax.numpy as jnp
from jax import lax
from jax.experimental import pallas as pl
from jax.experimental.pallas import tpu as pltpu
from jax.experimental.pallas import tpu_sc as plsc

B, L, V, E, H, C = 16384, 5, 1000000, 64, 128, 2


_VBQ = 8192
_SQ = 253952
_TGRID = _SQ // _VBQ
_MAXBLK = (V // _VBQ) - 1


def _pack_body(x0_ref, x1_ref, x2_ref, x3_ref, eye_ref, o_ref):
    quarters = []
    for x_ref in (x0_ref, x1_ref, x2_ref, x3_ref):
        xb = lax.bitcast_convert_type(x_ref[...], jnp.int32)
        lo = jnp.bitwise_and(lax.shift_right_logical(xb[:E // 2, :], 16),
                             jnp.int32(0xFFFF))
        hi = jnp.bitwise_and(xb[E // 2:, :], jnp.int32(-65536))
        quarters.append(jnp.bitwise_or(lo, hi))
    p = jnp.concatenate(quarters, axis=0)
    pf = lax.bitcast_convert_type(p, jnp.float32)
    t = lax.dot_general(pf, eye_ref[...], (((0,), (0,)), ((), ())),
                        preferred_element_type=jnp.float32)
    o_ref[...] = lax.bitcast_convert_type(t, jnp.int32)


def _in_spec(m):
    return pl.BlockSpec(
        (E, _VBQ),
        lambda i, _m=m: (0, jnp.minimum(_m * _TGRID + i, _MAXBLK)))


_pack = pl.pallas_call(
    _pack_body,
    grid=(_TGRID,),
    in_specs=[_in_spec(m) for m in range(4)] + [
        pl.BlockSpec((2 * E, 2 * E), lambda i: (0, 0)),
    ],
    out_specs=pl.BlockSpec((_VBQ, 2 * E), lambda i: (i, 0)),
    out_shape=jax.ShapeDtypeStruct((_SQ, 2 * E), jnp.int32),
)


_NC, _NS = 2, 16
_NW = _NC * _NS
_N = B * L
_PW = _N // _NW
_CH = 128
_NCH = _PW // _CH
_NBUF = 6

_sc_mesh = plsc.VectorSubcoreMesh(core_axis_name="c", subcore_axis_name="s")


@functools.partial(
    pl.kernel,
    out_type=jax.ShapeDtypeStruct((_N, 2 * E), jnp.int32),
    mesh=_sc_mesh,
    scratch_types=[
        pltpu.VMEM((_NCH, _CH), jnp.int32),
        pltpu.VMEM((_NBUF, _CH, 2 * E), jnp.int32),
    ] + [pltpu.SemaphoreType.DMA] * _NBUF,
)
def _sc_gather(idx_hbm, tab_hbm, out_hbm, idx_v, rows_v, *sems):
    wid = lax.axis_index("s") * _NC + lax.axis_index("c")
    base = wid * _PW
    pltpu.sync_copy(idx_hbm.at[wid], idx_v)

    def start(i):
        bi = i % _NBUF
        return pltpu.async_copy(tab_hbm.at[idx_v.at[i]], rows_v.at[bi], sems[bi])

    handles = {}
    for i in range(min(_NBUF, _NCH)):
        handles[i] = start(i)
    for i in range(_NCH):
        bi = i % _NBUF
        handles.pop(i).wait()
        pltpu.sync_copy(rows_v.at[bi], out_hbm.at[pl.ds(base + i * _CH, _CH)])
        j = i + _NBUF
        if j < _NCH:
            handles[j] = start(j)


_BLK = 2048
_NB = B // _BLK


def _mlp_t_body(x_refs, q_refs, eye_ref, w1t_ref, b1_ref, w2t_ref, b2_ref,
                w3t_ref, b3_ref, o_ref):
    eye = eye_ref[...]
    planes = []
    for l in range(L):
        xi = x_refs[l][...]
        lo_f = lax.bitcast_convert_type(lax.shift_left(xi, 16), jnp.float32)
        hi_f = lax.bitcast_convert_type(
            jnp.bitwise_and(xi, jnp.int32(-65536)), jnp.float32)
        qv = q_refs[l][...]
        for pf in (lo_f, hi_f):
            pt = lax.dot_general(eye, pf, (((1,), (1,)), ((), ())),
                                 preferred_element_type=jnp.float32)
            sel = jnp.zeros((E // 2, _BLK), jnp.float32)
            for q in range(4):
                sel = jnp.where(qv == q, pt[32 * q:32 * (q + 1), :], sel)
            planes.append(sel)
    x = jnp.concatenate(planes, axis=0).astype(jnp.bfloat16)
    acc = jnp.dot(w1t_ref[...], x, preferred_element_type=jnp.float32)
    h = jnp.maximum(acc + b1_ref[...], 0.0).astype(jnp.bfloat16)
    h = jnp.maximum(jnp.dot(w2t_ref[...], h,
                            preferred_element_type=jnp.float32) + b2_ref[...], 0.0)
    o = jnp.dot(w3t_ref[...], h.astype(jnp.bfloat16),
                preferred_element_type=jnp.float32) + b3_ref[...]
    row = lax.broadcasted_iota(jnp.int32, o.shape, 0)
    o = jnp.where(row < C, o, jnp.float32(-1e30))
    m = jnp.max(o, axis=0, keepdims=True)
    e = jnp.exp(o - m)
    o_ref[...] = e / jnp.sum(e, axis=0, keepdims=True)


def _mlp_t_entry(x0, x1, x2, x3, x4, q0, q1, q2, q3, q4,
                 eye, w1t, b1, w2t, b2, w3t, b3, o):
    _mlp_t_body((x0, x1, x2, x3, x4), (q0, q1, q2, q3, q4),
                eye, w1t, b1, w2t, b2, w3t, b3, o)


def _x_spec(l):
    return pl.BlockSpec((_BLK, 2 * E), lambda i, _l=l: (_l * _NB + i, 0))


def _q_spec(l):
    return pl.BlockSpec((1, _BLK), lambda i, _l=l: (0, _l * _NB + i))


_mlp_t = pl.pallas_call(
    _mlp_t_entry,
    grid=(_NB,),
    in_specs=[_x_spec(l) for l in range(L)]
    + [_q_spec(l) for l in range(L)] + [
        pl.BlockSpec((2 * E, 2 * E), lambda i: (0, 0)),
        pl.BlockSpec((H, L * E), lambda i: (0, 0)),
        pl.BlockSpec((H, 1), lambda i: (0, 0)),
        pl.BlockSpec((H, H), lambda i: (0, 0)),
        pl.BlockSpec((H, 1), lambda i: (0, 0)),
        pl.BlockSpec((H, H), lambda i: (0, 0)),
        pl.BlockSpec((H, 1), lambda i: (0, 0)),
    ],
    out_specs=pl.BlockSpec((H, _BLK), lambda i: (0, i)),
    out_shape=jax.ShapeDtypeStruct((H, B), jnp.float32),
)


def kernel(inputs_BL, emb, W1, b1, W2, b2, W3, b3):
    tab = _pack(emb.T, emb.T, emb.T, emb.T,
                jnp.eye(E, dtype=jnp.float32))
    idx = inputs_BL.astype(jnp.int32).T.reshape(-1)
    q = idx // _SQ
    k = idx - q * _SQ
    rows = _sc_gather(k.reshape(_NW, _NCH, _CH), tab)
    qrow = q.reshape(1, _N)
    w3p = jnp.pad(W3, ((0, 0), (0, H - C)))
    bf = jnp.bfloat16
    oT = _mlp_t(
        rows, rows, rows, rows, rows,
        qrow, qrow, qrow, qrow, qrow,
        jnp.eye(2 * E, dtype=jnp.float32),
        W1.T.astype(bf), b1.reshape(H, 1),
        W2.T.astype(bf), b2.reshape(H, 1),
        w3p.T.astype(bf), jnp.pad(b3, (0, H - C)).reshape(H, 1),
    )
    return oT[:C, :].T

# --- scband reference (transcript-rebuilt; emitter-appended) ---
"""Pipeline reference for scband-word-window-multiclass-classifier-baseline-57483842290327 (READ-ONLY COPY).

The authoritative reference and input builder live on the scoring server;
editing this copy changes nothing except your own understanding.
"""

import jax, jax.numpy as jnp
import numpy as np

B, L, V, E, H, C = 16384, 5, 1000000, 64, 128, 2

def setup_inputs(seed: int = 0) -> dict:
    key = jax.random.key(seed)
    ks = jax.random.split(key, 8)
    inputs_BL = jax.random.randint(ks[0], (B, L), 0, V, dtype=jnp.int64)
    emb = jax.random.normal(ks[1], (V, E), dtype=jnp.float32) * 0.02
    W1 = jax.random.normal(ks[2], (L * E, H), dtype=jnp.float32) * 0.02
    b1 = jnp.zeros((H,), dtype=jnp.float32)
    W2 = jax.random.normal(ks[3], (H, H), dtype=jnp.float32) * 0.02
    b2 = jnp.zeros((H,), dtype=jnp.float32)
    W3 = jax.random.normal(ks[4], (H, C), dtype=jnp.float32) * 0.02
    b3 = jnp.zeros((C,), dtype=jnp.float32)
    return {"inputs_BL": inputs_BL, "emb": emb, "W1": W1, "b1": b1, "W2": W2, "b2": b2, "W3": W3, "b3": b3}

def reference(inputs_BL, emb, W1, b1, W2, b2, W3, b3):
    # embedding lookup: B x L x E
    embedded_BLE = jnp.take(emb, inputs_BL, axis=0)
    # reshape to window feature: B x (L*E)
    extended_BW = jnp.reshape(embedded_BLE, (B, L * E))
    hidden1_BH = jax.nn.relu(extended_BW @ W1 + b1)
    hidden2_BH = jax.nn.relu(hidden1_BH @ W2 + b2)
    output_BC = hidden2_BH @ W3 + b3
    softmax_BC = jax.nn.softmax(output_BC, axis=1)
    return softmax_BC

if __name__ == "__main__":
    import jax
    _d = setup_inputs()
    print(jax.jit(kernel)(*tuple(_d.values())))

</pallas_src>

<mosaic_0001>
#map = affine_map<(d0, d1) -> (0, 0, 0)>
#map1 = affine_map<(d0, d1) -> (0, 0)>
module attributes {stable_mosaic.version = 14 : i64} {
  func.func @_sc_gather(%arg0: i32, %arg1: i32, %arg2: memref<32x20x128xi32, #tpu.memory_space<hbm>>, %arg3: memref<253952x128xi32, #tpu.memory_space<hbm>>, %arg4: memref<81920x128xi32, #tpu.memory_space<hbm>>, %arg5: memref<20x128xi32, #tpu.memory_space<vmem>>, %arg6: memref<6x128x128xi32, #tpu.memory_space<vmem>>, %arg7: memref<!tpu.dma_semaphore, #tpu.memory_space<semaphore_mem>>, %arg8: memref<!tpu.dma_semaphore, #tpu.memory_space<semaphore_mem>>, %arg9: memref<!tpu.dma_semaphore, #tpu.memory_space<semaphore_mem>>, %arg10: memref<!tpu.dma_semaphore, #tpu.memory_space<semaphore_mem>>, %arg11: memref<!tpu.dma_semaphore, #tpu.memory_space<semaphore_mem>>, %arg12: memref<!tpu.dma_semaphore, #tpu.memory_space<semaphore_mem>>) attributes {dimension_semantics = [#tpu.dimension_semantics<core_parallel>, #tpu.dimension_semantics<subcore_parallel>], iteration_bounds = array<i64: 2, 16>, scalar_prefetch = 0 : i64, scratch_operands = 8 : i64, tpu.core_type = #tpu.core_type<sc_vector_subcore>, window_params = [{transform_indices = #map}, {transform_indices = #map1}, {transform_indices = #map1}]} {
    %mul3A = arith.constant 2 : i32
    %mul3A_0 = arith.muli %arg1, %mul3A : i32
    %add3A = arith.addi %mul3A_0, %arg0 : i32
    %mul3A_1 = arith.constant 2560 : i32
    %mul3A_2 = arith.muli %add3A, %mul3A_1 : i32
    "tpu.region"() ({
      %run_scoped3A_540 = tpu.sem_alloc : memref<!tpu.dma_semaphore, #tpu.memory_space<semaphore_mem>>
      %dma_start3A_541 = arith.constant 0 : i32
      %dma_start3A_542 = arith.constant 0 : i32
      %dma_start3A_543 = tpu.memref_slice %arg2[%add3A, %dma_start3A_541, %dma_start3A_542] : memref<32x20x128xi32, #tpu.memory_space<hbm>> -> memref<1x20x128xi32, #tpu.memory_space<hbm>>
      %dma_start3A_544 = tpu.memref_squeeze %dma_start3A_543 : memref<1x20x128xi32, #tpu.memory_space<hbm>> -> memref<20x128xi32, #tpu.memory_space<hbm>>
      %dma_start3A_545 = arith.constant 0 : i32
      %dma_start3A_546 = arith.constant 0 : i32
      %dma_start3A_547 = tpu.memref_slice %arg2[%add3A, %dma_start3A_545, %dma_start3A_546] : memref<32x20x128xi32, #tpu.memory_space<hbm>> -> memref<1x20x128xi32, #tpu.memory_space<hbm>>
      %dma_start3A_548 = tpu.memref_squeeze %dma_start3A_547 : memref<1x20x128xi32, #tpu.memory_space<hbm>> -> memref<20x128xi32, #tpu.memory_space<hbm>>
      tpu.enqueue_dma source(%dma_start3A_548 : memref<20x128xi32, #tpu.memory_space<hbm>>) target(%arg5 : memref<20x128xi32, #tpu.memory_space<vmem>>) target_semaphore(%run_scoped3A_540 : memref<!tpu.dma_semaphore, #tpu.memory_space<semaphore_mem>>)
      %dma_wait3A_549 = arith.constant 0 : i32
      %dma_wait3A_550 = arith.constant 0 : i32
      %dma_wait3A_551 = tpu.memref_slice %arg2[%add3A, %dma_wait3A_549, %dma_wait3A_550] : memref<32x20x128xi32, #tpu.memory_space<hbm>> -> memref<1x20x128xi32, #tpu.memory_space<hbm>>
      %dma_wait3A_552 = tpu.memref_squeeze %dma_wait3A_551 : memref<1x20x128xi32, #tpu.memory_space<hbm>> -> memref<20x128xi32, #tpu.memory_space<hbm>>
      %dma_wait3A_553 = arith.constant 0 : i32
      %dma_wait3A_554 = arith.constant 0 : i32
      %dma_wait3A_555 = tpu.memref_slice %arg2[%add3A, %dma_wait3A_553, %dma_wait3A_554] : memref<32x20x128xi32, #tpu.memory_space<hbm>> -> memref<1x20x128xi32, #tpu.memory_space<hbm>>
      %dma_wait3A_556 = tpu.memref_squeeze %dma_wait3A_555 : memref<1x20x128xi32, #tpu.memory_space<hbm>> -> memref<20x128xi32, #tpu.memory_space<hbm>>
      tpu.wait_dma2 semaphore(%run_scoped3A_540 : memref<!tpu.dma_semaphore, #tpu.memory_space<semaphore_mem>>) src(%dma_wait3A_556 : memref<20x128xi32, #tpu.memory_space<hbm>>) dst(%arg5 : memref<20x128xi32, #tpu.memory_space<vmem>>)
      tpu.yield
    }) : () -> ()
    %dma_start3A = arith.constant 0 : i32
    %dma_start3A_3 = arith.constant 0 : i32
    %dma_start3A_4 = arith.constant 0 : i32
    %dma_start3A_5 = arith.constant 0 : i32
    %dma_start3A_6 = tpu.memref_slice %arg6[%dma_start3A_3, %dma_start3A_4, %dma_start3A_5] : memref<6x128x128xi32, #tpu.memory_space<vmem>> -> memref<1x128x128xi32, #tpu.memory_space<vmem>>
    %dma_start3A_7 = tpu.memref_squeeze %dma_start3A_6 : memref<1x128x128xi32, #tpu.memory_space<vmem>> -> memref<128x128xi32, #tpu.memory_space<vmem>>
    %dma_start3A_8 = arith.constant 0 : i32
    %dma_start3A_9 = tpu.memref_slice %arg5[%dma_start3A, %dma_start3A_8] : memref<20x128xi32, #tpu.memory_space<vmem>> -> memref<1x128xi32, #tpu.memory_space<vmem>>
    %dma_start3A_10 = tpu.memref_squeeze %dma_start3A_9 : memref<1x128xi32, #tpu.memory_space<vmem>> -> memref<128xi32, #tpu.memory_space<vmem>>
    %dma_start3A_11 = arith.constant 0 : i32
    %dma_start3A_12 = arith.constant 0 : i32
    %dma_start3A_13 = tpu.memref_slice %arg3[%dma_start3A_11, %dma_start3A_12] : memref<253952x128xi32, #tpu.memory_space<hbm>> -> memref<253952x128xi32, #tpu.memory_space<hbm>>
    tpu.enqueue_indirect_dma source(%dma_start3A_13 : memref<253952x128xi32, #tpu.memory_space<hbm>>) target(%dma_start3A_7 : memref<128x128xi32, #tpu.memory_space<vmem>>) offsets(%dma_start3A_10 : memref<128xi32, #tpu.memory_space<vmem>>) semaphore(%arg7 : memref<!tpu.dma_semaphore, #tpu.memory_space<semaphore_mem>>)
    %dma_start3A_14 = arith.constant 1 : i32
    %dma_start3A_15 = arith.constant 1 : i32
    %dma_start3A_16 = arith.constant 0 : i32
    %dma_start3A_17 = arith.constant 0 : i32
    %dma_start3A_18 = tpu.memref_slice %arg6[%dma_start3A_15, %dma_start3A_16, %dma_start3A_17] : memref<6x128x128xi32, #tpu.memory_space<vmem>> -> memref<1x128x128xi32, #tpu.memory_space<vmem>>
    %dma_start3A_19 = tpu.memref_squeeze %dma_start3A_18 : memref<1x128x128xi32, #tpu.memory_space<vmem>> -> memref<128x128xi32, #tpu.memory_space<vmem>>
    %dma_start3A_20 = arith.constant 0 : i32
    %dma_start3A_21 = tpu.memref_slice %arg5[%dma_start3A_14, %dma_start3A_20] : memref<20x128xi32, #tpu.memory_space<vmem>> -> memref<1x128xi32, #tpu.memory_space<vmem>>
    %dma_start3A_22 = tpu.memref_squeeze %dma_start3A_21 : memref<1x128xi32, #tpu.memory_space<vmem>> -> memref<128xi32, #tpu.memory_space<vmem>>
    %dma_start3A_23 = arith.constant 0 : i32
    %dma_start3A_24 = arith.constant 0 : i32
    %dma_start3A_25 = tpu.memref_slice %arg3[%dma_start3A_23, %dma_start3A_24] : memref<253952x128xi32, #tpu.memory_space<hbm>> -> memref<253952x128xi32, #tpu.memory_space<hbm>>
    tpu.enqueue_indirect_dma source(%dma_start3A_25 : memref<253952x128xi32, #tpu.memory_space<hbm>>) target(%dma_start3A_19 : memref<128x128xi32, #tpu.memory_space<vmem>>) offsets(%dma_start3A_22 : memref<128xi32, #tpu.memory_space<vmem>>) semaphore(%arg8 : memref<!tpu.dma_semaphore, #tpu.memory_space<semaphore_mem>>)
    %dma_start3A_26 = arith.constant 2 : i32
    %dma_start3A_27 = arith.constant 2 : i32
    %dma_start3A_28 = arith.constant 0 : i32
    %dma_start3A_29 = arith.constant 0 : i32
    %dma_start3A_30 = tpu.memref_slice %arg6[%dma_start3A_27, %dma_start3A_28, %dma_start3A_29] : memref<6x128x128xi32, #tpu.memory_space<vmem>> -> memref<1x128x128xi32, #tpu.memory_space<vmem>>
    %dma_start3A_31 = tpu.memref_squeeze %dma_start3A_30 : memref<1x128x128xi32, #tpu.memory_space<vmem>> -> memref<128x128xi32, #tpu.memory_space<vmem>>
    %dma_start3A_32 = arith.constant 0 : i32
    %dma_start3A_33 = tpu.memref_slice %arg5[%dma_start3A_26, %dma_start3A_32] : memref<20x128xi32, #tpu.memory_space<vmem>> -> memref<1x128xi32, #tpu.memory_space<vmem>>
    %dma_start3A_34 = tpu.memref_squeeze %dma_start3A_33 : memref<1x128xi32, #tpu.memory_space<vmem>> -> memref<128xi32, #tpu.memory_space<vmem>>
    %dma_start3A_35 = arith.constant 0 : i32
    %dma_start3A_36 = arith.constant 0 : i32
    %dma_start3A_37 = tpu.memref_slice %arg3[%dma_start3A_35, %dma_start3A_36] : memref<253952x128xi32, #tpu.memory_space<hbm>> -> memref<253952x128xi32, #tpu.memory_space<hbm>>
    tpu.enqueue_indirect_dma source(%dma_start3A_37 : memref<253952x128xi32, #tpu.memory_space<hbm>>) target(%dma_start3A_31 : memref<128x128xi32, #tpu.memory_space<vmem>>) offsets(%dma_start3A_34 : memref<128xi32, #tpu.memory_space<vmem>>) semaphore(%arg9 : memref<!tpu.dma_semaphore, #tpu.memory_space<semaphore_mem>>)
    %dma_start3A_38 = arith.constant 3 : i32
    %dma_start3A_39 = arith.constant 3 : i32
    %dma_start3A_40 = arith.constant 0 : i32
    %dma_start3A_41 = arith.constant 0 : i32
    %dma_start3A_42 = tpu.memref_slice %arg6[%dma_start3A_39, %dma_start3A_40, %dma_start3A_41] : memref<6x128x128xi32, #tpu.memory_space<vmem>> -> memref<1x128x128xi32, #tpu.memory_space<vmem>>
    %dma_start3A_43 = tpu.memref_squeeze %dma_start3A_42 : memref<1x128x128xi32, #tpu.memory_space<vmem>> -> memref<128x128xi32, #tpu.memory_space<vmem>>
    %dma_start3A_44 = arith.constant 0 : i32
    %dma_start3A_45 = tpu.memref_slice %arg5[%dma_start3A_38, %dma_start3A_44] : memref<20x128xi32, #tpu.memory_space<vmem>> -> memref<1x128xi32, #tpu.memory_space<vmem>>
    %dma_start3A_46 = tpu.memref_squeeze %dma_start3A_45 : memref<1x128xi32, #tpu.memory_space<vmem>> -> memref<128xi32, #tpu.memory_space<vmem>>
    %dma_start3A_47 = arith.constant 0 : i32
    %dma_start3A_48 = arith.constant 0 : i32
    %dma_start3A_49 = tpu.memref_slice %arg3[%dma_start3A_47, %dma_start3A_48] : memref<253952x128xi32, #tpu.memory_space<hbm>> -> memref<253952x128xi32, #tpu.memory_space<hbm>>
    tpu.enqueue_indirect_dma source(%dma_start3A_49 : memref<253952x128xi32, #tpu.memory_space<hbm>>) target(%dma_start3A_43 : memref<128x128xi32, #tpu.memory_space<vmem>>) offsets(%dma_start3A_46 : memref<128xi32, #tpu.memory_space<vmem>>) semaphore(%arg10 : memref<!tpu.dma_semaphore, #tpu.memory_space<semaphore_mem>>)
    %dma_start3A_50 = arith.constant 4 : i32
    %dma_start3A_51 = arith.constant 4 : i32
    %dma_start3A_52 = arith.constant 0 : i32
    %dma_start3A_53 = arith.constant 0 : i32
    %dma_start3A_54 = tpu.memref_slice %arg6[%dma_start3A_51, %dma_start3A_52, %dma_start3A_53] : memref<6x128x128xi32, #tpu.memory_space<vmem>> -> memref<1x128x128xi32, #tpu.memory_space<vmem>>
    %dma_start3A_55 = tpu.memref_squeeze %dma_start3A_54 : memref<1x128x128xi32, #tpu.memory_space<vmem>> -> memref<128x128xi32, #tpu.memory_space<vmem>>
    %dma_start3A_56 = arith.constant 0 : i32
    %dma_start3A_57 = tpu.memref_slice %arg5[%dma_start3A_50, %dma_start3A_56] : memref<20x128xi32, #tpu.memory_space<vmem>> -> memref<1x128xi32, #tpu.memory_space<vmem>>
    %dma_start3A_58 = tpu.memref_squeeze %dma_start3A_57 : memref<1x128xi32, #tpu.memory_space<vmem>> -> memref<128xi32, #tpu.memory_space<vmem>>
    %dma_start3A_59 = arith.constant 0 : i32
    %dma_start3A_60 = arith.constant 0 : i32
    %dma_start3A_61 = tpu.memref_slice %arg3[%dma_start3A_59, %dma_start3A_60] : memref<253952x128xi32, #tpu.memory_space<hbm>> -> memref<253952x128xi32, #tpu.memory_space<hbm>>
    tpu.enqueue_indirect_dma source(%dma_start3A_61 : memref<253952x128xi32, #tpu.memory_space<hbm>>) target(%dma_start3A_55 : memref<128x128xi32, #tpu.memory_space<vmem>>) offsets(%dma_start3A_58 : memref<128xi32, #tpu.memory_space<vmem>>) semaphore(%arg11 : memref<!tpu.dma_semaphore, #tpu.memory_space<semaphore_mem>>)
    %dma_start3A_62 = arith.constant 5 : i32
    %dma_start3A_63 = arith.constant 5 : i32
    %dma_start3A_64 = arith.constant 0 : i32
    %dma_start3A_65 = arith.constant 0 : i32
    %dma_start3A_66 = tpu.memref_slice %arg6[%dma_start3A_63, %dma_start3A_64, %dma_start3A_65] : memref<6x128x128xi32, #tpu.memory_space<vmem>> -> memref<1x128x128xi32, #tpu.memory_space<vmem>>
    %dma_start3A_67 = tpu.memref_squeeze %dma_start3A_66 : memref<1x128x128xi32, #tpu.memory_space<vmem>> -> memref<128x128xi32, #tpu.memory_space<vmem>>
    %dma_start3A_68 = arith.constant 0 : i32
    %dma_start3A_69 = tpu.memref_slice %arg5[%dma_start3A_62, %dma_start3A_68] : memref<20x128xi32, #tpu.memory_space<vmem>> -> memref<1x128xi32, #tpu.memory_space<vmem>>
    %dma_start3A_70 = tpu.memref_squeeze %dma_start3A_69 : memref<1x128xi32, #tpu.memory_space<vmem>> -> memref<128xi32, #tpu.memory_space<vmem>>
    %dma_start3A_71 = arith.constant 0 : i32
    %dma_start3A_72 = arith.constant 0 : i32
    %dma_start3A_73 = tpu.memref_slice %arg3[%dma_start3A_71, %dma_start3A_72] : memref<253952x128xi32, #tpu.memory_space<hbm>> -> memref<253952x128xi32, #tpu.memory_space<hbm>>
    tpu.enqueue_indirect_dma source(%dma_start3A_73 : memref<253952x128xi32, #tpu.memory_space<hbm>>) target(%dma_start3A_67 : memref<128x128xi32, #tpu.memory_space<vmem>>) offsets(%dma_start3A_70 : memref<128xi32, #tpu.memory_space<vmem>>) semaphore(%arg12 : memref<!tpu.dma_semaphore, #tpu.memory_space<semaphore_mem>>)
    %dma_wait3A = arith.constant 0 : i32
    %dma_wait3A_74 = arith.constant 0 : i32
    %dma_wait3A_75 = arith.constant 0 : i32
    %dma_wait3A_76 = arith.constant 0 : i32
    %dma_wait3A_77 = tpu.memref_slice %arg6[%dma_wait3A_74, %dma_wait3A_75, %dma_wait3A_76] : memref<6x128x128xi32, #tpu.memory_space<vmem>> -> memref<1x128x128xi32, #tpu.memory_space<vmem>>
    %dma_wait3A_78 = tpu.memref_squeeze %dma_wait3A_77 : memref<1x128x128xi32, #tpu.memory_space<vmem>> -> memref<128x128xi32, #tpu.memory_space<vmem>>
    %dma_wait3A_79 = arith.constant 0 : i32
    %dma_wait3A_80 = tpu.memref_slice %arg5[%dma_wait3A, %dma_wait3A_79] : memref<20x128xi32, #tpu.memory_space<vmem>> -> memref<1x128xi32, #tpu.memory_space<vmem>>
    %dma_wait3A_81 = tpu.memref_squeeze %dma_wait3A_80 : memref<1x128xi32, #tpu.memory_space<vmem>> -> memref<128xi32, #tpu.memory_space<vmem>>
    %dma_wait3A_82 = arith.constant 0 : i32
    %dma_wait3A_83 = arith.constant 0 : i32
    %dma_wait3A_84 = tpu.memref_slice %arg3[%dma_wait3A_82, %dma_wait3A_83] : memref<253952x128xi32, #tpu.memory_space<hbm>> -> memref<253952x128xi32, #tpu.memory_space<hbm>>
    tpu.wait_indirect_dma semaphore(%arg7 : memref<!tpu.dma_semaphore, #tpu.memory_space<semaphore_mem>>) src(%dma_wait3A_84 : memref<253952x128xi32, #tpu.memory_space<hbm>>) dst(%dma_wait3A_78 : memref<128x128xi32, #tpu.memory_space<vmem>>)
    %add3A_85 = arith.constant 0 : i32
    %add3A_86 = arith.addi %mul3A_2, %add3A_85 : i32
    %run_scoped3A = arith.constant 0 : i32
    "tpu.region"() ({
      %run_scoped3A_540 = tpu.sem_alloc : memref<!tpu.dma_semaphore, #tpu.memory_space<semaphore_mem>>
      %dma_start3A_541 = arith.constant 0 : i32
      %dma_start3A_542 = arith.constant 0 : i32
      %dma_start3A_543 = tpu.memref_slice %arg6[%run_scoped3A, %dma_start3A_541, %dma_start3A_542] : memref<6x128x128xi32, #tpu.memory_space<vmem>> -> memref<1x128x128xi32, #tpu.memory_space<vmem>>
      %dma_start3A_544 = tpu.memref_squeeze %dma_start3A_543 : memref<1x128x128xi32, #tpu.memory_space<vmem>> -> memref<128x128xi32, #tpu.memory_space<vmem>>
      %dma_start3A_545 = arith.constant 0 : i32
      %dma_start3A_546 = tpu.memref_slice %arg4[%add3A_86, %dma_start3A_545] : memref<81920x128xi32, #tpu.memory_space<hbm>> -> memref<128x128xi32, #tpu.memory_space<hbm>>
      %dma_start3A_547 = arith.constant 0 : i32
      %dma_start3A_548 = tpu.memref_slice %arg4[%add3A_86, %dma_start3A_547] : memref<81920x128xi32, #tpu.memory_space<hbm>> -> memref<128x128xi32, #tpu.memory_space<hbm>>
      %dma_start3A_549 = arith.constant 0 : i32
      %dma_start3A_550 = arith.constant 0 : i32
      %dma_start3A_551 = tpu.memref_slice %arg6[%run_scoped3A, %dma_start3A_549, %dma_start3A_550] : memref<6x128x128xi32, #tpu.memory_space<vmem>> -> memref<1x128x128xi32, #tpu.memory_space<vmem>>
      %dma_start3A_552 = tpu.memref_squeeze %dma_start3A_551 : memref<1x128x128xi32, #tpu.memory_space<vmem>> -> memref<128x128xi32, #tpu.memory_space<vmem>>
      tpu.enqueue_dma source(%dma_start3A_552 : memref<128x128xi32, #tpu.memory_space<vmem>>) target(%dma_start3A_548 : memref<128x128xi32, #tpu.memory_space<hbm>>) target_semaphore(%run_scoped3A_540 : memref<!tpu.dma_semaphore, #tpu.memory_space<semaphore_mem>>)
      %dma_wait3A_553 = arith.constant 0 : i32
      %dma_wait3A_554 = arith.constant 0 : i32
      %dma_wait3A_555 = tpu.memref_slice %arg6[%run_scoped3A, %dma_wait3A_553, %dma_wait3A_554] : memref<6x128x128xi32, #tpu.memory_space<vmem>> -> memref<1x128x128xi32, #tpu.memory_space<vmem>>
      %dma_wait3A_556 = tpu.memref_squeeze %dma_wait3A_555 : memref<1x128x128xi32, #tpu.memory_space<vmem>> -> memref<128x128xi32, #tpu.memory_space<vmem>>
      %dma_wait3A_557 = arith.constant 0 : i32
      %dma_wait3A_558 = tpu.memref_slice %arg4[%add3A_86, %dma_wait3A_557] : memref<81920x128xi32, #tpu.memory_space<hbm>> -> memref<128x128xi32, #tpu.memory_space<hbm>>
      %dma_wait3A_559 = arith.constant 0 : i32
      %dma_wait3A_560 = tpu.memref_slice %arg4[%add3A_86, %dma_wait3A_559] : memref<81920x128xi32, #tpu.memory_space<hbm>> -> memref<128x128xi32, #tpu.memory_space<hbm>>
      %dma_wait3A_561 = arith.constant 0 : i32
      %dma_wait3A_562 = arith.constant 0 : i32
      %dma_wait3A_563 = tpu.memref_slice %arg6[%run_scoped3A, %dma_wait3A_561, %dma_wait3A_562] : memref<6x128x128xi32, #tpu.memory_space<vmem>> -> memref<1x128x128xi32, #tpu.memory_space<vmem>>
      %dma_wait3A_564 = tpu.memref_squeeze %dma_wait3A_563 : memref<1x128x128xi32, #tpu.memory_space<vmem>> -> memref<128x128xi32, #tpu.memory_space<vmem>>
      tpu.wait_dma2 semaphore(%run_scoped3A_540 : memref<!tpu.dma_semaphore, #tpu.memory_space<semaphore_mem>>) src(%dma_wait3A_564 : memref<128x128xi32, #tpu.memory_space<vmem>>) dst(%dma_wait3A_560 : memref<128x128xi32, #tpu.memory_space<hbm>>)
      tpu.yield
    }) : () -> ()
    %dma_start3A_87 = arith.constant 6 : i32
    %dma_start3A_88 = arith.constant 0 : i32
    %dma_start3A_89 = arith.constant 0 : i32
    %dma_start3A_90 = arith.constant 0 : i32
    %dma_start3A_91 = tpu.memref_slice %arg6[%dma_start3A_88, %dma_start3A_89, %dma_start3A_90] : memref<6x128x128xi32, #tpu.memory_space<vmem>> -> memref<1x128x128xi32, #tpu.memory_space<vmem>>
    %dma_start3A_92 = tpu.memref_squeeze %dma_start3A_91 : memref<1x128x128xi32, #tpu.memory_space<vmem>> -> memref<128x128xi32, #tpu.memory_space<vmem>>
    %dma_start3A_93 = arith.constant 0 : i32
    %dma_start3A_94 = tpu.memref_slice %arg5[%dma_start3A_87, %dma_start3A_93] : memref<20x128xi32, #tpu.memory_space<vmem>> -> memref<1x128xi32, #tpu.memory_space<vmem>>
    %dma_start3A_95 = tpu.memref_squeeze %dma_start3A_94 : memref<1x128xi32, #tpu.memory_space<vmem>> -> memref<128xi32, #tpu.memory_space<vmem>>
    %dma_start3A_96 = arith.constant 0 : i32
    %dma_start3A_97 = arith.constant 0 : i32
    %dma_start3A_98 = tpu.memref_slice %arg3[%dma_start3A_96, %dma_start3A_97] : memref<253952x128xi32, #tpu.memory_space<hbm>> -> memref<253952x128xi32, #tpu.memory_space<hbm>>
    tpu.enqueue_indirect_dma source(%dma_start3A_98 : memref<253952x128xi32, #tpu.memory_space<hbm>>) target(%dma_start3A_92 : memref<128x128xi32, #tpu.memory_space<vmem>>) offsets(%dma_start3A_95 : memref<128xi32, #tpu.memory_space<vmem>>) semaphore(%arg7 : memref<!tpu.dma_semaphore, #tpu.memory_space<semaphore_mem>>)
    %dma_wait3A_99 = arith.constant 1 : i32
    %dma_wait3A_100 = arith.constant 1 : i32
    %dma_wait3A_101 = arith.constant 0 : i32
    %dma_wait3A_102 = arith.constant 0 : i32
    %dma_wait3A_103 = tpu.memref_slice %arg6[%dma_wait3A_100, %dma_wait3A_101, %dma_wait3A_102] : memref<6x128x128xi32, #tpu.memory_space<vmem>> -> memref<1x128x128xi32, #tpu.memory_space<vmem>>
    %dma_wait3A_104 = tpu.memref_squeeze %dma_wait3A_103 : memref<1x128x128xi32, #tpu.memory_space<vmem>> -> memref<128x128xi32, #tpu.memory_space<vmem>>
    %dma_wait3A_105 = arith.constant 0 : i32
    %dma_wait3A_106 = tpu.memref_slice %arg5[%dma_wait3A_99, %dma_wait3A_105] : memref<20x128xi32, #tpu.memory_space<vmem>> -> memref<1x128xi32, #tpu.memory_space<vmem>>
    %dma_wait3A_107 = tpu.memref_squeeze %dma_wait3A_106 : memref<1x128xi32, #tpu.memory_space<vmem>> -> memref<128xi32, #tpu.memory_space<vmem>>
    %dma_wait3A_108 = arith.constant 0 : i32
    %dma_wait3A_109 = arith.constant 0 : i32
    %dma_wait3A_110 = tpu.memref_slice %arg3[%dma_wait3A_108, %dma_wait3A_109] : memref<253952x128xi32, #tpu.memory_space<hbm>> -> memref<253952x128xi32, #tpu.memory_space<hbm>>
    tpu.wait_indirect_dma semaphore(%arg8 : memref<!tpu.dma_semaphore, #tpu.memory_space<semaphore_mem>>) src(%dma_wait3A_110 : memref<253952x128xi32, #tpu.memory_space<hbm>>) dst(%dma_wait3A_104 : memref<128x128xi32, #tpu.memory_space<vmem>>)
    %add3A_111 = arith.constant 128 : i32
    %add3A_112 = arith.addi %mul3A_2, %add3A_111 : i32
    %run_scoped3A_113 = arith.constant 1 : i32
    "tpu.region"() ({
      %run_scoped3A_540 = tpu.sem_alloc : memref<!tpu.dma_semaphore, #tpu.memory_space<semaphore_mem>>
      %dma_start3A_541 = arith.constant 0 : i32
      %dma_start3A_542 = arith.constant 0 : i32
      %dma_start3A_543 = tpu.memref_slice %arg6[%run_scoped3A_113, %dma_start3A_541, %dma_start3A_542] : memref<6x128x128xi32, #tpu.memory_space<vmem>> -> memref<1x128x128xi32, #tpu.memory_space<vmem>>
      %dma_start3A_544 = tpu.memref_squeeze %dma_start3A_543 : memref<1x128x128xi32, #tpu.memory_space<vmem>> -> memref<128x128xi32, #tpu.memory_space<vmem>>
      %dma_start3A_545 = arith.constant 0 : i32
      %dma_start3A_546 = tpu.memref_slice %arg4[%add3A_112, %dma_start3A_545] : memref<81920x128xi32, #tpu.memory_space<hbm>> -> memref<128x128xi32, #tpu.memory_space<hbm>>
      %dma_start3A_547 = arith.constant 0 : i32
      %dma_start3A_548 = tpu.memref_slice %arg4[%add3A_112, %dma_start3A_547] : memref<81920x128xi32, #tpu.memory_space<hbm>> -> memref<128x128xi32, #tpu.memory_space<hbm>>
      %dma_start3A_549 = arith.constant 0 : i32
      %dma_start3A_550 = arith.constant 0 : i32
      %dma_start3A_551 = tpu.memref_slice %arg6[%run_scoped3A_113, %dma_start3A_549, %dma_start3A_550] : memref<6x128x128xi32, #tpu.memory_space<vmem>> -> memref<1x128x128xi32, #tpu.memory_space<vmem>>
      %dma_start3A_552 = tpu.memref_squeeze %dma_start3A_551 : memref<1x128x128xi32, #tpu.memory_space<vmem>> -> memref<128x128xi32, #tpu.memory_space<vmem>>
      tpu.enqueue_dma source(%dma_start3A_552 : memref<128x128xi32, #tpu.memory_space<vmem>>) target(%dma_start3A_548 : memref<128x128xi32, #tpu.memory_space<hbm>>) target_semaphore(%run_scoped3A_540 : memref<!tpu.dma_semaphore, #tpu.memory_space<semaphore_mem>>)
      %dma_wait3A_553 = arith.constant 0 : i32
      %dma_wait3A_554 = arith.constant 0 : i32
      %dma_wait3A_555 = tpu.memref_slice %arg6[%run_scoped3A_113, %dma_wait3A_553, %dma_wait3A_554] : memref<6x128x128xi32, #tpu.memory_space<vmem>> -> memref<1x128x128xi32, #tpu.memory_space<vmem>>
      %dma_wait3A_556 = tpu.memref_squeeze %dma_wait3A_555 : memref<1x128x128xi32, #tpu.memory_space<vmem>> -> memref<128x128xi32, #tpu.memory_space<vmem>>
      %dma_wait3A_557 = arith.constant 0 : i32
      %dma_wait3A_558 = tpu.memref_slice %arg4[%add3A_112, %dma_wait3A_557] : memref<81920x128xi32, #tpu.memory_space<hbm>> -> memref<128x128xi32, #tpu.memory_space<hbm>>
      %dma_wait3A_559 = arith.constant 0 : i32
      %dma_wait3A_560 = tpu.memref_slice %arg4[%add3A_112, %dma_wait3A_559] : memref<81920x128xi32, #tpu.memory_space<hbm>> -> memref<128x128xi32, #tpu.memory_space<hbm>>
      %dma_wait3A_561 = arith.constant 0 : i32
      %dma_wait3A_562 = arith.constant 0 : i32
      %dma_wait3A_563 = tpu.memref_slice %arg6[%run_scoped3A_113, %dma_wait3A_561, %dma_wait3A_562] : memref<6x128x128xi32, #tpu.memory_space<vmem>> -> memref<1x128x128xi32, #tpu.memory_space<vmem>>
      %dma_wait3A_564 = tpu.memref_squeeze %dma_wait3A_563 : memref<1x128x128xi32, #tpu.memory_space<vmem>> -> memref<128x128xi32, #tpu.memory_space<vmem>>
      tpu.wait_dma2 semaphore(%run_scoped3A_540 : memref<!tpu.dma_semaphore, #tpu.memory_space<semaphore_mem>>) src(%dma_wait3A_564 : memref<128x128xi32, #tpu.memory_space<vmem>>) dst(%dma_wait3A_560 : memref<128x128xi32, #tpu.memory_space<hbm>>)
      tpu.yield
    }) : () -> ()
    %dma_start3A_114 = arith.constant 7 : i32
    %dma_start3A_115 = arith.constant 1 : i32
    %dma_start3A_116 = arith.constant 0 : i32
    %dma_start3A_117 = arith.constant 0 : i32
    %dma_start3A_118 = tpu.memref_slice %arg6[%dma_start3A_115, %dma_start3A_116, %dma_start3A_117] : memref<6x128x128xi32, #tpu.memory_space<vmem>> -> memref<1x128x128xi32, #tpu.memory_space<vmem>>
    %dma_start3A_119 = tpu.memref_squeeze %dma_start3A_118 : memref<1x128x128xi32, #tpu.memory_space<vmem>> -> memref<128x128xi32, #tpu.memory_space<vmem>>
    %dma_start3A_120 = arith.constant 0 : i32
    %dma_start3A_121 = tpu.memref_slice %arg5[%dma_start3A_114, %dma_start3A_120] : memref<20x128xi32, #tpu.memory_space<vmem>> -> memref<1x128xi32, #tpu.memory_space<vmem>>
    %dma_start3A_122 = tpu.memref_squeeze %dma_start3A_121 : memref<1x128xi32, #tpu.memory_space<vmem>> -> memref<128xi32, #tpu.memory_space<vmem>>
    %dma_start3A_123 = arith.constant 0 : i32
    %dma_start3A_124 = arith.constant 0 : i32
    %dma_start3A_125 = tpu.memref_slice %arg3[%dma_start3A_123, %dma_start3A_124] : memref<253952x128xi32, #tpu.memory_space<hbm>> -> memref<253952x128xi32, #tpu.memory_space<hbm>>
    tpu.enqueue_indirect_dma source(%dma_start3A_125 : memref<253952x128xi32, #tpu.memory_space<hbm>>) target(%dma_start3A_119 : memref<128x128xi32, #tpu.memory_space<vmem>>) offsets(%dma_start3A_122 : memref<128xi32, #tpu.memory_space<vmem>>) semaphore(%arg8 : memref<!tpu.dma_semaphore, #tpu.memory_space<semaphore_mem>>)
    %dma_wait3A_126 = arith.constant 2 : i32
    %dma_wait3A_127 = arith.constant 2 : i32
    %dma_wait3A_128 = arith.constant 0 : i32
    %dma_wait3A_129 = arith.constant 0 : i32
    %dma_wait3A_130 = tpu.memref_slice %arg6[%dma_wait3A_127, %dma_wait3A_128, %dma_wait3A_129] : memref<6x128x128xi32, #tpu.memory_space<vmem>> -> memref<1x128x128xi32, #tpu.memory_space<vmem>>
    %dma_wait3A_131 = tpu.memref_squeeze %dma_wait3A_130 : memref<1x128x128xi32, #tpu.memory_space<vmem>> -> memref<128x128xi32, #tpu.memory_space<vmem>>
    %dma_wait3A_132 = arith.constant 0 : i32
    %dma_wait3A_133 = tpu.memref_slice %arg5[%dma_wait3A_126, %dma_wait3A_132] : memref<20x128xi32, #tpu.memory_space<vmem>> -> memref<1x128xi32, #tpu.memory_space<vmem>>
    %dma_wait3A_134 = tpu.memref_squeeze %dma_wait3A_133 : memref<1x128xi32, #tpu.memory_space<vmem>> -> memref<128xi32, #tpu.memory_space<vmem>>
    %dma_wait3A_135 = arith.constant 0 : i32
    %dma_wait3A_136 = arith.constant 0 : i32
    %dma_wait3A_137 = tpu.memref_slice %arg3[%dma_wait3A_135, %dma_wait3A_136] : memref<253952x128xi32, #tpu.memory_space<hbm>> -> memref<253952x128xi32, #tpu.memory_space<hbm>>
    tpu.wait_indirect_dma semaphore(%arg9 : memref<!tpu.dma_semaphore, #tpu.memory_space<semaphore_mem>>) src(%dma_wait3A_137 : memref<253952x128xi32, #tpu.memory_space<hbm>>) dst(%dma_wait3A_131 : memref<128x128xi32, #tpu.memory_space<vmem>>)
    %add3A_138 = arith.constant 256 : i32
    %add3A_139 = arith.addi %mul3A_2, %add3A_138 : i32
    %run_scoped3A_140 = arith.constant 2 : i32
    "tpu.region"() ({
      %run_scoped3A_540 = tpu.sem_alloc : memref<!tpu.dma_semaphore, #tpu.memory_space<semaphore_mem>>
      %dma_start3A_541 = arith.constant 0 : i32
      %dma_start3A_542 = arith.constant 0 : i32
      %dma_start3A_543 = tpu.memref_slice %arg6[%run_scoped3A_140, %dma_start3A_541, %dma_start3A_542] : memref<6x128x128xi32, #tpu.memory_space<vmem>> -> memref<1x128x128xi32, #tpu.memory_space<vmem>>
      %dma_start3A_544 = tpu.memref_squeeze %dma_start3A_543 : memref<1x128x128xi32, #tpu.memory_space<vmem>> -> memref<128x128xi32, #tpu.memory_space<vmem>>
      %dma_start3A_545 = arith.constant 0 : i32
      %dma_start3A_546 = tpu.memref_slice %arg4[%add3A_139, %dma_start3A_545] : memref<81920x128xi32, #tpu.memory_space<hbm>> -> memref<128x128xi32, #tpu.memory_space<hbm>>
      %dma_start3A_547 = arith.constant 0 : i32
      %dma_start3A_548 = tpu.memref_slice %arg4[%add3A_139, %dma_start3A_547] : memref<81920x128xi32, #tpu.memory_space<hbm>> -> memref<128x128xi32, #tpu.memory_space<hbm>>
      %dma_start3A_549 = arith.constant 0 : i32
      %dma_start3A_550 = arith.constant 0 : i32
      %dma_start3A_551 = tpu.memref_slice %arg6[%run_scoped3A_140, %dma_start3A_549, %dma_start3A_550] : memref<6x128x128xi32, #tpu.memory_space<vmem>> -> memref<1x128x128xi32, #tpu.memory_space<vmem>>
      %dma_start3A_552 = tpu.memref_squeeze %dma_start3A_551 : memref<1x128x128xi32, #tpu.memory_space<vmem>> -> memref<128x128xi32, #tpu.memory_space<vmem>>
      tpu.enqueue_dma source(%dma_start3A_552 : memref<128x128xi32, #tpu.memory_space<vmem>>) target(%dma_start3A_548 : memref<128x128xi32, #tpu.memory_space<hbm>>) target_semaphore(%run_scoped3A_540 : memref<!tpu.dma_semaphore, #tpu.memory_space<semaphore_mem>>)
      %dma_wait3A_553 = arith.constant 0 : i32
      %dma_wait3A_554 = arith.constant 0 : i32
      %dma_wait3A_555 = tpu.memref_slice %arg6[%run_scoped3A_140, %dma_wait3A_553, %dma_wait3A_554] : memref<6x128x128xi32, #tpu.memory_space<vmem>> -> memref<1x128x128xi32, #tpu.memory_space<vmem>>
      %dma_wait3A_556 = tpu.memref_squeeze %dma_wait3A_555 : memref<1x128x128xi32, #tpu.memory_space<vmem>> -> memref<128x128xi32, #tpu.memory_space<vmem>>
      %dma_wait3A_557 = arith.constant 0 : i32
      %dma_wait3A_558 = tpu.memref_slice %arg4[%add3A_139, %dma_wait3A_557] : memref<81920x128xi32, #tpu.memory_space<hbm>> -> memref<128x128xi32, #tpu.memory_space<hbm>>
      %dma_wait3A_559 = arith.constant 0 : i32
      %dma_wait3A_560 = tpu.memref_slice %arg4[%add3A_139, %dma_wait3A_559] : memref<81920x128xi32, #tpu.memory_space<hbm>> -> memref<128x128xi32, #tpu.memory_space<hbm>>
      %dma_wait3A_561 = arith.constant 0 : i32
      %dma_wait3A_562 = arith.constant 0 : i32
      %dma_wait3A_563 = tpu.memref_slice %arg6[%run_scoped3A_140, %dma_wait3A_561, %dma_wait3A_562] : memref<6x128x128xi32, #tpu.memory_space<vmem>> -> memref<1x128x128xi32, #tpu.memory_space<vmem>>
      %dma_wait3A_564 = tpu.memref_squeeze %dma_wait3A_563 : memref<1x128x128xi32, #tpu.memory_space<vmem>> -> memref<128x128xi32, #tpu.memory_space<vmem>>
      tpu.wait_dma2 semaphore(%run_scoped3A_540 : memref<!tpu.dma_semaphore, #tpu.memory_space<semaphore_mem>>) src(%dma_wait3A_564 : memref<128x128xi32, #tpu.memory_space<vmem>>) dst(%dma_wait3A_560 : memref<128x128xi32, #tpu.memory_space<hbm>>)
      tpu.yield
    }) : () -> ()
    %dma_start3A_141 = arith.constant 8 : i32
    %dma_start3A_142 = arith.constant 2 : i32
    %dma_start3A_143 = arith.constant 0 : i32
    %dma_start3A_144 = arith.constant 0 : i32
    %dma_start3A_145 = tpu.memref_slice %arg6[%dma_start3A_142, %dma_start3A_143, %dma_start3A_144] : memref<6x128x128xi32, #tpu.memory_space<vmem>> -> memref<1x128x128xi32, #tpu.memory_space<vmem>>
    %dma_start3A_146 = tpu.memref_squeeze %dma_start3A_145 : memref<1x128x128xi32, #tpu.memory_space<vmem>> -> memref<128x128xi32, #tpu.memory_space<vmem>>
    %dma_start3A_147 = arith.constant 0 : i32
    %dma_start3A_148 = tpu.memref_slice %arg5[%dma_start3A_141, %dma_start3A_147] : memref<20x128xi32, #tpu.memory_space<vmem>> -> memref<1x128xi32, #tpu.memory_space<vmem>>
    %dma_start3A_149 = tpu.memref_squeeze %dma_start3A_148 : memref<1x128xi32, #tpu.memory_space<vmem>> -> memref<128xi32, #tpu.memory_space<vmem>>
    %dma_start3A_150 = arith.constant 0 : i32
    %dma_start3A_151 = arith.constant 0 : i32
    %dma_start3A_152 = tpu.memref_slice %arg3[%dma_start3A_150, %dma_start3A_151] : memref<253952x128xi32, #tpu.memory_space<hbm>> -> memref<253952x128xi32, #tpu.memory_space<hbm>>
    tpu.enqueue_indirect_dma source(%dma_start3A_152 : memref<253952x128xi32, #tpu.memory_space<hbm>>) target(%dma_start3A_146 : memref<128x128xi32, #tpu.memory_space<vmem>>) offsets(%dma_start3A_149 : memref<128xi32, #tpu.memory_space<vmem>>) semaphore(%arg9 : memref<!tpu.dma_semaphore, #tpu.memory_space<semaphore_mem>>)
    %dma_wait3A_153 = arith.constant 3 : i32
    %dma_wait3A_154 = arith.constant 3 : i32
    %dma_wait3A_155 = arith.constant 0 : i32
    %dma_wait3A_156 = arith.constant 0 : i32
    %dma_wait3A_157 = tpu.memref_slice %arg6[%dma_wait3A_154, %dma_wait3A_155, %dma_wait3A_156] : memref<6x128x128xi32, #tpu.memory_space<vmem>> -> memref<1x128x128xi32, #tpu.memory_space<vmem>>
    %dma_wait3A_158 = tpu.memref_squeeze %dma_wait3A_157 : memref<1x128x128xi32, #tpu.memory_space<vmem>> -> memref<128x128xi32, #tpu.memory_space<vmem>>
    %dma_wait3A_159 = arith.constant 0 : i32
    %dma_wait3A_160 = tpu.memref_slice %arg5[%dma_wait3A_153, %dma_wait3A_159] : memref<20x128xi32, #tpu.memory_space<vmem>> -> memref<1x128xi32, #tpu.memory_space<vmem>>
    %dma_wait3A_161 = tpu.memref_squeeze %dma_wait3A_160 : memref<1x128xi32, #tpu.memory_space<vmem>> -> memref<128xi32, #tpu.memory_space<vmem>>
    %dma_wait3A_162 = arith.constant 0 : i32
    %dma_wait3A_163 = arith.constant 0 : i32
    %dma_wait3A_164 = tpu.memref_slice %arg3[%dma_wait3A_162, %dma_wait3A_163] : memref<253952x128xi32, #tpu.memory_space<hbm>> -> memref<253952x128xi32, #tpu.memory_space<hbm>>
    tpu.wait_indirect_dma semaphore(%arg10 : memref<!tpu.dma_semaphore, #tpu.memory_space<semaphore_mem>>) src(%dma_wait3A_164 : memref<253952x128xi32, #tpu.memory_space<hbm>>) dst(%dma_wait3A_158 : memref<128x128xi32, #tpu.memory_space<vmem>>)
    %add3A_165 = arith.constant 384 : i32
    %add3A_166 = arith.addi %mul3A_2, %add3A_165 : i32
    %run_scoped3A_167 = arith.constant 3 : i32
    "tpu.region"() ({
      %run_scoped3A_540 = tpu.sem_alloc : memref<!tpu.dma_semaphore, #tpu.memory_space<semaphore_mem>>
      %dma_start3A_541 = arith.constant 0 : i32
      %dma_start3A_542 = arith.constant 0 : i32
      %dma_start3A_543 = tpu.memref_slice %arg6[%run_scoped3A_167, %dma_start3A_541, %dma_start3A_542] : memref<6x128x128xi32, #tpu.memory_space<vmem>> -> memref<1x128x128xi32, #tpu.memory_space<vmem>>
      %dma_start3A_544 = tpu.memref_squeeze %dma_start3A_543 : memref<1x128x128xi32, #tpu.memory_space<vmem>> -> memref<128x128xi32, #tpu.memory_space<vmem>>
      %dma_start3A_545 = arith.constant 0 : i32
      %dma_start3A_546 = tpu.memref_slice %arg4[%add3A_166, %dma_start3A_545] : memref<81920x128xi32, #tpu.memory_space<hbm>> -> memref<128x128xi32, #tpu.memory_space<hbm>>
      %dma_start3A_547 = arith.constant 0 : i32
      %dma_start3A_548 = tpu.memref_slice %arg4[%add3A_166, %dma_start3A_547] : memref<81920x128xi32, #tpu.memory_space<hbm>> -> memref<128x128xi32, #tpu.memory_space<hbm>>
      %dma_start3A_549 = arith.constant 0 : i32
      %dma_start3A_550 = arith.constant 0 : i32
      %dma_start3A_551 = tpu.memref_slice %arg6[%run_scoped3A_167, %dma_start3A_549, %dma_start3A_550] : memref<6x128x128xi32, #tpu.memory_space<vmem>> -> memref<1x128x128xi32, #tpu.memory_space<vmem>>
      %dma_start3A_552 = tpu.memref_squeeze %dma_start3A_551 : memref<1x128x128xi32, #tpu.memory_space<vmem>> -> memref<128x128xi32, #tpu.memory_space<vmem>>
      tpu.enqueue_dma source(%dma_start3A_552 : memref<128x128xi32, #tpu.memory_space<vmem>>) target(%dma_start3A_548 : memref<128x128xi32, #tpu.memory_space<hbm>>) target_semaphore(%run_scoped3A_540 : memref<!tpu.dma_semaphore, #tpu.memory_space<semaphore_mem>>)
      %dma_wait3A_553 = arith.constant 0 : i32
      %dma_wait3A_554 = arith.constant 0 : i32
      %dma_wait3A_555 = tpu.memref_slice %arg6[%run_scoped3A_167, %dma_wait3A_553, %dma_wait3A_554] : memref<6x128x128xi32, #tpu.memory_space<vmem>> -> memref<1x128x128xi32, #tpu.memory_space<vmem>>
      %dma_wait3A_556 = tpu.memref_squeeze %dma_wait3A_555 : memref<1x128x128xi32, #tpu.memory_space<vmem>> -> memref<128x128xi32, #tpu.memory_space<vmem>>
      %dma_wait3A_557 = arith.constant 0 : i32
      %dma_wait3A_558 = tpu.memref_slice %arg4[%add3A_166, %dma_wait3A_557] : memref<81920x128xi32, #tpu.memory_space<hbm>> -> memref<128x128xi32, #tpu.memory_space<hbm>>
      %dma_wait3A_559 = arith.constant 0 : i32
      %dma_wait3A_560 = tpu.memref_slice %arg4[%add3A_166, %dma_wait3A_559] : memref<81920x128xi32, #tpu.memory_space<hbm>> -> memref<128x128xi32, #tpu.memory_space<hbm>>
      %dma_wait3A_561 = arith.constant 0 : i32
      %dma_wait3A_562 = arith.constant 0 : i32
      %dma_wait3A_563 = tpu.memref_slice %arg6[%run_scoped3A_167, %dma_wait3A_561, %dma_wait3A_562] : memref<6x128x128xi32, #tpu.memory_space<vmem>> -> memref<1x128x128xi32, #tpu.memory_space<vmem>>
      %dma_wait3A_564 = tpu.memref_squeeze %dma_wait3A_563 : memref<1x128x128xi32, #tpu.memory_space<vmem>> -> memref<128x128xi32, #tpu.memory_space<vmem>>
      tpu.wait_dma2 semaphore(%run_scoped3A_540 : memref<!tpu.dma_semaphore, #tpu.memory_space<semaphore_mem>>) src(%dma_wait3A_564 : memref<128x128xi32, #tpu.memory_space<vmem>>) dst(%dma_wait3A_560 : memref<128x128xi32, #tpu.memory_space<hbm>>)
      tpu.yield
    }) : () -> ()
    %dma_start3A_168 = arith.constant 9 : i32
    %dma_start3A_169 = arith.constant 3 : i32
    %dma_start3A_170 = arith.constant 0 : i32
    %dma_start3A_171 = arith.constant 0 : i32
    %dma_start3A_172 = tpu.memref_slice %arg6[%dma_start3A_169, %dma_start3A_170, %dma_start3A_171] : memref<6x128x128xi32, #tpu.memory_space<vmem>> -> memref<1x128x128xi32, #tpu.memory_space<vmem>>
    %dma_start3A_173 = tpu.memref_squeeze %dma_start3A_172 : memref<1x128x128xi32, #tpu.memory_space<vmem>> -> memref<128x128xi32, #tpu.memory_space<vmem>>
    %dma_start3A_174 = arith.constant 0 : i32
    %dma_start3A_175 = tpu.memref_slice %arg5[%dma_start3A_168, %dma_start3A_174] : memref<20x128xi32, #tpu.memory_space<vmem>> -> memref<1x128xi32, #tpu.memory_space<vmem>>
    %dma_start3A_176 = tpu.memref_squeeze %dma_start3A_175 : memref<1x128xi32, #tpu.memory_space<vmem>> -> memref<128xi32, #tpu.memory_space<vmem>>
    %dma_start3A_177 = arith.constant 0 : i32
    %dma_start3A_178 = arith.constant 0 : i32
    %dma_start3A_179 = tpu.memref_slice %arg3[%dma_start3A_177, %dma_start3A_178] : memref<253952x128xi32, #tpu.memory_space<hbm>> -> memref<253952x128xi32, #tpu.memory_space<hbm>>
    tpu.enqueue_indirect_dma source(%dma_start3A_179 : memref<253952x128xi32, #tpu.memory_space<hbm>>) target(%dma_start3A_173 : memref<128x128xi32, #tpu.memory_space<vmem>>) offsets(%dma_start3A_176 : memref<128xi32, #tpu.memory_space<vmem>>) semaphore(%arg10 : memref<!tpu.dma_semaphore, #tpu.memory_space<semaphore_mem>>)
    %dma_wait3A_180 = arith.constant 4 : i32
    %dma_wait3A_181 = arith.constant 4 : i32
    %dma_wait3A_182 = arith.constant 0 : i32
    %dma_wait3A_183 = arith.constant 0 : i32
    %dma_wait3A_184 = tpu.memref_slice %arg6[%dma_wait3A_181, %dma_wait3A_182, %dma_wait3A_183] : memref<6x128x128xi32, #tpu.memory_space<vmem>> -> memref<1x128x128xi32, #tpu.memory_space<vmem>>
    %dma_wait3A_185 = tpu.memref_squeeze %dma_wait3A_184 : memref<1x128x128xi32, #tpu.memory_space<vmem>> -> memref<128x128xi32, #tpu.memory_space<vmem>>
    %dma_wait3A_186 = arith.constant 0 : i32
    %dma_wait3A_187 = tpu.memref_slice %arg5[%dma_wait3A_180, %dma_wait3A_186] : memref<20x128xi32, #tpu.memory_space<vmem>> -> memref<1x128xi32, #tpu.memory_space<vmem>>
    %dma_wait3A_188 = tpu.memref_squeeze %dma_wait3A_187 : memref<1x128xi32, #tpu.memory_space<vmem>> -> memref<128xi32, #tpu.memory_space<vmem>>
    %dma_wait3A_189 = arith.constant 0 : i32
    %dma_wait3A_190 = arith.constant 0 : i32
    %dma_wait3A_191 = tpu.memref_slice %arg3[%dma_wait3A_189, %dma_wait3A_190] : memref<253952x128xi32, #tpu.memory_space<hbm>> -> memref<253952x128xi32, #tpu.memory_space<hbm>>
    tpu.wait_indirect_dma semaphore(%arg11 : memref<!tpu.dma_semaphore, #tpu.memory_space<semaphore_mem>>) src(%dma_wait3A_191 : memref<253952x128xi32, #tpu.memory_space<hbm>>) dst(%dma_wait3A_185 : memref<128x128xi32, #tpu.memory_space<vmem>>)
    %add3A_192 = arith.constant 512 : i32
    %add3A_193 = arith.addi %mul3A_2, %add3A_192 : i32
    %run_scoped3A_194 = arith.constant 4 : i32
    "tpu.region"() ({
      %run_scoped3A_540 = tpu.sem_alloc : memref<!tpu.dma_semaphore, #tpu.memory_space<semaphore_mem>>
      %dma_start3A_541 = arith.constant 0 : i32
      %dma_start3A_542 = arith.constant 0 : i32
      %dma_start3A_543 = tpu.memref_slice %arg6[%run_scoped3A_194, %dma_start3A_541, %dma_start3A_542] : memref<6x128x128xi32, #tpu.memory_space<vmem>> -> memref<1x128x128xi32, #tpu.memory_space<vmem>>
      %dma_start3A_544 = tpu.memref_squeeze %dma_start3A_543 : memref<1x128x128xi32, #tpu.memory_space<vmem>> -> memref<128x128xi32, #tpu.memory_space<vmem>>
      %dma_start3A_545 = arith.constant 0 : i32
      %dma_start3A_546 = tpu.memref_slice %arg4[%add3A_193, %dma_start3A_545] : memref<81920x128xi32, #tpu.memory_space<hbm>> -> memref<128x128xi32, #tpu.memory_space<hbm>>
      %dma_start3A_547 = arith.constant 0 : i32
      %dma_start3A_548 = tpu.memref_slice %arg4[%add3A_193, %dma_start3A_547] : memref<81920x128xi32, #tpu.memory_space<hbm>> -> memref<128x128xi32, #tpu.memory_space<hbm>>
      %dma_start3A_549 = arith.constant 0 : i32
      %dma_start3A_550 = arith.constant 0 : i32
      %dma_start3A_551 = tpu.memref_slice %arg6[%run_scoped3A_194, %dma_start3A_549, %dma_start3A_550] : memref<6x128x128xi32, #tpu.memory_space<vmem>> -> memref<1x128x128xi32, #tpu.memory_space<vmem>>
      %dma_start3A_552 = tpu.memref_squeeze %dma_start3A_551 : memref<1x128x128xi32, #tpu.memory_space<vmem>> -> memref<128x128xi32, #tpu.memory_space<vmem>>
      tpu.enqueue_dma source(%dma_start3A_552 : memref<128x128xi32, #tpu.memory_space<vmem>>) target(%dma_start3A_548 : memref<128x128xi32, #tpu.memory_space<hbm>>) target_semaphore(%run_scoped3A_540 : memref<!tpu.dma_semaphore, #tpu.memory_space<semaphore_mem>>)
      %dma_wait3A_553 = arith.constant 0 : i32
      %dma_wait3A_554 = arith.constant 0 : i32
      %dma_wait3A_555 = tpu.memref_slice %arg6[%run_scoped3A_194, %dma_wait3A_553, %dma_wait3A_554] : memref<6x128x128xi32, #tpu.memory_space<vmem>> -> memref<1x128x128xi32, #tpu.memory_space<vmem>>
      %dma_wait3A_556 = tpu.memref_squeeze %dma_wait3A_555 : memref<1x128x128xi32, #tpu.memory_space<vmem>> -> memref<128x128xi32, #tpu.memory_space<vmem>>
      %dma_wait3A_557 = arith.constant 0 : i32
      %dma_wait3A_558 = tpu.memref_slice %arg4[%add3A_193, %dma_wait3A_557] : memref<81920x128xi32, #tpu.memory_space<hbm>> -> memref<128x128xi32, #tpu.memory_space<hbm>>
      %dma_wait3A_559 = arith.constant 0 : i32
      %dma_wait3A_560 = tpu.memref_slice %arg4[%add3A_193, %dma_wait3A_559] : memref<81920x128xi32, #tpu.memory_space<hbm>> -> memref<128x128xi32, #tpu.memory_space<hbm>>
      %dma_wait3A_561 = arith.constant 0 : i32
      %dma_wait3A_562 = arith.constant 0 : i32
      %dma_wait3A_563 = tpu.memref_slice %arg6[%run_scoped3A_194, %dma_wait3A_561, %dma_wait3A_562] : memref<6x128x128xi32, #tpu.memory_space<vmem>> -> memref<1x128x128xi32, #tpu.memory_space<vmem>>
      %dma_wait3A_564 = tpu.memref_squeeze %dma_wait3A_563 : memref<1x128x128xi32, #tpu.memory_space<vmem>> -> memref<128x128xi32, #tpu.memory_space<vmem>>
      tpu.wait_dma2 semaphore(%run_scoped3A_540 : memref<!tpu.dma_semaphore, #tpu.memory_space<semaphore_mem>>) src(%dma_wait3A_564 : memref<128x128xi32, #tpu.memory_space<vmem>>) dst(%dma_wait3A_560 : memref<128x128xi32, #tpu.memory_space<hbm>>)
      tpu.yield
    }) : () -> ()
    %dma_start3A_195 = arith.constant 10 : i32
    %dma_start3A_196 = arith.constant 4 : i32
    %dma_start3A_197 = arith.constant 0 : i32
    %dma_start3A_198 = arith.constant 0 : i32
    %dma_start3A_199 = tpu.memref_slice %arg6[%dma_start3A_196, %dma_start3A_197, %dma_start3A_198] : memref<6x128x128xi32, #tpu.memory_space<vmem>> -> memref<1x128x128xi32, #tpu.memory_space<vmem>>
    %dma_start3A_200 = tpu.memref_squeeze %dma_start3A_199 : memref<1x128x128xi32, #tpu.memory_space<vmem>> -> memref<128x128xi32, #tpu.memory_space<vmem>>
    %dma_start3A_201 = arith.constant 0 : i32
    %dma_start3A_202 = tpu.memref_slice %arg5[%dma_start3A_195, %dma_start3A_201] : memref<20x128xi32, #tpu.memory_space<vmem>> -> memref<1x128xi32, #tpu.memory_space<vmem>>
    %dma_start3A_203 = tpu.memref_squeeze %dma_start3A_202 : memref<1x128xi32, #tpu.memory_space<vmem>> -> memref<128xi32, #tpu.memory_space<vmem>>
    %dma_start3A_204 = arith.constant 0 : i32
    %dma_start3A_205 = arith.constant 0 : i32
    %dma_start3A_206 = tpu.memref_slice %arg3[%dma_start3A_204, %dma_start3A_205] : memref<253952x128xi32, #tpu.memory_space<hbm>> -> memref<253952x128xi32, #tpu.memory_space<hbm>>
    tpu.enqueue_indirect_dma source(%dma_start3A_206 : memref<253952x128xi32, #tpu.memory_space<hbm>>) target(%dma_start3A_200 : memref<128x128xi32, #tpu.memory_space<vmem>>) offsets(%dma_start3A_203 : memref<128xi32, #tpu.memory_space<vmem>>) semaphore(%arg11 : memref<!tpu.dma_semaphore, #tpu.memory_space<semaphore_mem>>)
    %dma_wait3A_207 = arith.constant 5 : i32
    %dma_wait3A_208 = arith.constant 5 : i32
    %dma_wait3A_209 = arith.constant 0 : i32
    %dma_wait3A_210 = arith.constant 0 : i32
    %dma_wait3A_211 = tpu.memref_slice %arg6[%dma_wait3A_208, %dma_wait3A_209, %dma_wait3A_210] : memref<6x128x128xi32, #tpu.memory_space<vmem>> -> memref<1x128x128xi32, #tpu.memory_space<vmem>>
    %dma_wait3A_212 = tpu.memref_squeeze %dma_wait3A_211 : memref<1x128x128xi32, #tpu.memory_space<vmem>> -> memref<128x128xi32, #tpu.memory_space<vmem>>
    %dma_wait3A_213 = arith.constant 0 : i32
    %dma_wait3A_214 = tpu.memref_slice %arg5[%dma_wait3A_207, %dma_wait3A_213] : memref<20x128xi32, #tpu.memory_space<vmem>> -> memref<1x128xi32, #tpu.memory_space<vmem>>
    %dma_wait3A_215 = tpu.memref_squeeze %dma_wait3A_214 : memref<1x128xi32, #tpu.memory_space<vmem>> -> memref<128xi32, #tpu.memory_space<vmem>>
    %dma_wait3A_216 = arith.constant 0 : i32
    %dma_wait3A_217 = arith.constant 0 : i32
    %dma_wait3A_218 = tpu.memref_slice %arg3[%dma_wait3A_216, %dma_wait3A_217] : memref<253952x128xi32, #tpu.memory_space<hbm>> -> memref<253952x128xi32, #tpu.memory_space<hbm>>
    tpu.wait_indirect_dma semaphore(%arg12 : memref<!tpu.dma_semaphore, #tpu.memory_space<semaphore_mem>>) src(%dma_wait3A_218 : memref<253952x128xi32, #tpu.memory_space<hbm>>) dst(%dma_wait3A_212 : memref<128x128xi32, #tpu.memory_space<vmem>>)
    %add3A_219 = arith.constant 640 : i32
    %add3A_220 = arith.addi %mul3A_2, %add3A_219 : i32
    %run_scoped3A_221 = arith.constant 5 : i32
    "tpu.region"() ({
      %run_scoped3A_540 = tpu.sem_alloc : memref<!tpu.dma_semaphore, #tpu.memory_space<semaphore_mem>>
      %dma_start3A_541 = arith.constant 0 : i32
      %dma_start3A_542 = arith.constant 0 : i32
      %dma_start3A_543 = tpu.memref_slice %arg6[%run_scoped3A_221, %dma_start3A_541, %dma_start3A_542] : memref<6x128x128xi32, #tpu.memory_space<vmem>> -> memref<1x128x128xi32, #tpu.memory_space<vmem>>
      %dma_start3A_544 = tpu.memref_squeeze %dma_start3A_543 : memref<1x128x128xi32, #tpu.memory_space<vmem>> -> memref<128x128xi32, #tpu.memory_space<vmem>>
      %dma_start3A_545 = arith.constant 0 : i32
      %dma_start3A_546 = tpu.memref_slice %arg4[%add3A_220, %dma_start3A_545] : memref<81920x128xi32, #tpu.memory_space<hbm>> -> memref<128x128xi32, #tpu.memory_space<hbm>>
      %dma_start3A_547 = arith.constant 0 : i32
      %dma_start3A_548 = tpu.memref_slice %arg4[%add3A_220, %dma_start3A_547] : memref<81920x128xi32, #tpu.memory_space<hbm>> -> memref<128x128xi32, #tpu.memory_space<hbm>>
      %dma_start3A_549 = arith.constant 0 : i32
      %dma_start3A_550 = arith.constant 0 : i32
      %dma_start3A_551 = tpu.memref_slice %arg6[%run_scoped3A_221, %dma_start3A_549, %dma_start3A_550] : memref<6x128x128xi32, #tpu.memory_space<vmem>> -> memref<1x128x128xi32, #tpu.memory_space<vmem>>
      %dma_start3A_552 = tpu.memref_squeeze %dma_start3A_551 : memref<1x128x128xi32, #tpu.memory_space<vmem>> -> memref<128x128xi32, #tpu.memory_space<vmem>>
      tpu.enqueue_dma source(%dma_start3A_552 : memref<128x128xi32, #tpu.memory_space<vmem>>) target(%dma_start3A_548 : memref<128x128xi32, #tpu.memory_space<hbm>>) target_semaphore(%run_scoped3A_540 : memref<!tpu.dma_semaphore, #tpu.memory_space<semaphore_mem>>)
      %dma_wait3A_553 = arith.constant 0 : i32
      %dma_wait3A_554 = arith.constant 0 : i32
      %dma_wait3A_555 = tpu.memref_slice %arg6[%run_scoped3A_221, %dma_wait3A_553, %dma_wait3A_554] : memref<6x128x128xi32, #tpu.memory_space<vmem>> -> memref<1x128x128xi32, #tpu.memory_space<vmem>>
      %dma_wait3A_556 = tpu.memref_squeeze %dma_wait3A_555 : memref<1x128x128xi32, #tpu.memory_space<vmem>> -> memref<128x128xi32, #tpu.memory_space<vmem>>
      %dma_wait3A_557 = arith.constant 0 : i32
      %dma_wait3A_558 = tpu.memref_slice %arg4[%add3A_220, %dma_wait3A_557] : memref<81920x128xi32, #tpu.memory_space<hbm>> -> memref<128x128xi32, #tpu.memory_space<hbm>>
      %dma_wait3A_559 = arith.constant 0 : i32
      %dma_wait3A_560 = tpu.memref_slice %arg4[%add3A_220, %dma_wait3A_559] : memref<81920x128xi32, #tpu.memory_space<hbm>> -> memref<128x128xi32, #tpu.memory_space<hbm>>
      %dma_wait3A_561 = arith.constant 0 : i32
      %dma_wait3A_562 = arith.constant 0 : i32
      %dma_wait3A_563 = tpu.memref_slice %arg6[%run_scoped3A_221, %dma_wait3A_561, %dma_wait3A_562] : memref<6x128x128xi32, #tpu.memory_space<vmem>> -> memref<1x128x128xi32, #tpu.memory_space<vmem>>
      %dma_wait3A_564 = tpu.memref_squeeze %dma_wait3A_563 : memref<1x128x128xi32, #tpu.memory_space<vmem>> -> memref<128x128xi32, #tpu.memory_space<vmem>>
      tpu.wait_dma2 semaphore(%run_scoped3A_540 : memref<!tpu.dma_semaphore, #tpu.memory_space<semaphore_mem>>) src(%dma_wait3A_564 : memref<128x128xi32, #tpu.memory_space<vmem>>) dst(%dma_wait3A_560 : memref<128x128xi32, #tpu.memory_space<hbm>>)
      tpu.yield
    }) : () -> ()
    %dma_start3A_222 = arith.constant 11 : i32
    %dma_start3A_223 = arith.constant 5 : i32
    %dma_start3A_224 = arith.constant 0 : i32
    %dma_start3A_225 = arith.constant 0 : i32
    %dma_start3A_226 = tpu.memref_slice %arg6[%dma_start3A_223, %dma_start3A_224, %dma_start3A_225] : memref<6x128x128xi32, #tpu.memory_space<vmem>> -> memref<1x128x128xi32, #tpu.memory_space<vmem>>
    %dma_start3A_227 = tpu.memref_squeeze %dma_start3A_226 : memref<1x128x128xi32, #tpu.memory_space<vmem>> -> memref<128x128xi32, #tpu.memory_space<vmem>>
    %dma_start3A_228 = arith.constant 0 : i32
    %dma_start3A_229 = tpu.memref_slice %arg5[%dma_start3A_222, %dma_start3A_228] : memref<20x128xi32, #tpu.memory_space<vmem>> -> memref<1x128xi32, #tpu.memory_space<vmem>>
    %dma_start3A_230 = tpu.memref_squeeze %dma_start3A_229 : memref<1x128xi32, #tpu.memory_space<vmem>> -> memref<128xi32, #tpu.memory_space<vmem>>
    %dma_start3A_231 = arith.constant 0 : i32
    %dma_start3A_232 = arith.constant 0 : i32
    %dma_start3A_233 = tpu.memref_slice %arg3[%dma_start3A_231, %dma_start3A_232] : memref<253952x128xi32, #tpu.memory_space<hbm>> -> memref<253952x128xi32, #tpu.memory_space<hbm>>
    tpu.enqueue_indirect_dma source(%dma_start3A_233 : memref<253952x128xi32, #tpu.memory_space<hbm>>) target(%dma_start3A_227 : memref<128x128xi32, #tpu.memory_space<vmem>>) offsets(%dma_start3A_230 : memref<128xi32, #tpu.memory_space<vmem>>) semaphore(%arg12 : memref<!tpu.dma_semaphore, #tpu.memory_space<semaphore_mem>>)
    %dma_wait3A_234 = arith.constant 6 : i32
    %dma_wait3A_235 = arith.constant 0 : i32
    %dma_wait3A_236 = arith.constant 0 : i32
    %dma_wait3A_237 = arith.constant 0 : i32
    %dma_wait3A_238 = tpu.memref_slice %arg6[%dma_wait3A_235, %dma_wait3A_236, %dma_wait3A_237] : memref<6x128x128xi32, #tpu.memory_space<vmem>> -> memref<1x128x128xi32, #tpu.memory_space<vmem>>
    %dma_wait3A_239 = tpu.memref_squeeze %dma_wait3A_238 : memref<1x128x128xi32, #tpu.memory_space<vmem>> -> memref<128x128xi32, #tpu.memory_space<vmem>>
    %dma_wait3A_240 = arith.constant 0 : i32
    %dma_wait3A_241 = tpu.memref_slice %arg5[%dma_wait3A_234, %dma_wait3A_240] : memref<20x128xi32, #tpu.memory_space<vmem>> -> memref<1x128xi32, #tpu.memory_space<vmem>>
    %dma_wait3A_242 = tpu.memref_squeeze %dma_wait3A_241 : memref<1x128xi32, #tpu.memory_space<vmem>> -> memref<128xi32, #tpu.memory_space<vmem>>
    %dma_wait3A_243 = arith.constant 0 : i32
    %dma_wait3A_244 = arith.constant 0 : i32
    %dma_wait3A_245 = tpu.memref_slice %arg3[%dma_wait3A_243, %dma_wait3A_244] : memref<253952x128xi32, #tpu.memory_space<hbm>> -> memref<253952x128xi32, #tpu.memory_space<hbm>>
    tpu.wait_indirect_dma semaphore(%arg7 : memref<!tpu.dma_semaphore, #tpu.memory_space<semaphore_mem>>) src(%dma_wait3A_245 : memref<253952x128xi32, #tpu.memory_space<hbm>>) dst(%dma_wait3A_239 : memref<128x128xi32, #tpu.memory_space<vmem>>)
    %add3A_246 = arith.constant 768 : i32
    %add3A_247 = arith.addi %mul3A_2, %add3A_246 : i32
    %run_scoped3A_248 = arith.constant 0 : i32
    "tpu.region"() ({
      %run_scoped3A_540 = tpu.sem_alloc : memref<!tpu.dma_semaphore, #tpu.memory_space<semaphore_mem>>
      %dma_start3A_541 = arith.constant 0 : i32
      %dma_start3A_542 = arith.constant 0 : i32
      %dma_start3A_543 = tpu.memref_slice %arg6[%run_scoped3A_248, %dma_start3A_541, %dma_start3A_542] : memref<6x128x128xi32, #tpu.memory_space<vmem>> -> memref<1x128x128xi32, #tpu.memory_space<vmem>>
      %dma_start3A_544 = tpu.memref_squeeze %dma_start3A_543 : memref<1x128x128xi32, #tpu.memory_space<vmem>> -> memref<128x128xi32, #tpu.memory_space<vmem>>
      %dma_start3A_545 = arith.constant 0 : i32
      %dma_start3A_546 = tpu.memref_slice %arg4[%add3A_247, %dma_start3A_545] : memref<81920x128xi32, #tpu.memory_space<hbm>> -> memref<128x128xi32, #tpu.memory_space<hbm>>
      %dma_start3A_547 = arith.constant 0 : i32
      %dma_start3A_548 = tpu.memref_slice %arg4[%add3A_247, %dma_start3A_547] : memref<81920x128xi32, #tpu.memory_space<hbm>> -> memref<128x128xi32, #tpu.memory_space<hbm>>
      %dma_start3A_549 = arith.constant 0 : i32
      %dma_start3A_550 = arith.constant 0 : i32
      %dma_start3A_551 = tpu.memref_slice %arg6[%run_scoped3A_248, %dma_start3A_549, %dma_start3A_550] : memref<6x128x128xi32, #tpu.memory_space<vmem>> -> memref<1x128x128xi32, #tpu.memory_space<vmem>>
      %dma_start3A_552 = tpu.memref_squeeze %dma_start3A_551 : memref<1x128x128xi32, #tpu.memory_space<vmem>> -> memref<128x128xi32, #tpu.memory_space<vmem>>
      tpu.enqueue_dma source(%dma_start3A_552 : memref<128x128xi32, #tpu.memory_space<vmem>>) target(%dma_start3A_548 : memref<128x128xi32, #tpu.memory_space<hbm>>) target_semaphore(%run_scoped3A_540 : memref<!tpu.dma_semaphore, #tpu.memory_space<semaphore_mem>>)
      %dma_wait3A_553 = arith.constant 0 : i32
      %dma_wait3A_554 = arith.constant 0 : i32
      %dma_wait3A_555 = tpu.memref_slice %arg6[%run_scoped3A_248, %dma_wait3A_553, %dma_wait3A_554] : memref<6x128x128xi32, #tpu.memory_space<vmem>> -> memref<1x128x128xi32, #tpu.memory_space<vmem>>
      %dma_wait3A_556 = tpu.memref_squeeze %dma_wait3A_555 : memref<1x128x128xi32, #tpu.memory_space<vmem>> -> memref<128x128xi32, #tpu.memory_space<vmem>>
      %dma_wait3A_557 = arith.constant 0 : i32
      %dma_wait3A_558 = tpu.memref_slice %arg4[%add3A_247, %dma_wait3A_557] : memref<81920x128xi32, #tpu.memory_space<hbm>> -> memref<128x128xi32, #tpu.memory_space<hbm>>
      %dma_wait3A_559 = arith.constant 0 : i32
      %dma_wait3A_560 = tpu.memref_slice %arg4[%add3A_247, %dma_wait3A_559] : memref<81920x128xi32, #tpu.memory_space<hbm>> -> memref<128x128xi32, #tpu.memory_space<hbm>>
      %dma_wait3A_561 = arith.constant 0 : i32
      %dma_wait3A_562 = arith.constant 0 : i32
      %dma_wait3A_563 = tpu.memref_slice %arg6[%run_scoped3A_248, %dma_wait3A_561, %dma_wait3A_562] : memref<6x128x128xi32, #tpu.memory_space<vmem>> -> memref<1x128x128xi32, #tpu.memory_space<vmem>>
      %dma_wait3A_564 = tpu.memref_squeeze %dma_wait3A_563 : memref<1x128x128xi32, #tpu.memory_space<vmem>> -> memref<128x128xi32, #tpu.memory_space<vmem>>
      tpu.wait_dma2 semaphore(%run_scoped3A_540 : memref<!tpu.dma_semaphore, #tpu.memory_space<semaphore_mem>>) src(%dma_wait3A_564 : memref<128x128xi32, #tpu.memory_space<vmem>>) dst(%dma_wait3A_560 : memref<128x128xi32, #tpu.memory_space<hbm>>)
      tpu.yield
    }) : () -> ()
    %dma_start3A_249 = arith.constant 12 : i32
    %dma_start3A_250 = arith.constant 0 : i32
    %dma_start3A_251 = arith.constant 0 : i32
    %dma_start3A_252 = arith.constant 0 : i32
    %dma_start3A_253 = tpu.memref_slice %arg6[%dma_start3A_250, %dma_start3A_251, %dma_start3A_252] : memref<6x128x128xi32, #tpu.memory_space<vmem>> -> memref<1x128x128xi32, #tpu.memory_space<vmem>>
    %dma_start3A_254 = tpu.memref_squeeze %dma_start3A_253 : memref<1x128x128xi32, #tpu.memory_space<vmem>> -> memref<128x128xi32, #tpu.memory_space<vmem>>
    %dma_start3A_255 = arith.constant 0 : i32
    %dma_start3A_256 = tpu.memref_slice %arg5[%dma_start3A_249, %dma_start3A_255] : memref<20x128xi32, #tpu.memory_space<vmem>> -> memref<1x128xi32, #tpu.memory_space<vmem>>
    %dma_start3A_257 = tpu.memref_squeeze %dma_start3A_256 : memref<1x128xi32, #tpu.memory_space<vmem>> -> memref<128xi32, #tpu.memory_space<vmem>>
    %dma_start3A_258 = arith.constant 0 : i32
    %dma_start3A_259 = arith.constant 0 : i32
    %dma_start3A_260 = tpu.memref_slice %arg3[%dma_start3A_258, %dma_start3A_259] : memref<253952x128xi32, #tpu.memory_space<hbm>> -> memref<253952x128xi32, #tpu.memory_space<hbm>>
    tpu.enqueue_indirect_dma source(%dma_start3A_260 : memref<253952x128xi32, #tpu.memory_space<hbm>>) target(%dma_start3A_254 : memref<128x128xi32, #tpu.memory_space<vmem>>) offsets(%dma_start3A_257 : memref<128xi32, #tpu.memory_space<vmem>>) semaphore(%arg7 : memref<!tpu.dma_semaphore, #tpu.memory_space<semaphore_mem>>)
    %dma_wait3A_261 = arith.constant 7 : i32
    %dma_wait3A_262 = arith.constant 1 : i32
    %dma_wait3A_263 = arith.constant 0 : i32
    %dma_wait3A_264 = arith.constant 0 : i32
    %dma_wait3A_265 = tpu.memref_slice %arg6[%dma_wait3A_262, %dma_wait3A_263, %dma_wait3A_264] : memref<6x128x128xi32, #tpu.memory_space<vmem>> -> memref<1x128x128xi32, #tpu.memory_space<vmem>>
    %dma_wait3A_266 = tpu.memref_squeeze %dma_wait3A_265 : memref<1x128x128xi32, #tpu.memory_space<vmem>> -> memref<128x128xi32, #tpu.memory_space<vmem>>
    %dma_wait3A_267 = arith.constant 0 : i32
    %dma_wait3A_268 = tpu.memref_slice %arg5[%dma_wait3A_261, %dma_wait3A_267] : memref<20x128xi32, #tpu.memory_space<vmem>> -> memref<1x128xi32, #tpu.memory_space<vmem>>
    %dma_wait3A_269 = tpu.memref_squeeze %dma_wait3A_268 : memref<1x128xi32, #tpu.memory_space<vmem>> -> memref<128xi32, #tpu.memory_space<vmem>>
    %dma_wait3A_270 = arith.constant 0 : i32
    %dma_wait3A_271 = arith.constant 0 : i32
    %dma_wait3A_272 = tpu.memref_slice %arg3[%dma_wait3A_270, %dma_wait3A_271] : memref<253952x128xi32, #tpu.memory_space<hbm>> -> memref<253952x128xi32, #tpu.memory_space<hbm>>
    tpu.wait_indirect_dma semaphore(%arg8 : memref<!tpu.dma_semaphore, #tpu.memory_space<semaphore_mem>>) src(%dma_wait3A_272 : memref<253952x128xi32, #tpu.memory_space<hbm>>) dst(%dma_wait3A_266 : memref<128x128xi32, #tpu.memory_space<vmem>>)
    %add3A_273 = arith.constant 896 : i32
    %add3A_274 = arith.addi %mul3A_2, %add3A_273 : i32
    %run_scoped3A_275 = arith.constant 1 : i32
    "tpu.region"() ({
      %run_scoped3A_540 = tpu.sem_alloc : memref<!tpu.dma_semaphore, #tpu.memory_space<semaphore_mem>>
      %dma_start3A_541 = arith.constant 0 : i32
      %dma_start3A_542 = arith.constant 0 : i32
      %dma_start3A_543 = tpu.memref_slice %arg6[%run_scoped3A_275, %dma_start3A_541, %dma_start3A_542] : memref<6x128x128xi32, #tpu.memory_space<vmem>> -> memref<1x128x128xi32, #tpu.memory_space<vmem>>
      %dma_start3A_544 = tpu.memref_squeeze %dma_start3A_543 : memref<1x128x128xi32, #tpu.memory_space<vmem>> -> memref<128x128xi32, #tpu.memory_space<vmem>>
      %dma_start3A_545 = arith.constant 0 : i32
      %dma_start3A_546 = tpu.memref_slice %arg4[%add3A_274, %dma_start3A_545] : memref<81920x128xi32, #tpu.memory_space<hbm>> -> memref<128x128xi32, #tpu.memory_space<hbm>>
      %dma_start3A_547 = arith.constant 0 : i32
      %dma_start3A_548 = tpu.memref_slice %arg4[%add3A_274, %dma_start3A_547] : memref<81920x128xi32, #tpu.memory_space<hbm>> -> memref<128x128xi32, #tpu.memory_space<hbm>>
      %dma_start3A_549 = arith.constant 0 : i32
      %dma_start3A_550 = arith.constant 0 : i32
      %dma_start3A_551 = tpu.memref_slice %arg6[%run_scoped3A_275, %dma_start3A_549, %dma_start3A_550] : memref<6x128x128xi32, #tpu.memory_space<vmem>> -> memref<1x128x128xi32, #tpu.memory_space<vmem>>
      %dma_start3A_552 = tpu.memref_squeeze %dma_start3A_551 : memref<1x128x128xi32, #tpu.memory_space<vmem>> -> memref<128x128xi32, #tpu.memory_space<vmem>>
      tpu.enqueue_dma source(%dma_start3A_552 : memref<128x128xi32, #tpu.memory_space<vmem>>) target(%dma_start3A_548 : memref<128x128xi32, #tpu.memory_space<hbm>>) target_semaphore(%run_scoped3A_540 : memref<!tpu.dma_semaphore, #tpu.memory_space<semaphore_mem>>)
      %dma_wait3A_553 = arith.constant 0 : i32
      %dma_wait3A_554 = arith.constant 0 : i32
      %dma_wait3A_555 = tpu.memref_slice %arg6[%run_scoped3A_275, %dma_wait3A_553, %dma_wait3A_554] : memref<6x128x128xi32, #tpu.memory_space<vmem>> -> memref<1x128x128xi32, #tpu.memory_space<vmem>>
      %dma_wait3A_556 = tpu.memref_squeeze %dma_wait3A_555 : memref<1x128x128xi32, #tpu.memory_space<vmem>> -> memref<128x128xi32, #tpu.memory_space<vmem>>
      %dma_wait3A_557 = arith.constant 0 : i32
      %dma_wait3A_558 = tpu.memref_slice %arg4[%add3A_274, %dma_wait3A_557] : memref<81920x128xi32, #tpu.memory_space<hbm>> -> memref<128x128xi32, #tpu.memory_space<hbm>>
      %dma_wait3A_559 = arith.constant 0 : i32
      %dma_wait3A_560 = tpu.memref_slice %arg4[%add3A_274, %dma_wait3A_559] : memref<81920x128xi32, #tpu.memory_space<hbm>> -> memref<128x128xi32, #tpu.memory_space<hbm>>
      %dma_wait3A_561 = arith.constant 0 : i32
      %dma_wait3A_562 = arith.constant 0 : i32
      %dma_wait3A_563 = tpu.memref_slice %arg6[%run_scoped3A_275, %dma_wait3A_561, %dma_wait3A_562] : memref<6x128x128xi32, #tpu.memory_space<vmem>> -> memref<1x128x128xi32, #tpu.memory_space<vmem>>
      %dma_wait3A_564 = tpu.memref_squeeze %dma_wait3A_563 : memref<1x128x128xi32, #tpu.memory_space<vmem>> -> memref<128x128xi32, #tpu.memory_space<vmem>>
      tpu.wait_dma2 semaphore(%run_scoped3A_540 : memref<!tpu.dma_semaphore, #tpu.memory_space<semaphore_mem>>) src(%dma_wait3A_564 : memref<128x128xi32, #tpu.memory_space<vmem>>) dst(%dma_wait3A_560 : memref<128x128xi32, #tpu.memory_space<hbm>>)
      tpu.yield
    }) : () -> ()
    %dma_start3A_276 = arith.constant 13 : i32
    %dma_start3A_277 = arith.constant 1 : i32
    %dma_start3A_278 = arith.constant 0 : i32
    %dma_start3A_279 = arith.constant 0 : i32
    %dma_start3A_280 = tpu.memref_slice %arg6[%dma_start3A_277, %dma_start3A_278, %dma_start3A_279] : memref<6x128x128xi32, #tpu.memory_space<vmem>> -> memref<1x128x128xi32, #tpu.memory_space<vmem>>
    %dma_start3A_281 = tpu.memref_squeeze %dma_start3A_280 : memref<1x128x128xi32, #tpu.memory_space<vmem>> -> memref<128x128xi32, #tpu.memory_space<vmem>>
    %dma_start3A_282 = arith.constant 0 : i32
    %dma_start3A_283 = tpu.memref_slice %arg5[%dma_start3A_276, %dma_start3A_282] : memref<20x128xi32, #tpu.memory_space<vmem>> -> memref<1x128xi32, #tpu.memory_space<vmem>>
    %dma_start3A_284 = tpu.memref_squeeze %dma_start3A_283 : memref<1x128xi32, #tpu.memory_space<vmem>> -> memref<128xi32, #tpu.memory_space<vmem>>
    %dma_start3A_285 = arith.constant 0 : i32
    %dma_start3A_286 = arith.constant 0 : i32
    %dma_start3A_287 = tpu.memref_slice %arg3[%dma_start3A_285, %dma_start3A_286] : memref<253952x128xi32, #tpu.memory_space<hbm>> -> memref<253952x128xi32, #tpu.memory_space<hbm>>
    tpu.enqueue_indirect_dma source(%dma_start3A_287 : memref<253952x128xi32, #tpu.memory_space<hbm>>) target(%dma_start3A_281 : memref<128x128xi32, #tpu.memory_space<vmem>>) offsets(%dma_start3A_284 : memref<128xi32, #tpu.memory_space<vmem>>) semaphore(%arg8 : memref<!tpu.dma_semaphore, #tpu.memory_space<semaphore_mem>>)
    %dma_wait3A_288 = arith.constant 8 : i32
    %dma_wait3A_289 = arith.constant 2 : i32
    %dma_wait3A_290 = arith.constant 0 : i32
    %dma_wait3A_291 = arith.constant 0 : i32
    %dma_wait3A_292 = tpu.memref_slice %arg6[%dma_wait3A_289, %dma_wait3A_290, %dma_wait3A_291] : memref<6x128x128xi32, #tpu.memory_space<vmem>> -> memref<1x128x128xi32, #tpu.memory_space<vmem>>
    %dma_wait3A_293 = tpu.memref_squeeze %dma_wait3A_292 : memref<1x128x128xi32, #tpu.memory_space<vmem>> -> memref<128x128xi32, #tpu.memory_space<vmem>>
    %dma_wait3A_294 = arith.constant 0 : i32
    %dma_wait3A_295 = tpu.memref_slice %arg5[%dma_wait3A_288, %dma_wait3A_294] : memref<20x128xi32, #tpu.memory_space<vmem>> -> memref<1x128xi32, #tpu.memory_space<vmem>>
    %dma_wait3A_296 = tpu.memref_squeeze %dma_wait3A_295 : memref<1x128xi32, #tpu.memory_space<vmem>> -> memref<128xi32, #tpu.memory_space<vmem>>
    %dma_wait3A_297 = arith.constant 0 : i32
    %dma_wait3A_298 = arith.constant 0 : i32
    %dma_wait3A_299 = tpu.memref_slice %arg3[%dma_wait3A_297, %dma_wait3A_298] : memref<253952x128xi32, #tpu.memory_space<hbm>> -> memref<253952x128xi32, #tpu.memory_space<hbm>>
    tpu.wait_indirect_dma semaphore(%arg9 : memref<!tpu.dma_semaphore, #tpu.memory_space<semaphore_mem>>) src(%dma_wait3A_299 : memref<253952x128xi32, #tpu.memory_space<hbm>>) dst(%dma_wait3A_293 : memref<128x128xi32, #tpu.memory_space<vmem>>)
    %add3A_300 = arith.constant 1024 : i32
    %add3A_301 = arith.addi %mul3A_2, %add3A_300 : i32
    %run_scoped3A_302 = arith.constant 2 : i32
    "tpu.region"() ({
      %run_scoped3A_540 = tpu.sem_alloc : memref<!tpu.dma_semaphore, #tpu.memory_space<semaphore_mem>>
      %dma_start3A_541 = arith.constant 0 : i32
      %dma_start3A_542 = arith.constant 0 : i32
      %dma_start3A_543 = tpu.memref_slice %arg6[%run_scoped3A_302, %dma_start3A_541, %dma_start3A_542] : memref<6x128x128xi32, #tpu.memory_space<vmem>> -> memref<1x128x128xi32, #tpu.memory_space<vmem>>
      %dma_start3A_544 = tpu.memref_squeeze %dma_start3A_543 : memref<1x128x128xi32, #tpu.memory_space<vmem>> -> memref<128x128xi32, #tpu.memory_space<vmem>>
      %dma_start3A_545 = arith.constant 0 : i32
      %dma_start3A_546 = tpu.memref_slice %arg4[%add3A_301, %dma_start3A_545] : memref<81920x128xi32, #tpu.memory_space<hbm>> -> memref<128x128xi32, #tpu.memory_space<hbm>>
      %dma_start3A_547 = arith.constant 0 : i32
      %dma_start3A_548 = tpu.memref_slice %arg4[%add3A_301, %dma_start3A_547] : memref<81920x128xi32, #tpu.memory_space<hbm>> -> memref<128x128xi32, #tpu.memory_space<hbm>>
      %dma_start3A_549 = arith.constant 0 : i32
      %dma_start3A_550 = arith.constant 0 : i32
      %dma_start3A_551 = tpu.memref_slice %arg6[%run_scoped3A_302, %dma_start3A_549, %dma_start3A_550] : memref<6x128x128xi32, #tpu.memory_space<vmem>> -> memref<1x128x128xi32, #tpu.memory_space<vmem>>
      %dma_start3A_552 = tpu.memref_squeeze %dma_start3A_551 : memref<1x128x128xi32, #tpu.memory_space<vmem>> -> memref<128x128xi32, #tpu.memory_space<vmem>>
      tpu.enqueue_dma source(%dma_start3A_552 : memref<128x128xi32, #tpu.memory_space<vmem>>) target(%dma_start3A_548 : memref<128x128xi32, #tpu.memory_space<hbm>>) target_semaphore(%run_scoped3A_540 : memref<!tpu.dma_semaphore, #tpu.memory_space<semaphore_mem>>)
      %dma_wait3A_553 = arith.constant 0 : i32
      %dma_wait3A_554 = arith.constant 0 : i32
      %dma_wait3A_555 = tpu.memref_slice %arg6[%run_scoped3A_302, %dma_wait3A_553, %dma_wait3A_554] : memref<6x128x128xi32, #tpu.memory_space<vmem>> -> memref<1x128x128xi32, #tpu.memory_space<vmem>>
      %dma_wait3A_556 = tpu.memref_squeeze %dma_wait3A_555 : memref<1x128x128xi32, #tpu.memory_space<vmem>> -> memref<128x128xi32, #tpu.memory_space<vmem>>
      %dma_wait3A_557 = arith.constant 0 : i32
      %dma_wait3A_558 = tpu.memref_slice %arg4[%add3A_301, %dma_wait3A_557] : memref<81920x128xi32, #tpu.memory_space<hbm>> -> memref<128x128xi32, #tpu.memory_space<hbm>>
      %dma_wait3A_559 = arith.constant 0 : i32
      %dma_wait3A_560 = tpu.memref_slice %arg4[%add3A_301, %dma_wait3A_559] : memref<81920x128xi32, #tpu.memory_space<hbm>> -> memref<128x128xi32, #tpu.memory_space<hbm>>
      %dma_wait3A_561 = arith.constant 0 : i32
      %dma_wait3A_562 = arith.constant 0 : i32
      %dma_wait3A_563 = tpu.memref_slice %arg6[%run_scoped3A_302, %dma_wait3A_561, %dma_wait3A_562] : memref<6x128x128xi32, #tpu.memory_space<vmem>> -> memref<1x128x128xi32, #tpu.memory_space<vmem>>
      %dma_wait3A_564 = tpu.memref_squeeze %dma_wait3A_563 : memref<1x128x128xi32, #tpu.memory_space<vmem>> -> memref<128x128xi32, #tpu.memory_space<vmem>>
      tpu.wait_dma2 semaphore(%run_scoped3A_540 : memref<!tpu.dma_semaphore, #tpu.memory_space<semaphore_mem>>) src(%dma_wait3A_564 : memref<128x128xi32, #tpu.memory_space<vmem>>) dst(%dma_wait3A_560 : memref<128x128xi32, #tpu.memory_space<hbm>>)
      tpu.yield
    }) : () -> ()
    %dma_start3A_303 = arith.constant 14 : i32
    %dma_start3A_304 = arith.constant 2 : i32
    %dma_start3A_305 = arith.constant 0 : i32
    %dma_start3A_306 = arith.constant 0 : i32
    %dma_start3A_307 = tpu.memref_slice %arg6[%dma_start3A_304, %dma_start3A_305, %dma_start3A_306] : memref<6x128x128xi32, #tpu.memory_space<vmem>> -> memref<1x128x128xi32, #tpu.memory_space<vmem>>
    %dma_start3A_308 = tpu.memref_squeeze %dma_start3A_307 : memref<1x128x128xi32, #tpu.memory_space<vmem>> -> memref<128x128xi32, #tpu.memory_space<vmem>>
    %dma_start3A_309 = arith.constant 0 : i32
    %dma_start3A_310 = tpu.memref_slice %arg5[%dma_start3A_303, %dma_start3A_309] : memref<20x128xi32, #tpu.memory_space<vmem>> -> memref<1x128xi32, #tpu.memory_space<vmem>>
    %dma_start3A_311 = tpu.memref_squeeze %dma_start3A_310 : memref<1x128xi32, #tpu.memory_space<vmem>> -> memref<128xi32, #tpu.memory_space<vmem>>
    %dma_start3A_312 = arith.constant 0 : i32
    %dma_start3A_313 = arith.constant 0 : i32
    %dma_start3A_314 = tpu.memref_slice %arg3[%dma_start3A_312, %dma_start3A_313] : memref<253952x128xi32, #tpu.memory_space<hbm>> -> memref<253952x128xi32, #tpu.memory_space<hbm>>
    tpu.enqueue_indirect_dma source(%dma_start3A_314 : memref<253952x128xi32, #tpu.memory_space<hbm>>) target(%dma_start3A_308 : memref<128x128xi32, #tpu.memory_space<vmem>>) offsets(%dma_start3A_311 : memref<128xi32, #tpu.memory_space<vmem>>) semaphore(%arg9 : memref<!tpu.dma_semaphore, #tpu.memory_space<semaphore_mem>>)
    %dma_wait3A_315 = arith.constant 9 : i32
    %dma_wait3A_316 = arith.constant 3 : i32
    %dma_wait3A_317 = arith.constant 0 : i32
    %dma_wait3A_318 = arith.constant 0 : i32
    %dma_wait3A_319 = tpu.memref_slice %arg6[%dma_wait3A_316, %dma_wait3A_317, %dma_wait3A_318] : memref<6x128x128xi32, #tpu.memory_space<vmem>> -> memref<1x128x128xi32, #tpu.memory_space<vmem>>
    %dma_wait3A_320 = tpu.memref_squeeze %dma_wait3A_319 : memref<1x128x128xi32, #tpu.memory_space<vmem>> -> memref<128x128xi32, #tpu.memory_space<vmem>>
    %dma_wait3A_321 = arith.constant 0 : i32
    %dma_wait3A_322 = tpu.memref_slice %arg5[%dma_wait3A_315, %dma_wait3A_321] : memref<20x128xi32, #tpu.memory_space<vmem>> -> memref<1x128xi32, #tpu.memory_space<vmem>>
    %dma_wait3A_323 = tpu.memref_squeeze %dma_wait3A_322 : memref<1x128xi32, #tpu.memory_space<vmem>> -> memref<128xi32, #tpu.memory_space<vmem>>
    %dma_wait3A_324 = arith.constant 0 : i32
    %dma_wait3A_325 = arith.constant 0 : i32
    %dma_wait3A_326 = tpu.memref_slice %arg3[%dma_wait3A_324, %dma_wait3A_325] : memref<253952x128xi32, #tpu.memory_space<hbm>> -> memref<253952x128xi32, #tpu.memory_space<hbm>>
    tpu.wait_indirect_dma semaphore(%arg10 : memref<!tpu.dma_semaphore, #tpu.memory_space<semaphore_mem>>) src(%dma_wait3A_326 : memref<253952x128xi32, #tpu.memory_space<hbm>>) dst(%dma_wait3A_320 : memref<128x128xi32, #tpu.memory_space<vmem>>)
    %add3A_327 = arith.constant 1152 : i32
    %add3A_328 = arith.addi %mul3A_2, %add3A_327 : i32
    %run_scoped3A_329 = arith.constant 3 : i32
    "tpu.region"() ({
      %run_scoped3A_540 = tpu.sem_alloc : memref<!tpu.dma_semaphore, #tpu.memory_space<semaphore_mem>>
      %dma_start3A_541 = arith.constant 0 : i32
      %dma_start3A_542 = arith.constant 0 : i32
      %dma_start3A_543 = tpu.memref_slice %arg6[%run_scoped3A_329, %dma_start3A_541, %dma_start3A_542] : memref<6x128x128xi32, #tpu.memory_space<vmem>> -> memref<1x128x128xi32, #tpu.memory_space<vmem>>
      %dma_start3A_544 = tpu.memref_squeeze %dma_start3A_543 : memref<1x128x128xi32, #tpu.memory_space<vmem>> -> memref<128x128xi32, #tpu.memory_space<vmem>>
      %dma_start3A_545 = arith.constant 0 : i32
      %dma_start3A_546 = tpu.memref_slice %arg4[%add3A_328, %dma_start3A_545] : memref<81920x128xi32, #tpu.memory_space<hbm>> -> memref<128x128xi32, #tpu.memory_space<hbm>>
      %dma_start3A_547 = arith.constant 0 : i32
      %dma_start3A_548 = tpu.memref_slice %arg4[%add3A_328, %dma_start3A_547] : memref<81920x128xi32, #tpu.memory_space<hbm>> -> memref<128x128xi32, #tpu.memory_space<hbm>>
      %dma_start3A_549 = arith.constant 0 : i32
      %dma_start3A_550 = arith.constant 0 : i32
      %dma_start3A_551 = tpu.memref_slice %arg6[%run_scoped3A_329, %dma_start3A_549, %dma_start3A_550] : memref<6x128x128xi32, #tpu.memory_space<vmem>> -> memref<1x128x128xi32, #tpu.memory_space<vmem>>
      %dma_start3A_552 = tpu.memref_squeeze %dma_start3A_551 : memref<1x128x128xi32, #tpu.memory_space<vmem>> -> memref<128x128xi32, #tpu.memory_space<vmem>>
      tpu.enqueue_dma source(%dma_start3A_552 : memref<128x128xi32, #tpu.memory_space<vmem>>) target(%dma_start3A_548 : memref<128x128xi32, #tpu.memory_space<hbm>>) target_semaphore(%run_scoped3A_540 : memref<!tpu.dma_semaphore, #tpu.memory_space<semaphore_mem>>)
      %dma_wait3A_553 = arith.constant 0 : i32
      %dma_wait3A_554 = arith.constant 0 : i32
      %dma_wait3A_555 = tpu.memref_slice %arg6[%run_scoped3A_329, %dma_wait3A_553, %dma_wait3A_554] : memref<6x128x128xi32, #tpu.memory_space<vmem>> -> memref<1x128x128xi32, #tpu.memory_space<vmem>>
      %dma_wait3A_556 = tpu.memref_squeeze %dma_wait3A_555 : memref<1x128x128xi32, #tpu.memory_space<vmem>> -> memref<128x128xi32, #tpu.memory_space<vmem>>
      %dma_wait3A_557 = arith.constant 0 : i32
      %dma_wait3A_558 = tpu.memref_slice %arg4[%add3A_328, %dma_wait3A_557] : memref<81920x128xi32, #tpu.memory_space<hbm>> -> memref<128x128xi32, #tpu.memory_space<hbm>>
      %dma_wait3A_559 = arith.constant 0 : i32
      %dma_wait3A_560 = tpu.memref_slice %arg4[%add3A_328, %dma_wait3A_559] : memref<81920x128xi32, #tpu.memory_space<hbm>> -> memref<128x128xi32, #tpu.memory_space<hbm>>
      %dma_wait3A_561 = arith.constant 0 : i32
      %dma_wait3A_562 = arith.constant 0 : i32
      %dma_wait3A_563 = tpu.memref_slice %arg6[%run_scoped3A_329, %dma_wait3A_561, %dma_wait3A_562] : memref<6x128x128xi32, #tpu.memory_space<vmem>> -> memref<1x128x128xi32, #tpu.memory_space<vmem>>
      %dma_wait3A_564 = tpu.memref_squeeze %dma_wait3A_563 : memref<1x128x128xi32, #tpu.memory_space<vmem>> -> memref<128x128xi32, #tpu.memory_space<vmem>>
      tpu.wait_dma2 semaphore(%run_scoped3A_540 : memref<!tpu.dma_semaphore, #tpu.memory_space<semaphore_mem>>) src(%dma_wait3A_564 : memref<128x128xi32, #tpu.memory_space<vmem>>) dst(%dma_wait3A_560 : memref<128x128xi32, #tpu.memory_space<hbm>>)
      tpu.yield
    }) : () -> ()
    %dma_start3A_330 = arith.constant 15 : i32
    %dma_start3A_331 = arith.constant 3 : i32
    %dma_start3A_332 = arith.constant 0 : i32
    %dma_start3A_333 = arith.constant 0 : i32
    %dma_start3A_334 = tpu.memref_slice %arg6[%dma_start3A_331, %dma_start3A_332, %dma_start3A_333] : memref<6x128x128xi32, #tpu.memory_space<vmem>> -> memref<1x128x128xi32, #tpu.memory_space<vmem>>
    %dma_start3A_335 = tpu.memref_squeeze %dma_start3A_334 : memref<1x128x128xi32, #tpu.memory_space<vmem>> -> memref<128x128xi32, #tpu.memory_space<vmem>>
    %dma_start3A_336 = arith.constant 0 : i32
    %dma_start3A_337 = tpu.memref_slice %arg5[%dma_start3A_330, %dma_start3A_336] : memref<20x128xi32, #tpu.memory_space<vmem>> -> memref<1x128xi32, #tpu.memory_space<vmem>>
    %dma_start3A_338 = tpu.memref_squeeze %dma_start3A_337 : memref<1x128xi32, #tpu.memory_space<vmem>> -> memref<128xi32, #tpu.memory_space<vmem>>
    %dma_start3A_339 = arith.constant 0 : i32
    %dma_start3A_340 = arith.constant 0 : i32
    %dma_start3A_341 = tpu.memref_slice %arg3[%dma_start3A_339, %dma_start3A_340] : memref<253952x128xi32, #tpu.memory_space<hbm>> -> memref<253952x128xi32, #tpu.memory_space<hbm>>
    tpu.enqueue_indirect_dma source(%dma_start3A_341 : memref<253952x128xi32, #tpu.memory_space<hbm>>) target(%dma_start3A_335 : memref<128x128xi32, #tpu.memory_space<vmem>>) offsets(%dma_start3A_338 : memref<128xi32, #tpu.memory_space<vmem>>) semaphore(%arg10 : memref<!tpu.dma_semaphore, #tpu.memory_space<semaphore_mem>>)
    %dma_wait3A_342 = arith.constant 10 : i32
    %dma_wait3A_343 = arith.constant 4 : i32
    %dma_wait3A_344 = arith.constant 0 : i32
    %dma_wait3A_345 = arith.constant 0 : i32
    %dma_wait3A_346 = tpu.memref_slice %arg6[%dma_wait3A_343, %dma_wait3A_344, %dma_wait3A_345] : memref<6x128x128xi32, #tpu.memory_space<vmem>> -> memref<1x128x128xi32, #tpu.memory_space<vmem>>
    %dma_wait3A_347 = tpu.memref_squeeze %dma_wait3A_346 : memref<1x128x128xi32, #tpu.memory_space<vmem>> -> memref<128x128xi32, #tpu.memory_space<vmem>>
    %dma_wait3A_348 = arith.constant 0 : i32
    %dma_wait3A_349 = tpu.memref_slice %arg5[%dma_wait3A_342, %dma_wait3A_348] : memref<20x128xi32, #tpu.memory_space<vmem>> -> memref<1x128xi32, #tpu.memory_space<vmem>>
    %dma_wait3A_350 = tpu.memref_squeeze %dma_wait3A_349 : memref<1x128xi32, #tpu.memory_space<vmem>> -> memref<128xi32, #tpu.memory_space<vmem>>
    %dma_wait3A_351 = arith.constant 0 : i32
    %dma_wait3A_352 = arith.constant 0 : i32
    %dma_wait3A_353 = tpu.memref_slice %arg3[%dma_wait3A_351, %dma_wait3A_352] : memref<253952x128xi32, #tpu.memory_space<hbm>> -> memref<253952x128xi32, #tpu.memory_space<hbm>>
    tpu.wait_indirect_dma semaphore(%arg11 : memref<!tpu.dma_semaphore, #tpu.memory_space<semaphore_mem>>) src(%dma_wait3A_353 : memref<253952x128xi32, #tpu.memory_space<hbm>>) dst(%dma_wait3A_347 : memref<128x128xi32, #tpu.memory_space<vmem>>)
    %add3A_354 = arith.constant 1280 : i32
    %add3A_355 = arith.addi %mul3A_2, %add3A_354 : i32
    %run_scoped3A_356 = arith.constant 4 : i32
    "tpu.region"() ({
      %run_scoped3A_540 = tpu.sem_alloc : memref<!tpu.dma_semaphore, #tpu.memory_space<semaphore_mem>>
      %dma_start3A_541 = arith.constant 0 : i32
      %dma_start3A_542 = arith.constant 0 : i32
      %dma_start3A_543 = tpu.memref_slice %arg6[%run_scoped3A_356, %dma_start3A_541, %dma_start3A_542] : memref<6x128x128xi32, #tpu.memory_space<vmem>> -> memref<1x128x128xi32, #tpu.memory_space<vmem>>
      %dma_start3A_544 = tpu.memref_squeeze %dma_start3A_543 : memref<1x128x128xi32, #tpu.memory_space<vmem>> -> memref<128x128xi32, #tpu.memory_space<vmem>>
      %dma_start3A_545 = arith.constant 0 : i32
      %dma_start3A_546 = tpu.memref_slice %arg4[%add3A_355, %dma_start3A_545] : memref<81920x128xi32, #tpu.memory_space<hbm>> -> memref<128x128xi32, #tpu.memory_space<hbm>>
      %dma_start3A_547 = arith.constant 0 : i32
      %dma_start3A_548 = tpu.memref_slice %arg4[%add3A_355, %dma_start3A_547] : memref<81920x128xi32, #tpu.memory_space<hbm>> -> memref<128x128xi32, #tpu.memory_space<hbm>>
      %dma_start3A_549 = arith.constant 0 : i32
      %dma_start3A_550 = arith.constant 0 : i32
      %dma_start3A_551 = tpu.memref_slice %arg6[%run_scoped3A_356, %dma_start3A_549, %dma_start3A_550] : memref<6x128x128xi32, #tpu.memory_space<vmem>> -> memref<1x128x128xi32, #tpu.memory_space<vmem>>
      %dma_start3A_552 = tpu.memref_squeeze %dma_start3A_551 : memref<1x128x128xi32, #tpu.memory_space<vmem>> -> memref<128x128xi32, #tpu.memory_space<vmem>>
      tpu.enqueue_dma source(%dma_start3A_552 : memref<128x128xi32, #tpu.memory_space<vmem>>) target(%dma_start3A_548 : memref<128x128xi32, #tpu.memory_space<hbm>>) target_semaphore(%run_scoped3A_540 : memref<!tpu.dma_semaphore, #tpu.memory_space<semaphore_mem>>)
      %dma_wait3A_553 = arith.constant 0 : i32
      %dma_wait3A_554 = arith.constant 0 : i32
      %dma_wait3A_555 = tpu.memref_slice %arg6[%run_scoped3A_356, %dma_wait3A_553, %dma_wait3A_554] : memref<6x128x128xi32, #tpu.memory_space<vmem>> -> memref<1x128x128xi32, #tpu.memory_space<vmem>>
      %dma_wait3A_556 = tpu.memref_squeeze %dma_wait3A_555 : memref<1x128x128xi32, #tpu.memory_space<vmem>> -> memref<128x128xi32, #tpu.memory_space<vmem>>
      %dma_wait3A_557 = arith.constant 0 : i32
      %dma_wait3A_558 = tpu.memref_slice %arg4[%add3A_355, %dma_wait3A_557] : memref<81920x128xi32, #tpu.memory_space<hbm>> -> memref<128x128xi32, #tpu.memory_space<hbm>>
      %dma_wait3A_559 = arith.constant 0 : i32
      %dma_wait3A_560 = tpu.memref_slice %arg4[%add3A_355, %dma_wait3A_559] : memref<81920x128xi32, #tpu.memory_space<hbm>> -> memref<128x128xi32, #tpu.memory_space<hbm>>
      %dma_wait3A_561 = arith.constant 0 : i32
      %dma_wait3A_562 = arith.constant 0 : i32
      %dma_wait3A_563 = tpu.memref_slice %arg6[%run_scoped3A_356, %dma_wait3A_561, %dma_wait3A_562] : memref<6x128x128xi32, #tpu.memory_space<vmem>> -> memref<1x128x128xi32, #tpu.memory_space<vmem>>
      %dma_wait3A_564 = tpu.memref_squeeze %dma_wait3A_563 : memref<1x128x128xi32, #tpu.memory_space<vmem>> -> memref<128x128xi32, #tpu.memory_space<vmem>>
      tpu.wait_dma2 semaphore(%run_scoped3A_540 : memref<!tpu.dma_semaphore, #tpu.memory_space<semaphore_mem>>) src(%dma_wait3A_564 : memref<128x128xi32, #tpu.memory_space<vmem>>) dst(%dma_wait3A_560 : memref<128x128xi32, #tpu.memory_space<hbm>>)
      tpu.yield
    }) : () -> ()
    %dma_start3A_357 = arith.constant 16 : i32
    %dma_start3A_358 = arith.constant 4 : i32
    %dma_start3A_359 = arith.constant 0 : i32
    %dma_start3A_360 = arith.constant 0 : i32
    %dma_start3A_361 = tpu.memref_slice %arg6[%dma_start3A_358, %dma_start3A_359, %dma_start3A_360] : memref<6x128x128xi32, #tpu.memory_space<vmem>> -> memref<1x128x128xi32, #tpu.memory_space<vmem>>
    %dma_start3A_362 = tpu.memref_squeeze %dma_start3A_361 : memref<1x128x128xi32, #tpu.memory_space<vmem>> -> memref<128x128xi32, #tpu.memory_space<vmem>>
    %dma_start3A_363 = arith.constant 0 : i32
    %dma_start3A_364 = tpu.memref_slice %arg5[%dma_start3A_357, %dma_start3A_363] : memref<20x128xi32, #tpu.memory_space<vmem>> -> memref<1x128xi32, #tpu.memory_space<vmem>>
    %dma_start3A_365 = tpu.memref_squeeze %dma_start3A_364 : memref<1x128xi32, #tpu.memory_space<vmem>> -> memref<128xi32, #tpu.memory_space<vmem>>
    %dma_start3A_366 = arith.constant 0 : i32
    %dma_start3A_367 = arith.constant 0 : i32
    %dma_start3A_368 = tpu.memref_slice %arg3[%dma_start3A_366, %dma_start3A_367] : memref<253952x128xi32, #tpu.memory_space<hbm>> -> memref<253952x128xi32, #tpu.memory_space<hbm>>
    tpu.enqueue_indirect_dma source(%dma_start3A_368 : memref<253952x128xi32, #tpu.memory_space<hbm>>) target(%dma_start3A_362 : memref<128x128xi32, #tpu.memory_space<vmem>>) offsets(%dma_start3A_365 : memref<128xi32, #tpu.memory_space<vmem>>) semaphore(%arg11 : memref<!tpu.dma_semaphore, #tpu.memory_space<semaphore_mem>>)
    %dma_wait3A_369 = arith.constant 11 : i32
    %dma_wait3A_370 = arith.constant 5 : i32
    %dma_wait3A_371 = arith.constant 0 : i32
    %dma_wait3A_372 = arith.constant 0 : i32
    %dma_wait3A_373 = tpu.memref_slice %arg6[%dma_wait3A_370, %dma_wait3A_371, %dma_wait3A_372] : memref<6x128x128xi32, #tpu.memory_space<vmem>> -> memref<1x128x128xi32, #tpu.memory_space<vmem>>
    %dma_wait3A_374 = tpu.memref_squeeze %dma_wait3A_373 : memref<1x128x128xi32, #tpu.memory_space<vmem>> -> memref<128x128xi32, #tpu.memory_space<vmem>>
    %dma_wait3A_375 = arith.constant 0 : i32
    %dma_wait3A_376 = tpu.memref_slice %arg5[%dma_wait3A_369, %dma_wait3A_375] : memref<20x128xi32, #tpu.memory_space<vmem>> -> memref<1x128xi32, #tpu.memory_space<vmem>>
    %dma_wait3A_377 = tpu.memref_squeeze %dma_wait3A_376 : memref<1x128xi32, #tpu.memory_space<vmem>> -> memref<128xi32, #tpu.memory_space<vmem>>
    %dma_wait3A_378 = arith.constant 0 : i32
    %dma_wait3A_379 = arith.constant 0 : i32
    %dma_wait3A_380 = tpu.memref_slice %arg3[%dma_wait3A_378, %dma_wait3A_379] : memref<253952x128xi32, #tpu.memory_space<hbm>> -> memref<253952x128xi32, #tpu.memory_space<hbm>>
    tpu.wait_indirect_dma semaphore(%arg12 : memref<!tpu.dma_semaphore, #tpu.memory_space<semaphore_mem>>) src(%dma_wait3A_380 : memref<253952x128xi32, #tpu.memory_space<hbm>>) dst(%dma_wait3A_374 : memref<128x128xi32, #tpu.memory_space<vmem>>)
    %add3A_381 = arith.constant 1408 : i32
    %add3A_382 = arith.addi %mul3A_2, %add3A_381 : i32
    %run_scoped3A_383 = arith.constant 5 : i32
    "tpu.region"() ({
      %run_scoped3A_540 = tpu.sem_alloc : memref<!tpu.dma_semaphore, #tpu.memory_space<semaphore_mem>>
      %dma_start3A_541 = arith.constant 0 : i32
      %dma_start3A_542 = arith.constant 0 : i32
      %dma_start3A_543 = tpu.memref_slice %arg6[%run_scoped3A_383, %dma_start3A_541, %dma_start3A_542] : memref<6x128x128xi32, #tpu.memory_space<vmem>> -> memref<1x128x128xi32, #tpu.memory_space<vmem>>
      %dma_start3A_544 = tpu.memref_squeeze %dma_start3A_543 : memref<1x128x128xi32, #tpu.memory_space<vmem>> -> memref<128x128xi32, #tpu.memory_space<vmem>>
      %dma_start3A_545 = arith.constant 0 : i32
      %dma_start3A_546 = tpu.memref_slice %arg4[%add3A_382, %dma_start3A_545] : memref<81920x128xi32, #tpu.memory_space<hbm>> -> memref<128x128xi32, #tpu.memory_space<hbm>>
      %dma_start3A_547 = arith.constant 0 : i32
      %dma_start3A_548 = tpu.memref_slice %arg4[%add3A_382, %dma_start3A_547] : memref<81920x128xi32, #tpu.memory_space<hbm>> -> memref<128x128xi32, #tpu.memory_space<hbm>>
      %dma_start3A_549 = arith.constant 0 : i32
      %dma_start3A_550 = arith.constant 0 : i32
      %dma_start3A_551 = tpu.memref_slice %arg6[%run_scoped3A_383, %dma_start3A_549, %dma_start3A_550] : memref<6x128x128xi32, #tpu.memory_space<vmem>> -> memref<1x128x128xi32, #tpu.memory_space<vmem>>
      %dma_start3A_552 = tpu.memref_squeeze %dma_start3A_551 : memref<1x128x128xi32, #tpu.memory_space<vmem>> -> memref<128x128xi32, #tpu.memory_space<vmem>>
      tpu.enqueue_dma source(%dma_start3A_552 : memref<128x128xi32, #tpu.memory_space<vmem>>) target(%dma_start3A_548 : memref<128x128xi32, #tpu.memory_space<hbm>>) target_semaphore(%run_scoped3A_540 : memref<!tpu.dma_semaphore, #tpu.memory_space<semaphore_mem>>)
      %dma_wait3A_553 = arith.constant 0 : i32
      %dma_wait3A_554 = arith.constant 0 : i32
      %dma_wait3A_555 = tpu.memref_slice %arg6[%run_scoped3A_383, %dma_wait3A_553, %dma_wait3A_554] : memref<6x128x128xi32, #tpu.memory_space<vmem>> -> memref<1x128x128xi32, #tpu.memory_space<vmem>>
      %dma_wait3A_556 = tpu.memref_squeeze %dma_wait3A_555 : memref<1x128x128xi32, #tpu.memory_space<vmem>> -> memref<128x128xi32, #tpu.memory_space<vmem>>
      %dma_wait3A_557 = arith.constant 0 : i32
      %dma_wait3A_558 = tpu.memref_slice %arg4[%add3A_382, %dma_wait3A_557] : memref<81920x128xi32, #tpu.memory_space<hbm>> -> memref<128x128xi32, #tpu.memory_space<hbm>>
      %dma_wait3A_559 = arith.constant 0 : i32
      %dma_wait3A_560 = tpu.memref_slice %arg4[%add3A_382, %dma_wait3A_559] : memref<81920x128xi32, #tpu.memory_space<hbm>> -> memref<128x128xi32, #tpu.memory_space<hbm>>
      %dma_wait3A_561 = arith.constant 0 : i32
      %dma_wait3A_562 = arith.constant 0 : i32
      %dma_wait3A_563 = tpu.memref_slice %arg6[%run_scoped3A_383, %dma_wait3A_561, %dma_wait3A_562] : memref<6x128x128xi32, #tpu.memory_space<vmem>> -> memref<1x128x128xi32, #tpu.memory_space<vmem>>
      %dma_wait3A_564 = tpu.memref_squeeze %dma_wait3A_563 : memref<1x128x128xi32, #tpu.memory_space<vmem>> -> memref<128x128xi32, #tpu.memory_space<vmem>>
      tpu.wait_dma2 semaphore(%run_scoped3A_540 : memref<!tpu.dma_semaphore, #tpu.memory_space<semaphore_mem>>) src(%dma_wait3A_564 : memref<128x128xi32, #tpu.memory_space<vmem>>) dst(%dma_wait3A_560 : memref<128x128xi32, #tpu.memory_space<hbm>>)
      tpu.yield
    }) : () -> ()
    %dma_start3A_384 = arith.constant 17 : i32
    %dma_start3A_385 = arith.constant 5 : i32
    %dma_start3A_386 = arith.constant 0 : i32
    %dma_start3A_387 = arith.constant 0 : i32
    %dma_start3A_388 = tpu.memref_slice %arg6[%dma_start3A_385, %dma_start3A_386, %dma_start3A_387] : memref<6x128x128xi32, #tpu.memory_space<vmem>> -> memref<1x128x128xi32, #tpu.memory_space<vmem>>
    %dma_start3A_389 = tpu.memref_squeeze %dma_start3A_388 : memref<1x128x128xi32, #tpu.memory_space<vmem>> -> memref<128x128xi32, #tpu.memory_space<vmem>>
    %dma_start3A_390 = arith.constant 0 : i32
    %dma_start3A_391 = tpu.memref_slice %arg5[%dma_start3A_384, %dma_start3A_390] : memref<20x128xi32, #tpu.memory_space<vmem>> -> memref<1x128xi32, #tpu.memory_space<vmem>>
    %dma_start3A_392 = tpu.memref_squeeze %dma_start3A_391 : memref<1x128xi32, #tpu.memory_space<vmem>> -> memref<128xi32, #tpu.memory_space<vmem>>
    %dma_start3A_393 = arith.constant 0 : i32
    %dma_start3A_394 = arith.constant 0 : i32
    %dma_start3A_395 = tpu.memref_slice %arg3[%dma_start3A_393, %dma_start3A_394] : memref<253952x128xi32, #tpu.memory_space<hbm>> -> memref<253952x128xi32, #tpu.memory_space<hbm>>
    tpu.enqueue_indirect_dma source(%dma_start3A_395 : memref<253952x128xi32, #tpu.memory_space<hbm>>) target(%dma_start3A_389 : memref<128x128xi32, #tpu.memory_space<vmem>>) offsets(%dma_start3A_392 : memref<128xi32, #tpu.memory_space<vmem>>) semaphore(%arg12 : memref<!tpu.dma_semaphore, #tpu.memory_space<semaphore_mem>>)
    %dma_wait3A_396 = arith.constant 12 : i32
    %dma_wait3A_397 = arith.constant 0 : i32
    %dma_wait3A_398 = arith.constant 0 : i32
    %dma_wait3A_399 = arith.constant 0 : i32
    %dma_wait3A_400 = tpu.memref_slice %arg6[%dma_wait3A_397, %dma_wait3A_398, %dma_wait3A_399] : memref<6x128x128xi32, #tpu.memory_space<vmem>> -> memref<1x128x128xi32, #tpu.memory_space<vmem>>
    %dma_wait3A_401 = tpu.memref_squeeze %dma_wait3A_400 : memref<1x128x128xi32, #tpu.memory_space<vmem>> -> memref<128x128xi32, #tpu.memory_space<vmem>>
    %dma_wait3A_402 = arith.constant 0 : i32
    %dma_wait3A_403 = tpu.memref_slice %arg5[%dma_wait3A_396, %dma_wait3A_402] : memref<20x128xi32, #tpu.memory_space<vmem>> -> memref<1x128xi32, #tpu.memory_space<vmem>>
    %dma_wait3A_404 = tpu.memref_squeeze %dma_wait3A_403 : memref<1x128xi32, #tpu.memory_space<vmem>> -> memref<128xi32, #tpu.memory_space<vmem>>
    %dma_wait3A_405 = arith.constant 0 : i32
    %dma_wait3A_406 = arith.constant 0 : i32
    %dma_wait3A_407 = tpu.memref_slice %arg3[%dma_wait3A_405, %dma_wait3A_406] : memref<253952x128xi32, #tpu.memory_space<hbm>> -> memref<253952x128xi32, #tpu.memory_space<hbm>>
    tpu.wait_indirect_dma semaphore(%arg7 : memref<!tpu.dma_semaphore, #tpu.memory_space<semaphore_mem>>) src(%dma_wait3A_407 : memref<253952x128xi32, #tpu.memory_space<hbm>>) dst(%dma_wait3A_401 : memref<128x128xi32, #tpu.memory_space<vmem>>)
    %add3A_408 = arith.constant 1536 : i32
    %add3A_409 = arith.addi %mul3A_2, %add3A_408 : i32
    %run_scoped3A_410 = arith.constant 0 : i32
    "tpu.region"() ({
      %run_scoped3A_540 = tpu.sem_alloc : memref<!tpu.dma_semaphore, #tpu.memory_space<semaphore_mem>>
      %dma_start3A_541 = arith.constant 0 : i32
      %dma_start3A_542 = arith.constant 0 : i32
      %dma_start3A_543 = tpu.memref_slice %arg6[%run_scoped3A_410, %dma_start3A_541, %dma_start3A_542] : memref<6x128x128xi32, #tpu.memory_space<vmem>> -> memref<1x128x128xi32, #tpu.memory_space<vmem>>
      %dma_start3A_544 = tpu.memref_squeeze %dma_start3A_543 : memref<1x128x128xi32, #tpu.memory_space<vmem>> -> memref<128x128xi32, #tpu.memory_space<vmem>>
      %dma_start3A_545 = arith.constant 0 : i32
      %dma_start3A_546 = tpu.memref_slice %arg4[%add3A_409, %dma_start3A_545] : memref<81920x128xi32, #tpu.memory_space<hbm>> -> memref<128x128xi32, #tpu.memory_space<hbm>>
      %dma_start3A_547 = arith.constant 0 : i32
      %dma_start3A_548 = tpu.memref_slice %arg4[%add3A_409, %dma_start3A_547] : memref<81920x128xi32, #tpu.memory_space<hbm>> -> memref<128x128xi32, #tpu.memory_space<hbm>>
      %dma_start3A_549 = arith.constant 0 : i32
      %dma_start3A_550 = arith.constant 0 : i32
      %dma_start3A_551 = tpu.memref_slice %arg6[%run_scoped3A_410, %dma_start3A_549, %dma_start3A_550] : memref<6x128x128xi32, #tpu.memory_space<vmem>> -> memref<1x128x128xi32, #tpu.memory_space<vmem>>
      %dma_start3A_552 = tpu.memref_squeeze %dma_start3A_551 : memref<1x128x128xi32, #tpu.memory_space<vmem>> -> memref<128x128xi32, #tpu.memory_space<vmem>>
      tpu.enqueue_dma source(%dma_start3A_552 : memref<128x128xi32, #tpu.memory_space<vmem>>) target(%dma_start3A_548 : memref<128x128xi32, #tpu.memory_space<hbm>>) target_semaphore(%run_scoped3A_540 : memref<!tpu.dma_semaphore, #tpu.memory_space<semaphore_mem>>)
      %dma_wait3A_553 = arith.constant 0 : i32
      %dma_wait3A_554 = arith.constant 0 : i32
      %dma_wait3A_555 = tpu.memref_slice %arg6[%run_scoped3A_410, %dma_wait3A_553, %dma_wait3A_554] : memref<6x128x128xi32, #tpu.memory_space<vmem>> -> memref<1x128x128xi32, #tpu.memory_space<vmem>>
      %dma_wait3A_556 = tpu.memref_squeeze %dma_wait3A_555 : memref<1x128x128xi32, #tpu.memory_space<vmem>> -> memref<128x128xi32, #tpu.memory_space<vmem>>
      %dma_wait3A_557 = arith.constant 0 : i32
      %dma_wait3A_558 = tpu.memref_slice %arg4[%add3A_409, %dma_wait3A_557] : memref<81920x128xi32, #tpu.memory_space<hbm>> -> memref<128x128xi32, #tpu.memory_space<hbm>>
      %dma_wait3A_559 = arith.constant 0 : i32
      %dma_wait3A_560 = tpu.memref_slice %arg4[%add3A_409, %dma_wait3A_559] : memref<81920x128xi32, #tpu.memory_space<hbm>> -> memref<128x128xi32, #tpu.memory_space<hbm>>
      %dma_wait3A_561 = arith.constant 0 : i32
      %dma_wait3A_562 = arith.constant 0 : i32
      %dma_wait3A_563 = tpu.memref_slice %arg6[%run_scoped3A_410, %dma_wait3A_561, %dma_wait3A_562] : memref<6x128x128xi32, #tpu.memory_space<vmem>> -> memref<1x128x128xi32, #tpu.memory_space<vmem>>
      %dma_wait3A_564 = tpu.memref_squeeze %dma_wait3A_563 : memref<1x128x128xi32, #tpu.memory_space<vmem>> -> memref<128x128xi32, #tpu.memory_space<vmem>>
      tpu.wait_dma2 semaphore(%run_scoped3A_540 : memref<!tpu.dma_semaphore, #tpu.memory_space<semaphore_mem>>) src(%dma_wait3A_564 : memref<128x128xi32, #tpu.memory_space<vmem>>) dst(%dma_wait3A_560 : memref<128x128xi32, #tpu.memory_space<hbm>>)
      tpu.yield
    }) : () -> ()
    %dma_start3A_411 = arith.constant 18 : i32
    %dma_start3A_412 = arith.constant 0 : i32
    %dma_start3A_413 = arith.constant 0 : i32
    %dma_start3A_414 = arith.constant 0 : i32
    %dma_start3A_415 = tpu.memref_slice %arg6[%dma_start3A_412, %dma_start3A_413, %dma_start3A_414] : memref<6x128x128xi32, #tpu.memory_space<vmem>> -> memref<1x128x128xi32, #tpu.memory_space<vmem>>
    %dma_start3A_416 = tpu.memref_squeeze %dma_start3A_415 : memref<1x128x128xi32, #tpu.memory_space<vmem>> -> memref<128x128xi32, #tpu.memory_space<vmem>>
    %dma_start3A_417 = arith.constant 0 : i32
    %dma_start3A_418 = tpu.memref_slice %arg5[%dma_start3A_411, %dma_start3A_417] : memref<20x128xi32, #tpu.memory_space<vmem>> -> memref<1x128xi32, #tpu.memory_space<vmem>>
    %dma_start3A_419 = tpu.memref_squeeze %dma_start3A_418 : memref<1x128xi32, #tpu.memory_space<vmem>> -> memref<128xi32, #tpu.memory_space<vmem>>
    %dma_start3A_420 = arith.constant 0 : i32
    %dma_start3A_421 = arith.constant 0 : i32
    %dma_start3A_422 = tpu.memref_slice %arg3[%dma_start3A_420, %dma_start3A_421] : memref<253952x128xi32, #tpu.memory_space<hbm>> -> memref<253952x128xi32, #tpu.memory_space<hbm>>
    tpu.enqueue_indirect_dma source(%dma_start3A_422 : memref<253952x128xi32, #tpu.memory_space<hbm>>) target(%dma_start3A_416 : memref<128x128xi32, #tpu.memory_space<vmem>>) offsets(%dma_start3A_419 : memref<128xi32, #tpu.memory_space<vmem>>) semaphore(%arg7 : memref<!tpu.dma_semaphore, #tpu.memory_space<semaphore_mem>>)
    %dma_wait3A_423 = arith.constant 13 : i32
    %dma_wait3A_424 = arith.constant 1 : i32
    %dma_wait3A_425 = arith.constant 0 : i32
    %dma_wait3A_426 = arith.constant 0 : i32
    %dma_wait3A_427 = tpu.memref_slice %arg6[%dma_wait3A_424, %dma_wait3A_425, %dma_wait3A_426] : memref<6x128x128xi32, #tpu.memory_space<vmem>> -> memref<1x128x128xi32, #tpu.memory_space<vmem>>
    %dma_wait3A_428 = tpu.memref_squeeze %dma_wait3A_427 : memref<1x128x128xi32, #tpu.memory_space<vmem>> -> memref<128x128xi32, #tpu.memory_space<vmem>>
    %dma_wait3A_429 = arith.constant 0 : i32
    %dma_wait3A_430 = tpu.memref_slice %arg5[%dma_wait3A_423, %dma_wait3A_429] : memref<20x128xi32, #tpu.memory_space<vmem>> -> memref<1x128xi32, #tpu.memory_space<vmem>>
    %dma_wait3A_431 = tpu.memref_squeeze %dma_wait3A_430 : memref<1x128xi32, #tpu.memory_space<vmem>> -> memref<128xi32, #tpu.memory_space<vmem>>
    %dma_wait3A_432 = arith.constant 0 : i32
    %dma_wait3A_433 = arith.constant 0 : i32
    %dma_wait3A_434 = tpu.memref_slice %arg3[%dma_wait3A_432, %dma_wait3A_433] : memref<253952x128xi32, #tpu.memory_space<hbm>> -> memref<253952x128xi32, #tpu.memory_space<hbm>>
    tpu.wait_indirect_dma semaphore(%arg8 : memref<!tpu.dma_semaphore, #tpu.memory_space<semaphore_mem>>) src(%dma_wait3A_434 : memref<253952x128xi32, #tpu.memory_space<hbm>>) dst(%dma_wait3A_428 : memref<128x128xi32, #tpu.memory_space<vmem>>)
    %add3A_435 = arith.constant 1664 : i32
    %add3A_436 = arith.addi %mul3A_2, %add3A_435 : i32
    %run_scoped3A_437 = arith.constant 1 : i32
    "tpu.region"() ({
      %run_scoped3A_540 = tpu.sem_alloc : memref<!tpu.dma_semaphore, #tpu.memory_space<semaphore_mem>>
      %dma_start3A_541 = arith.constant 0 : i32
      %dma_start3A_542 = arith.constant 0 : i32
      %dma_start3A_543 = tpu.memref_slice %arg6[%run_scoped3A_437, %dma_start3A_541, %dma_start3A_542] : memref<6x128x128xi32, #tpu.memory_space<vmem>> -> memref<1x128x128xi32, #tpu.memory_space<vmem>>
      %dma_start3A_544 = tpu.memref_squeeze %dma_start3A_543 : memref<1x128x128xi32, #tpu.memory_space<vmem>> -> memref<128x128xi32, #tpu.memory_space<vmem>>
      %dma_start3A_545 = arith.constant 0 : i32
      %dma_start3A_546 = tpu.memref_slice %arg4[%add3A_436, %dma_start3A_545] : memref<81920x128xi32, #tpu.memory_space<hbm>> -> memref<128x128xi32, #tpu.memory_space<hbm>>
      %dma_start3A_547 = arith.constant 0 : i32
      %dma_start3A_548 = tpu.memref_slice %arg4[%add3A_436, %dma_start3A_547] : memref<81920x128xi32, #tpu.memory_space<hbm>> -> memref<128x128xi32, #tpu.memory_space<hbm>>
      %dma_start3A_549 = arith.constant 0 : i32
      %dma_start3A_550 = arith.constant 0 : i32
      %dma_start3A_551 = tpu.memref_slice %arg6[%run_scoped3A_437, %dma_start3A_549, %dma_start3A_550] : memref<6x128x128xi32, #tpu.memory_space<vmem>> -> memref<1x128x128xi32, #tpu.memory_space<vmem>>
      %dma_start3A_552 = tpu.memref_squeeze %dma_start3A_551 : memref<1x128x128xi32, #tpu.memory_space<vmem>> -> memref<128x128xi32, #tpu.memory_space<vmem>>
      tpu.enqueue_dma source(%dma_start3A_552 : memref<128x128xi32, #tpu.memory_space<vmem>>) target(%dma_start3A_548 : memref<128x128xi32, #tpu.memory_space<hbm>>) target_semaphore(%run_scoped3A_540 : memref<!tpu.dma_semaphore, #tpu.memory_space<semaphore_mem>>)
      %dma_wait3A_553 = arith.constant 0 : i32
      %dma_wait3A_554 = arith.constant 0 : i32
      %dma_wait3A_555 = tpu.memref_slice %arg6[%run_scoped3A_437, %dma_wait3A_553, %dma_wait3A_554] : memref<6x128x128xi32, #tpu.memory_space<vmem>> -> memref<1x128x128xi32, #tpu.memory_space<vmem>>
      %dma_wait3A_556 = tpu.memref_squeeze %dma_wait3A_555 : memref<1x128x128xi32, #tpu.memory_space<vmem>> -> memref<128x128xi32, #tpu.memory_space<vmem>>
      %dma_wait3A_557 = arith.constant 0 : i32
      %dma_wait3A_558 = tpu.memref_slice %arg4[%add3A_436, %dma_wait3A_557] : memref<81920x128xi32, #tpu.memory_space<hbm>> -> memref<128x128xi32, #tpu.memory_space<hbm>>
      %dma_wait3A_559 = arith.constant 0 : i32
      %dma_wait3A_560 = tpu.memref_slice %arg4[%add3A_436, %dma_wait3A_559] : memref<81920x128xi32, #tpu.memory_space<hbm>> -> memref<128x128xi32, #tpu.memory_space<hbm>>
      %dma_wait3A_561 = arith.constant 0 : i32
      %dma_wait3A_562 = arith.constant 0 : i32
      %dma_wait3A_563 = tpu.memref_slice %arg6[%run_scoped3A_437, %dma_wait3A_561, %dma_wait3A_562] : memref<6x128x128xi32, #tpu.memory_space<vmem>> -> memref<1x128x128xi32, #tpu.memory_space<vmem>>
      %dma_wait3A_564 = tpu.memref_squeeze %dma_wait3A_563 : memref<1x128x128xi32, #tpu.memory_space<vmem>> -> memref<128x128xi32, #tpu.memory_space<vmem>>
      tpu.wait_dma2 semaphore(%run_scoped3A_540 : memref<!tpu.dma_semaphore, #tpu.memory_space<semaphore_mem>>) src(%dma_wait3A_564 : memref<128x128xi32, #tpu.memory_space<vmem>>) dst(%dma_wait3A_560 : memref<128x128xi32, #tpu.memory_space<hbm>>)
      tpu.yield
    }) : () -> ()
    %dma_start3A_438 = arith.constant 19 : i32
    %dma_start3A_439 = arith.constant 1 : i32
    %dma_start3A_440 = arith.constant 0 : i32
    %dma_start3A_441 = arith.constant 0 : i32
    %dma_start3A_442 = tpu.memref_slice %arg6[%dma_start3A_439, %dma_start3A_440, %dma_start3A_441] : memref<6x128x128xi32, #tpu.memory_space<vmem>> -> memref<1x128x128xi32, #tpu.memory_space<vmem>>
    %dma_start3A_443 = tpu.memref_squeeze %dma_start3A_442 : memref<1x128x128xi32, #tpu.memory_space<vmem>> -> memref<128x128xi32, #tpu.memory_space<vmem>>
    %dma_start3A_444 = arith.constant 0 : i32
    %dma_start3A_445 = tpu.memref_slice %arg5[%dma_start3A_438, %dma_start3A_444] : memref<20x128xi32, #tpu.memory_space<vmem>> -> memref<1x128xi32, #tpu.memory_space<vmem>>
    %dma_start3A_446 = tpu.memref_squeeze %dma_start3A_445 : memref<1x128xi32, #tpu.memory_space<vmem>> -> memref<128xi32, #tpu.memory_space<vmem>>
    %dma_start3A_447 = arith.constant 0 : i32
    %dma_start3A_448 = arith.constant 0 : i32
    %dma_start3A_449 = tpu.memref_slice %arg3[%dma_start3A_447, %dma_start3A_448] : memref<253952x128xi32, #tpu.memory_space<hbm>> -> memref<253952x128xi32, #tpu.memory_space<hbm>>
    tpu.enqueue_indirect_dma source(%dma_start3A_449 : memref<253952x128xi32, #tpu.memory_space<hbm>>) target(%dma_start3A_443 : memref<128x128xi32, #tpu.memory_space<vmem>>) offsets(%dma_start3A_446 : memref<128xi32, #tpu.memory_space<vmem>>) semaphore(%arg8 : memref<!tpu.dma_semaphore, #tpu.memory_space<semaphore_mem>>)
    %dma_wait3A_450 = arith.constant 14 : i32
    %dma_wait3A_451 = arith.constant 2 : i32
    %dma_wait3A_452 = arith.constant 0 : i32
    %dma_wait3A_453 = arith.constant 0 : i32
    %dma_wait3A_454 = tpu.memref_slice %arg6[%dma_wait3A_451, %dma_wait3A_452, %dma_wait3A_453] : memref<6x128x128xi32, #tpu.memory_space<vmem>> -> memref<1x128x128xi32, #tpu.memory_space<vmem>>
    %dma_wait3A_455 = tpu.memref_squeeze %dma_wait3A_454 : memref<1x128x128xi32, #tpu.memory_space<vmem>> -> memref<128x128xi32, #tpu.memory_space<vmem>>
    %dma_wait3A_456 = arith.constant 0 : i32
    %dma_wait3A_457 = tpu.memref_slice %arg5[%dma_wait3A_450, %dma_wait3A_456] : memref<20x128xi32, #tpu.memory_space<vmem>> -> memref<1x128xi32, #tpu.memory_space<vmem>>
    %dma_wait3A_458 = tpu.memref_squeeze %dma_wait3A_457 : memref<1x128xi32, #tpu.memory_space<vmem>> -> memref<128xi32, #tpu.memory_space<vmem>>
    %dma_wait3A_459 = arith.constant 0 : i32
    %dma_wait3A_460 = arith.constant 0 : i32
    %dma_wait3A_461 = tpu.memref_slice %arg3[%dma_wait3A_459, %dma_wait3A_460] : memref<253952x128xi32, #tpu.memory_space<hbm>> -> memref<253952x128xi32, #tpu.memory_space<hbm>>
    tpu.wait_indirect_dma semaphore(%arg9 : memref<!tpu.dma_semaphore, #tpu.memory_space<semaphore_mem>>) src(%dma_wait3A_461 : memref<253952x128xi32, #tpu.memory_space<hbm>>) dst(%dma_wait3A_455 : memref<128x128xi32, #tpu.memory_space<vmem>>)
    %add3A_462 = arith.constant 1792 : i32
    %add3A_463 = arith.addi %mul3A_2, %add3A_462 : i32
    %run_scoped3A_464 = arith.constant 2 : i32
    "tpu.region"() ({
      %run_scoped3A_540 = tpu.sem_alloc : memref<!tpu.dma_semaphore, #tpu.memory_space<semaphore_mem>>
      %dma_start3A_541 = arith.constant 0 : i32
      %dma_start3A_542 = arith.constant 0 : i32
      %dma_start3A_543 = tpu.memref_slice %arg6[%run_scoped3A_464, %dma_start3A_541, %dma_start3A_542] : memref<6x128x128xi32, #tpu.memory_space<vmem>> -> memref<1x128x128xi32, #tpu.memory_space<vmem>>
      %dma_start3A_544 = tpu.memref_squeeze %dma_start3A_543 : memref<1x128x128xi32, #tpu.memory_space<vmem>> -> memref<128x128xi32, #tpu.memory_space<vmem>>
      %dma_start3A_545 = arith.constant 0 : i32
      %dma_start3A_546 = tpu.memref_slice %arg4[%add3A_463, %dma_start3A_545] : memref<81920x128xi32, #tpu.memory_space<hbm>> -> memref<128x128xi32, #tpu.memory_space<hbm>>
      %dma_start3A_547 = arith.constant 0 : i32
      %dma_start3A_548 = tpu.memref_slice %arg4[%add3A_463, %dma_start3A_547] : memref<81920x128xi32, #tpu.memory_space<hbm>> -> memref<128x128xi32, #tpu.memory_space<hbm>>
      %dma_start3A_549 = arith.constant 0 : i32
      %dma_start3A_550 = arith.constant 0 : i32
      %dma_start3A_551 = tpu.memref_slice %arg6[%run_scoped3A_464, %dma_start3A_549, %dma_start3A_550] : memref<6x128x128xi32, #tpu.memory_space<vmem>> -> memref<1x128x128xi32, #tpu.memory_space<vmem>>
      %dma_start3A_552 = tpu.memref_squeeze %dma_start3A_551 : memref<1x128x128xi32, #tpu.memory_space<vmem>> -> memref<128x128xi32, #tpu.memory_space<vmem>>
      tpu.enqueue_dma source(%dma_start3A_552 : memref<128x128xi32, #tpu.memory_space<vmem>>) target(%dma_start3A_548 : memref<128x128xi32, #tpu.memory_space<hbm>>) target_semaphore(%run_scoped3A_540 : memref<!tpu.dma_semaphore, #tpu.memory_space<semaphore_mem>>)
      %dma_wait3A_553 = arith.constant 0 : i32
      %dma_wait3A_554 = arith.constant 0 : i32
      %dma_wait3A_555 = tpu.memref_slice %arg6[%run_scoped3A_464, %dma_wait3A_553, %dma_wait3A_554] : memref<6x128x128xi32, #tpu.memory_space<vmem>> -> memref<1x128x128xi32, #tpu.memory_space<vmem>>
      %dma_wait3A_556 = tpu.memref_squeeze %dma_wait3A_555 : memref<1x128x128xi32, #tpu.memory_space<vmem>> -> memref<128x128xi32, #tpu.memory_space<vmem>>
      %dma_wait3A_557 = arith.constant 0 : i32
      %dma_wait3A_558 = tpu.memref_slice %arg4[%add3A_463, %dma_wait3A_557] : memref<81920x128xi32, #tpu.memory_space<hbm>> -> memref<128x128xi32, #tpu.memory_space<hbm>>
      %dma_wait3A_559 = arith.constant 0 : i32
      %dma_wait3A_560 = tpu.memref_slice %arg4[%add3A_463, %dma_wait3A_559] : memref<81920x128xi32, #tpu.memory_space<hbm>> -> memref<128x128xi32, #tpu.memory_space<hbm>>
      %dma_wait3A_561 = arith.constant 0 : i32
      %dma_wait3A_562 = arith.constant 0 : i32
      %dma_wait3A_563 = tpu.memref_slice %arg6[%run_scoped3A_464, %dma_wait3A_561, %dma_wait3A_562] : memref<6x128x128xi32, #tpu.memory_space<vmem>> -> memref<1x128x128xi32, #tpu.memory_space<vmem>>
      %dma_wait3A_564 = tpu.memref_squeeze %dma_wait3A_563 : memref<1x128x128xi32, #tpu.memory_space<vmem>> -> memref<128x128xi32, #tpu.memory_space<vmem>>
      tpu.wait_dma2 semaphore(%run_scoped3A_540 : memref<!tpu.dma_semaphore, #tpu.memory_space<semaphore_mem>>) src(%dma_wait3A_564 : memref<128x128xi32, #tpu.memory_space<vmem>>) dst(%dma_wait3A_560 : memref<128x128xi32, #tpu.memory_space<hbm>>)
      tpu.yield
    }) : () -> ()
    %dma_wait3A_465 = arith.constant 15 : i32
    %dma_wait3A_466 = arith.constant 3 : i32
    %dma_wait3A_467 = arith.constant 0 : i32
    %dma_wait3A_468 = arith.constant 0 : i32
    %dma_wait3A_469 = tpu.memref_slice %arg6[%dma_wait3A_466, %dma_wait3A_467, %dma_wait3A_468] : memref<6x128x128xi32, #tpu.memory_space<vmem>> -> memref<1x128x128xi32, #tpu.memory_space<vmem>>
    %dma_wait3A_470 = tpu.memref_squeeze %dma_wait3A_469 : memref<1x128x128xi32, #tpu.memory_space<vmem>> -> memref<128x128xi32, #tpu.memory_space<vmem>>
    %dma_wait3A_471 = arith.constant 0 : i32
    %dma_wait3A_472 = tpu.memref_slice %arg5[%dma_wait3A_465, %dma_wait3A_471] : memref<20x128xi32, #tpu.memory_space<vmem>> -> memref<1x128xi32, #tpu.memory_space<vmem>>
    %dma_wait3A_473 = tpu.memref_squeeze %dma_wait3A_472 : memref<1x128xi32, #tpu.memory_space<vmem>> -> memref<128xi32, #tpu.memory_space<vmem>>
    %dma_wait3A_474 = arith.constant 0 : i32
    %dma_wait3A_475 = arith.constant 0 : i32
    %dma_wait3A_476 = tpu.memref_slice %arg3[%dma_wait3A_474, %dma_wait3A_475] : memref<253952x128xi32, #tpu.memory_space<hbm>> -> memref<253952x128xi32, #tpu.memory_space<hbm>>
    tpu.wait_indirect_dma semaphore(%arg10 : memref<!tpu.dma_semaphore, #tpu.memory_space<semaphore_mem>>) src(%dma_wait3A_476 : memref<253952x128xi32, #tpu.memory_space<hbm>>) dst(%dma_wait3A_470 : memref<128x128xi32, #tpu.memory_space<vmem>>)
    %add3A_477 = arith.constant 1920 : i32
    %add3A_478 = arith.addi %mul3A_2, %add3A_477 : i32
    %run_scoped3A_479 = arith.constant 3 : i32
    "tpu.region"() ({
      %run_scoped3A_540 = tpu.sem_alloc : memref<!tpu.dma_semaphore, #tpu.memory_space<semaphore_mem>>
      %dma_start3A_541 = arith.constant 0 : i32
      %dma_start3A_542 = arith.constant 0 : i32
      %dma_start3A_543 = tpu.memref_slice %arg6[%run_scoped3A_479, %dma_start3A_541, %dma_start3A_542] : memref<6x128x128xi32, #tpu.memory_space<vmem>> -> memref<1x128x128xi32, #tpu.memory_space<vmem>>
      %dma_start3A_544 = tpu.memref_squeeze %dma_start3A_543 : memref<1x128x128xi32, #tpu.memory_space<vmem>> -> memref<128x128xi32, #tpu.memory_space<vmem>>
      %dma_start3A_545 = arith.constant 0 : i32
      %dma_start3A_546 = tpu.memref_slice %arg4[%add3A_478, %dma_start3A_545] : memref<81920x128xi32, #tpu.memory_space<hbm>> -> memref<128x128xi32, #tpu.memory_space<hbm>>
      %dma_start3A_547 = arith.constant 0 : i32
      %dma_start3A_548 = tpu.memref_slice %arg4[%add3A_478, %dma_start3A_547] : memref<81920x128xi32, #tpu.memory_space<hbm>> -> memref<128x128xi32, #tpu.memory_space<hbm>>
      %dma_start3A_549 = arith.constant 0 : i32
      %dma_start3A_550 = arith.constant 0 : i32
      %dma_start3A_551 = tpu.memref_slice %arg6[%run_scoped3A_479, %dma_start3A_549, %dma_start3A_550] : memref<6x128x128xi32, #tpu.memory_space<vmem>> -> memref<1x128x128xi32, #tpu.memory_space<vmem>>
      %dma_start3A_552 = tpu.memref_squeeze %dma_start3A_551 : memref<1x128x128xi32, #tpu.memory_space<vmem>> -> memref<128x128xi32, #tpu.memory_space<vmem>>
      tpu.enqueue_dma source(%dma_start3A_552 : memref<128x128xi32, #tpu.memory_space<vmem>>) target(%dma_start3A_548 : memref<128x128xi32, #tpu.memory_space<hbm>>) target_semaphore(%run_scoped3A_540 : memref<!tpu.dma_semaphore, #tpu.memory_space<semaphore_mem>>)
      %dma_wait3A_553 = arith.constant 0 : i32
      %dma_wait3A_554 = arith.constant 0 : i32
      %dma_wait3A_555 = tpu.memref_slice %arg6[%run_scoped3A_479, %dma_wait3A_553, %dma_wait3A_554] : memref<6x128x128xi32, #tpu.memory_space<vmem>> -> memref<1x128x128xi32, #tpu.memory_space<vmem>>
      %dma_wait3A_556 = tpu.memref_squeeze %dma_wait3A_555 : memref<1x128x128xi32, #tpu.memory_space<vmem>> -> memref<128x128xi32, #tpu.memory_space<vmem>>
      %dma_wait3A_557 = arith.constant 0 : i32
      %dma_wait3A_558 = tpu.memref_slice %arg4[%add3A_478, %dma_wait3A_557] : memref<81920x128xi32, #tpu.memory_space<hbm>> -> memref<128x128xi32, #tpu.memory_space<hbm>>
      %dma_wait3A_559 = arith.constant 0 : i32
      %dma_wait3A_560 = tpu.memref_slice %arg4[%add3A_478, %dma_wait3A_559] : memref<81920x128xi32, #tpu.memory_space<hbm>> -> memref<128x128xi32, #tpu.memory_space<hbm>>
      %dma_wait3A_561 = arith.constant 0 : i32
      %dma_wait3A_562 = arith.constant 0 : i32
      %dma_wait3A_563 = tpu.memref_slice %arg6[%run_scoped3A_479, %dma_wait3A_561, %dma_wait3A_562] : memref<6x128x128xi32, #tpu.memory_space<vmem>> -> memref<1x128x128xi32, #tpu.memory_space<vmem>>
      %dma_wait3A_564 = tpu.memref_squeeze %dma_wait3A_563 : memref<1x128x128xi32, #tpu.memory_space<vmem>> -> memref<128x128xi32, #tpu.memory_space<vmem>>
      tpu.wait_dma2 semaphore(%run_scoped3A_540 : memref<!tpu.dma_semaphore, #tpu.memory_space<semaphore_mem>>) src(%dma_wait3A_564 : memref<128x128xi32, #tpu.memory_space<vmem>>) dst(%dma_wait3A_560 : memref<128x128xi32, #tpu.memory_space<hbm>>)
      tpu.yield
    }) : () -> ()
    %dma_wait3A_480 = arith.constant 16 : i32
    %dma_wait3A_481 = arith.constant 4 : i32
    %dma_wait3A_482 = arith.constant 0 : i32
    %dma_wait3A_483 = arith.constant 0 : i32
    %dma_wait3A_484 = tpu.memref_slice %arg6[%dma_wait3A_481, %dma_wait3A_482, %dma_wait3A_483] : memref<6x128x128xi32, #tpu.memory_space<vmem>> -> memref<1x128x128xi32, #tpu.memory_space<vmem>>
    %dma_wait3A_485 = tpu.memref_squeeze %dma_wait3A_484 : memref<1x128x128xi32, #tpu.memory_space<vmem>> -> memref<128x128xi32, #tpu.memory_space<vmem>>
    %dma_wait3A_486 = arith.constant 0 : i32
    %dma_wait3A_487 = tpu.memref_slice %arg5[%dma_wait3A_480, %dma_wait3A_486] : memref<20x128xi32, #tpu.memory_space<vmem>> -> memref<1x128xi32, #tpu.memory_space<vmem>>
    %dma_wait3A_488 = tpu.memref_squeeze %dma_wait3A_487 : memref<1x128xi32, #tpu.memory_space<vmem>> -> memref<128xi32, #tpu.memory_space<vmem>>
    %dma_wait3A_489 = arith.constant 0 : i32
    %dma_wait3A_490 = arith.constant 0 : i32
    %dma_wait3A_491 = tpu.memref_slice %arg3[%dma_wait3A_489, %dma_wait3A_490] : memref<253952x128xi32, #tpu.memory_space<hbm>> -> memref<253952x128xi32, #tpu.memory_space<hbm>>
    tpu.wait_indirect_dma semaphore(%arg11 : memref<!tpu.dma_semaphore, #tpu.memory_space<semaphore_mem>>) src(%dma_wait3A_491 : memref<253952x128xi32, #tpu.memory_space<hbm>>) dst(%dma_wait3A_485 : memref<128x128xi32, #tpu.memory_space<vmem>>)
    %add3A_492 = arith.constant 2048 : i32
    %add3A_493 = arith.addi %mul3A_2, %add3A_492 : i32
    %run_scoped3A_494 = arith.constant 4 : i32
    "tpu.region"() ({
      %run_scoped3A_540 = tpu.sem_alloc : memref<!tpu.dma_semaphore, #tpu.memory_space<semaphore_mem>>
      %dma_start3A_541 = arith.constant 0 : i32
      %dma_start3A_542 = arith.constant 0 : i32
      %dma_start3A_543 = tpu.memref_slice %arg6[%run_scoped3A_494, %dma_start3A_541, %dma_start3A_542] : memref<6x128x128xi32, #tpu.memory_space<vmem>> -> memref<1x128x128xi32, #tpu.memory_space<vmem>>
      %dma_start3A_544 = tpu.memref_squeeze %dma_start3A_543 : memref<1x128x128xi32, #tpu.memory_space<vmem>> -> memref<128x128xi32, #tpu.memory_space<vmem>>
      %dma_start3A_545 = arith.constant 0 : i32
      %dma_start3A_546 = tpu.memref_slice %arg4[%add3A_493, %dma_start3A_545] : memref<81920x128xi32, #tpu.memory_space<hbm>> -> memref<128x128xi32, #tpu.memory_space<hbm>>
      %dma_start3A_547 = arith.constant 0 : i32
      %dma_start3A_548 = tpu.memref_slice %arg4[%add3A_493, %dma_start3A_547] : memref<81920x128xi32, #tpu.memory_space<hbm>> -> memref<128x128xi32, #tpu.memory_space<hbm>>
      %dma_start3A_549 = arith.constant 0 : i32
      %dma_start3A_550 = arith.constant 0 : i32
      %dma_start3A_551 = tpu.memref_slice %arg6[%run_scoped3A_494, %dma_start3A_549, %dma_start3A_550] : memref<6x128x128xi32, #tpu.memory_space<vmem>> -> memref<1x128x128xi32, #tpu.memory_space<vmem>>
      %dma_start3A_552 = tpu.memref_squeeze %dma_start3A_551 : memref<1x128x128xi32, #tpu.memory_space<vmem>> -> memref<128x128xi32, #tpu.memory_space<vmem>>
      tpu.enqueue_dma source(%dma_start3A_552 : memref<128x128xi32, #tpu.memory_space<vmem>>) target(%dma_start3A_548 : memref<128x128xi32, #tpu.memory_space<hbm>>) target_semaphore(%run_scoped3A_540 : memref<!tpu.dma_semaphore, #tpu.memory_space<semaphore_mem>>)
      %dma_wait3A_553 = arith.constant 0 : i32
      %dma_wait3A_554 = arith.constant 0 : i32
      %dma_wait3A_555 = tpu.memref_slice %arg6[%run_scoped3A_494, %dma_wait3A_553, %dma_wait3A_554] : memref<6x128x128xi32, #tpu.memory_space<vmem>> -> memref<1x128x128xi32, #tpu.memory_space<vmem>>
      %dma_wait3A_556 = tpu.memref_squeeze %dma_wait3A_555 : memref<1x128x128xi32, #tpu.memory_space<vmem>> -> memref<128x128xi32, #tpu.memory_space<vmem>>
      %dma_wait3A_557 = arith.constant 0 : i32
      %dma_wait3A_558 = tpu.memref_slice %arg4[%add3A_493, %dma_wait3A_557] : memref<81920x128xi32, #tpu.memory_space<hbm>> -> memref<128x128xi32, #tpu.memory_space<hbm>>
      %dma_wait3A_559 = arith.constant 0 : i32
      %dma_wait3A_560 = tpu.memref_slice %arg4[%add3A_493, %dma_wait3A_559] : memref<81920x128xi32, #tpu.memory_space<hbm>> -> memref<128x128xi32, #tpu.memory_space<hbm>>
      %dma_wait3A_561 = arith.constant 0 : i32
      %dma_wait3A_562 = arith.constant 0 : i32
      %dma_wait3A_563 = tpu.memref_slice %arg6[%run_scoped3A_494, %dma_wait3A_561, %dma_wait3A_562] : memref<6x128x128xi32, #tpu.memory_space<vmem>> -> memref<1x128x128xi32, #tpu.memory_space<vmem>>
      %dma_wait3A_564 = tpu.memref_squeeze %dma_wait3A_563 : memref<1x128x128xi32, #tpu.memory_space<vmem>> -> memref<128x128xi32, #tpu.memory_space<vmem>>
      tpu.wait_dma2 semaphore(%run_scoped3A_540 : memref<!tpu.dma_semaphore, #tpu.memory_space<semaphore_mem>>) src(%dma_wait3A_564 : memref<128x128xi32, #tpu.memory_space<vmem>>) dst(%dma_wait3A_560 : memref<128x128xi32, #tpu.memory_space<hbm>>)
      tpu.yield
    }) : () -> ()
    %dma_wait3A_495 = arith.constant 17 : i32
    %dma_wait3A_496 = arith.constant 5 : i32
    %dma_wait3A_497 = arith.constant 0 : i32
    %dma_wait3A_498 = arith.constant 0 : i32
    %dma_wait3A_499 = tpu.memref_slice %arg6[%dma_wait3A_496, %dma_wait3A_497, %dma_wait3A_498] : memref<6x128x128xi32, #tpu.memory_space<vmem>> -> memref<1x128x128xi32, #tpu.memory_space<vmem>>
    %dma_wait3A_500 = tpu.memref_squeeze %dma_wait3A_499 : memref<1x128x128xi32, #tpu.memory_space<vmem>> -> memref<128x128xi32, #tpu.memory_space<vmem>>
    %dma_wait3A_501 = arith.constant 0 : i32
    %dma_wait3A_502 = tpu.memref_slice %arg5[%dma_wait3A_495, %dma_wait3A_501] : memref<20x128xi32, #tpu.memory_space<vmem>> -> memref<1x128xi32, #tpu.memory_space<vmem>>
    %dma_wait3A_503 = tpu.memref_squeeze %dma_wait3A_502 : memref<1x128xi32, #tpu.memory_space<vmem>> -> memref<128xi32, #tpu.memory_space<vmem>>
    %dma_wait3A_504 = arith.constant 0 : i32
    %dma_wait3A_505 = arith.constant 0 : i32
    %dma_wait3A_506 = tpu.memref_slice %arg3[%dma_wait3A_504, %dma_wait3A_505] : memref<253952x128xi32, #tpu.memory_space<hbm>> -> memref<253952x128xi32, #tpu.memory_space<hbm>>
    tpu.wait_indirect_dma semaphore(%arg12 : memref<!tpu.dma_semaphore, #tpu.memory_space<semaphore_mem>>) src(%dma_wait3A_506 : memref<253952x128xi32, #tpu.memory_space<hbm>>) dst(%dma_wait3A_500 : memref<128x128xi32, #tpu.memory_space<vmem>>)
    %add3A_507 = arith.constant 2176 : i32
    %add3A_508 = arith.addi %mul3A_2, %add3A_507 : i32
    %run_scoped3A_509 = arith.constant 5 : i32
    "tpu.region"() ({
      %run_scoped3A_540 = tpu.sem_alloc : memref<!tpu.dma_semaphore, #tpu.memory_space<semaphore_mem>>
      %dma_start3A_541 = arith.constant 0 : i32
      %dma_start3A_542 = arith.constant 0 : i32
      %dma_start3A_543 = tpu.memref_slice %arg6[%run_scoped3A_509, %dma_start3A_541, %dma_start3A_542] : memref<6x128x128xi32, #tpu.memory_space<vmem>> -> memref<1x128x128xi32, #tpu.memory_space<vmem>>
      %dma_start3A_544 = tpu.memref_squeeze %dma_start3A_543 : memref<1x128x128xi32, #tpu.memory_space<vmem>> -> memref<128x128xi32, #tpu.memory_space<vmem>>
      %dma_start3A_545 = arith.constant 0 : i32
      %dma_start3A_546 = tpu.memref_slice %arg4[%add3A_508, %dma_start3A_545] : memref<81920x128xi32, #tpu.memory_space<hbm>> -> memref<128x128xi32, #tpu.memory_space<hbm>>
      %dma_start3A_547 = arith.constant 0 : i32
      %dma_start3A_548 = tpu.memref_slice %arg4[%add3A_508, %dma_start3A_547] : memref<81920x128xi32, #tpu.memory_space<hbm>> -> memref<128x128xi32, #tpu.memory_space<hbm>>
      %dma_start3A_549 = arith.constant 0 : i32
      %dma_start3A_550 = arith.constant 0 : i32
      %dma_start3A_551 = tpu.memref_slice %arg6[%run_scoped3A_509, %dma_start3A_549, %dma_start3A_550] : memref<6x128x128xi32, #tpu.memory_space<vmem>> -> memref<1x128x128xi32, #tpu.memory_space<vmem>>
      %dma_start3A_552 = tpu.memref_squeeze %dma_start3A_551 : memref<1x128x128xi32, #tpu.memory_space<vmem>> -> memref<128x128xi32, #tpu.memory_space<vmem>>
      tpu.enqueue_dma source(%dma_start3A_552 : memref<128x128xi32, #tpu.memory_space<vmem>>) target(%dma_start3A_548 : memref<128x128xi32, #tpu.memory_space<hbm>>) target_semaphore(%run_scoped3A_540 : memref<!tpu.dma_semaphore, #tpu.memory_space<semaphore_mem>>)
      %dma_wait3A_553 = arith.constant 0 : i32
      %dma_wait3A_554 = arith.constant 0 : i32
      %dma_wait3A_555 = tpu.memref_slice %arg6[%run_scoped3A_509, %dma_wait3A_553, %dma_wait3A_554] : memref<6x128x128xi32, #tpu.memory_space<vmem>> -> memref<1x128x128xi32, #tpu.memory_space<vmem>>
      %dma_wait3A_556 = tpu.memref_squeeze %dma_wait3A_555 : memref<1x128x128xi32, #tpu.memory_space<vmem>> -> memref<128x128xi32, #tpu.memory_space<vmem>>
      %dma_wait3A_557 = arith.constant 0 : i32
      %dma_wait3A_558 = tpu.memref_slice %arg4[%add3A_508, %dma_wait3A_557] : memref<81920x128xi32, #tpu.memory_space<hbm>> -> memref<128x128xi32, #tpu.memory_space<hbm>>
      %dma_wait3A_559 = arith.constant 0 : i32
      %dma_wait3A_560 = tpu.memref_slice %arg4[%add3A_508, %dma_wait3A_559] : memref<81920x128xi32, #tpu.memory_space<hbm>> -> memref<128x128xi32, #tpu.memory_space<hbm>>
      %dma_wait3A_561 = arith.constant 0 : i32
      %dma_wait3A_562 = arith.constant 0 : i32
      %dma_wait3A_563 = tpu.memref_slice %arg6[%run_scoped3A_509, %dma_wait3A_561, %dma_wait3A_562] : memref<6x128x128xi32, #tpu.memory_space<vmem>> -> memref<1x128x128xi32, #tpu.memory_space<vmem>>
      %dma_wait3A_564 = tpu.memref_squeeze %dma_wait3A_563 : memref<1x128x128xi32, #tpu.memory_space<vmem>> -> memref<128x128xi32, #tpu.memory_space<vmem>>
      tpu.wait_dma2 semaphore(%run_scoped3A_540 : memref<!tpu.dma_semaphore, #tpu.memory_space<semaphore_mem>>) src(%dma_wait3A_564 : memref<128x128xi32, #tpu.memory_space<vmem>>) dst(%dma_wait3A_560 : memref<128x128xi32, #tpu.memory_space<hbm>>)
      tpu.yield
    }) : () -> ()
    %dma_wait3A_510 = arith.constant 18 : i32
    %dma_wait3A_511 = arith.constant 0 : i32
    %dma_wait3A_512 = arith.constant 0 : i32
    %dma_wait3A_513 = arith.constant 0 : i32
    %dma_wait3A_514 = tpu.memref_slice %arg6[%dma_wait3A_511, %dma_wait3A_512, %dma_wait3A_513] : memref<6x128x128xi32, #tpu.memory_space<vmem>> -> memref<1x128x128xi32, #tpu.memory_space<vmem>>
    %dma_wait3A_515 = tpu.memref_squeeze %dma_wait3A_514 : memref<1x128x128xi32, #tpu.memory_space<vmem>> -> memref<128x128xi32, #tpu.memory_space<vmem>>
    %dma_wait3A_516 = arith.constant 0 : i32
    %dma_wait3A_517 = tpu.memref_slice %arg5[%dma_wait3A_510, %dma_wait3A_516] : memref<20x128xi32, #tpu.memory_space<vmem>> -> memref<1x128xi32, #tpu.memory_space<vmem>>
    %dma_wait3A_518 = tpu.memref_squeeze %dma_wait3A_517 : memref<1x128xi32, #tpu.memory_space<vmem>> -> memref<128xi32, #tpu.memory_space<vmem>>
    %dma_wait3A_519 = arith.constant 0 : i32
    %dma_wait3A_520 = arith.constant 0 : i32
    %dma_wait3A_521 = tpu.memref_slice %arg3[%dma_wait3A_519, %dma_wait3A_520] : memref<253952x128xi32, #tpu.memory_space<hbm>> -> memref<253952x128xi32, #tpu.memory_space<hbm>>
    tpu.wait_indirect_dma semaphore(%arg7 : memref<!tpu.dma_semaphore, #tpu.memory_space<semaphore_mem>>) src(%dma_wait3A_521 : memref<253952x128xi32, #tpu.memory_space<hbm>>) dst(%dma_wait3A_515 : memref<128x128xi32, #tpu.memory_space<vmem>>)
    %add3A_522 = arith.constant 2304 : i32
    %add3A_523 = arith.addi %mul3A_2, %add3A_522 : i32
    %run_scoped3A_524 = arith.constant 0 : i32
    "tpu.region"() ({
      %run_scoped3A_540 = tpu.sem_alloc : memref<!tpu.dma_semaphore, #tpu.memory_space<semaphore_mem>>
      %dma_start3A_541 = arith.constant 0 : i32
      %dma_start3A_542 = arith.constant 0 : i32
      %dma_start3A_543 = tpu.memref_slice %arg6[%run_scoped3A_524, %dma_start3A_541, %dma_start3A_542] : memref<6x128x128xi32, #tpu.memory_space<vmem>> -> memref<1x128x128xi32, #tpu.memory_space<vmem>>
      %dma_start3A_544 = tpu.memref_squeeze %dma_start3A_543 : memref<1x128x128xi32, #tpu.memory_space<vmem>> -> memref<128x128xi32, #tpu.memory_space<vmem>>
      %dma_start3A_545 = arith.constant 0 : i32
      %dma_start3A_546 = tpu.memref_slice %arg4[%add3A_523, %dma_start3A_545] : memref<81920x128xi32, #tpu.memory_space<hbm>> -> memref<128x128xi32, #tpu.memory_space<hbm>>
      %dma_start3A_547 = arith.constant 0 : i32
      %dma_start3A_548 = tpu.memref_slice %arg4[%add3A_523, %dma_start3A_547] : memref<81920x128xi32, #tpu.memory_space<hbm>> -> memref<128x128xi32, #tpu.memory_space<hbm>>
      %dma_start3A_549 = arith.constant 0 : i32
      %dma_start3A_550 = arith.constant 0 : i32
      %dma_start3A_551 = tpu.memref_slice %arg6[%run_scoped3A_524, %dma_start3A_549, %dma_start3A_550] : memref<6x128x128xi32, #tpu.memory_space<vmem>> -> memref<1x128x128xi32, #tpu.memory_space<vmem>>
      %dma_start3A_552 = tpu.memref_squeeze %dma_start3A_551 : memref<1x128x128xi32, #tpu.memory_space<vmem>> -> memref<128x128xi32, #tpu.memory_space<vmem>>
      tpu.enqueue_dma source(%dma_start3A_552 : memref<128x128xi32, #tpu.memory_space<vmem>>) target(%dma_start3A_548 : memref<128x128xi32, #tpu.memory_space<hbm>>) target_semaphore(%run_scoped3A_540 : memref<!tpu.dma_semaphore, #tpu.memory_space<semaphore_mem>>)
      %dma_wait3A_553 = arith.constant 0 : i32
      %dma_wait3A_554 = arith.constant 0 : i32
      %dma_wait3A_555 = tpu.memref_slice %arg6[%run_scoped3A_524, %dma_wait3A_553, %dma_wait3A_554] : memref<6x128x128xi32, #tpu.memory_space<vmem>> -> memref<1x128x128xi32, #tpu.memory_space<vmem>>
      %dma_wait3A_556 = tpu.memref_squeeze %dma_wait3A_555 : memref<1x128x128xi32, #tpu.memory_space<vmem>> -> memref<128x128xi32, #tpu.memory_space<vmem>>
      %dma_wait3A_557 = arith.constant 0 : i32
      %dma_wait3A_558 = tpu.memref_slice %arg4[%add3A_523, %dma_wait3A_557] : memref<81920x128xi32, #tpu.memory_space<hbm>> -> memref<128x128xi32, #tpu.memory_space<hbm>>
      %dma_wait3A_559 = arith.constant 0 : i32
      %dma_wait3A_560 = tpu.memref_slice %arg4[%add3A_523, %dma_wait3A_559] : memref<81920x128xi32, #tpu.memory_space<hbm>> -> memref<128x128xi32, #tpu.memory_space<hbm>>
      %dma_wait3A_561 = arith.constant 0 : i32
      %dma_wait3A_562 = arith.constant 0 : i32
      %dma_wait3A_563 = tpu.memref_slice %arg6[%run_scoped3A_524, %dma_wait3A_561, %dma_wait3A_562] : memref<6x128x128xi32, #tpu.memory_space<vmem>> -> memref<1x128x128xi32, #tpu.memory_space<vmem>>
      %dma_wait3A_564 = tpu.memref_squeeze %dma_wait3A_563 : memref<1x128x128xi32, #tpu.memory_space<vmem>> -> memref<128x128xi32, #tpu.memory_space<vmem>>
      tpu.wait_dma2 semaphore(%run_scoped3A_540 : memref<!tpu.dma_semaphore, #tpu.memory_space<semaphore_mem>>) src(%dma_wait3A_564 : memref<128x128xi32, #tpu.memory_space<vmem>>) dst(%dma_wait3A_560 : memref<128x128xi32, #tpu.memory_space<hbm>>)
      tpu.yield
    }) : () -> ()
    %dma_wait3A_525 = arith.constant 19 : i32
    %dma_wait3A_526 = arith.constant 1 : i32
    %dma_wait3A_527 = arith.constant 0 : i32
    %dma_wait3A_528 = arith.constant 0 : i32
    %dma_wait3A_529 = tpu.memref_slice %arg6[%dma_wait3A_526, %dma_wait3A_527, %dma_wait3A_528] : memref<6x128x128xi32, #tpu.memory_space<vmem>> -> memref<1x128x128xi32, #tpu.memory_space<vmem>>
    %dma_wait3A_530 = tpu.memref_squeeze %dma_wait3A_529 : memref<1x128x128xi32, #tpu.memory_space<vmem>> -> memref<128x128xi32, #tpu.memory_space<vmem>>
    %dma_wait3A_531 = arith.constant 0 : i32
    %dma_wait3A_532 = tpu.memref_slice %arg5[%dma_wait3A_525, %dma_wait3A_531] : memref<20x128xi32, #tpu.memory_space<vmem>> -> memref<1x128xi32, #tpu.memory_space<vmem>>
    %dma_wait3A_533 = tpu.memref_squeeze %dma_wait3A_532 : memref<1x128xi32, #tpu.memory_space<vmem>> -> memref<128xi32, #tpu.memory_space<vmem>>
    %dma_wait3A_534 = arith.constant 0 : i32
    %dma_wait3A_535 = arith.constant 0 : i32
    %dma_wait3A_536 = tpu.memref_slice %arg3[%dma_wait3A_534, %dma_wait3A_535] : memref<253952x128xi32, #tpu.memory_space<hbm>> -> memref<253952x128xi32, #tpu.memory_space<hbm>>
    tpu.wait_indirect_dma semaphore(%arg8 : memref<!tpu.dma_semaphore, #tpu.memory_space<semaphore_mem>>) src(%dma_wait3A_536 : memref<253952x128xi32, #tpu.memory_space<hbm>>) dst(%dma_wait3A_530 : memref<128x128xi32, #tpu.memory_space<vmem>>)
    %add3A_537 = arith.constant 2432 : i32
    %add3A_538 = arith.addi %mul3A_2, %add3A_537 : i32
    %run_scoped3A_539 = arith.constant 1 : i32
    "tpu.region"() ({
      %run_scoped3A_540 = tpu.sem_alloc : memref<!tpu.dma_semaphore, #tpu.memory_space<semaphore_mem>>
      %dma_start3A_541 = arith.constant 0 : i32
      %dma_start3A_542 = arith.constant 0 : i32
      %dma_start3A_543 = tpu.memref_slice %arg6[%run_scoped3A_539, %dma_start3A_541, %dma_start3A_542] : memref<6x128x128xi32, #tpu.memory_space<vmem>> -> memref<1x128x128xi32, #tpu.memory_space<vmem>>
      %dma_start3A_544 = tpu.memref_squeeze %dma_start3A_543 : memref<1x128x128xi32, #tpu.memory_space<vmem>> -> memref<128x128xi32, #tpu.memory_space<vmem>>
      %dma_start3A_545 = arith.constant 0 : i32
      %dma_start3A_546 = tpu.memref_slice %arg4[%add3A_538, %dma_start3A_545] : memref<81920x128xi32, #tpu.memory_space<hbm>> -> memref<128x128xi32, #tpu.memory_space<hbm>>
      %dma_start3A_547 = arith.constant 0 : i32
      %dma_start3A_548 = tpu.memref_slice %arg4[%add3A_538, %dma_start3A_547] : memref<81920x128xi32, #tpu.memory_space<hbm>> -> memref<128x128xi32, #tpu.memory_space<hbm>>
      %dma_start3A_549 = arith.constant 0 : i32
      %dma_start3A_550 = arith.constant 0 : i32
      %dma_start3A_551 = tpu.memref_slice %arg6[%run_scoped3A_539, %dma_start3A_549, %dma_start3A_550] : memref<6x128x128xi32, #tpu.memory_space<vmem>> -> memref<1x128x128xi32, #tpu.memory_space<vmem>>
      %dma_start3A_552 = tpu.memref_squeeze %dma_start3A_551 : memref<1x128x128xi32, #tpu.memory_space<vmem>> -> memref<128x128xi32, #tpu.memory_space<vmem>>
      tpu.enqueue_dma source(%dma_start3A_552 : memref<128x128xi32, #tpu.memory_space<vmem>>) target(%dma_start3A_548 : memref<128x128xi32, #tpu.memory_space<hbm>>) target_semaphore(%run_scoped3A_540 : memref<!tpu.dma_semaphore, #tpu.memory_space<semaphore_mem>>)
      %dma_wait3A_553 = arith.constant 0 : i32
      %dma_wait3A_554 = arith.constant 0 : i32
      %dma_wait3A_555 = tpu.memref_slice %arg6[%run_scoped3A_539, %dma_wait3A_553, %dma_wait3A_554] : memref<6x128x128xi32, #tpu.memory_space<vmem>> -> memref<1x128x128xi32, #tpu.memory_space<vmem>>
      %dma_wait3A_556 = tpu.memref_squeeze %dma_wait3A_555 : memref<1x128x128xi32, #tpu.memory_space<vmem>> -> memref<128x128xi32, #tpu.memory_space<vmem>>
      %dma_wait3A_557 = arith.constant 0 : i32
      %dma_wait3A_558 = tpu.memref_slice %arg4[%add3A_538, %dma_wait3A_557] : memref<81920x128xi32, #tpu.memory_space<hbm>> -> memref<128x128xi32, #tpu.memory_space<hbm>>
      %dma_wait3A_559 = arith.constant 0 : i32
      %dma_wait3A_560 = tpu.memref_slice %arg4[%add3A_538, %dma_wait3A_559] : memref<81920x128xi32, #tpu.memory_space<hbm>> -> memref<128x128xi32, #tpu.memory_space<hbm>>
      %dma_wait3A_561 = arith.constant 0 : i32
      %dma_wait3A_562 = arith.constant 0 : i32
      %dma_wait3A_563 = tpu.memref_slice %arg6[%run_scoped3A_539, %dma_wait3A_561, %dma_wait3A_562] : memref<6x128x128xi32, #tpu.memory_space<vmem>> -> memref<1x128x128xi32, #tpu.memory_space<vmem>>
      %dma_wait3A_564 = tpu.memref_squeeze %dma_wait3A_563 : memref<1x128x128xi32, #tpu.memory_space<vmem>> -> memref<128x128xi32, #tpu.memory_space<vmem>>
      tpu.wait_dma2 semaphore(%run_scoped3A_540 : memref<!tpu.dma_semaphore, #tpu.memory_space<semaphore_mem>>) src(%dma_wait3A_564 : memref<128x128xi32, #tpu.memory_space<vmem>>) dst(%dma_wait3A_560 : memref<128x128xi32, #tpu.memory_space<hbm>>)
      tpu.yield
    }) : () -> ()
    return
  }
}

module attributes {stable_mosaic.version = 14 : i64} {
  func.func @_pack_body(%arg0: i32, %arg1: memref<64x8192xf32, #tpu.memory_space<vmem>>, %arg2: memref<64x8192xf32, #tpu.memory_space<vmem>>, %arg3: memref<64x8192xf32, #tpu.memory_space<vmem>>, %arg4: memref<64x8192xf32, #tpu.memory_space<vmem>>, %arg5: memref<128x128xf32, #tpu.memory_space<vmem>>, %arg6: memref<8192x128xi32, #tpu.memory_space<vmem>>) attributes {dimension_semantics = [#tpu.dimension_semantics<arbitrary>], iteration_bounds = array<i64: 31>, scalar_prefetch = 0 : i64, scratch_operands = 0 : i64, tpu.core_type = #tpu.core_type<tc>, window_params = [{transform_indices = @transform_0, window_bounds = array<i64: 64, 8192>}, {transform_indices = @transform_1, window_bounds = array<i64: 64, 8192>}, {transform_indices = @transform_2, window_bounds = array<i64: 64, 8192>}, {transform_indices = @transform_3, window_bounds = array<i64: 64, 8192>}, {transform_indices = @transform_4, window_bounds = array<i64: 128, 128>}, {transform_indices = @transform_5, window_bounds = array<i64: 8192, 128>}]} {
    %get3A = arith.constant 0 : index
    %get3A_0 = arith.constant 0 : index
    %get3A_1 = vector.load %arg1[%get3A, %get3A_0] : memref<64x8192xf32, #tpu.memory_space<vmem>>, vector<64x8192xf32>
    %bitcast_convert_type3A = tpu.bitcast %get3A_1 : vector<64x8192xf32> -> vector<64x8192xi32>
    %slice3A = vector.extract_strided_slice %bitcast_convert_type3A {offsets = [0, 0], sizes = [32, 8192], strides = [1, 1]} : vector<64x8192xi32> to vector<32x8192xi32>
    %shift_right_logical3A = arith.constant 16 : i32
    %shift_right_logical3A_2 = vector.broadcast %shift_right_logical3A : i32 to vector<32x8192xi32>
    %shift_right_logical3A_3 = arith.shrui %slice3A, %shift_right_logical3A_2 : vector<32x8192xi32>
    %and3A = arith.constant 65535 : i32
    %and3A_4 = vector.broadcast %and3A : i32 to vector<32x8192xi32>
    %and3A_5 = arith.andi %shift_right_logical3A_3, %and3A_4 : vector<32x8192xi32>
    %slice3A_6 = vector.extract_strided_slice %bitcast_convert_type3A {offsets = [32, 0], sizes = [32, 8192], strides = [1, 1]} : vector<64x8192xi32> to vector<32x8192xi32>
    %and3A_7 = arith.constant -65536 : i32
    %and3A_8 = vector.broadcast %and3A_7 : i32 to vector<32x8192xi32>
    %and3A_9 = arith.andi %slice3A_6, %and3A_8 : vector<32x8192xi32>
    %or3A = arith.ori %and3A_5, %and3A_9 : vector<32x8192xi32>
    %get3A_10 = arith.constant 0 : index
    %get3A_11 = arith.constant 0 : index
    %get3A_12 = vector.load %arg2[%get3A_10, %get3A_11] : memref<64x8192xf32, #tpu.memory_space<vmem>>, vector<64x8192xf32>
    %bitcast_convert_type3A_13 = tpu.bitcast %get3A_12 : vector<64x8192xf32> -> vector<64x8192xi32>
    %slice3A_14 = vector.extract_strided_slice %bitcast_convert_type3A_13 {offsets = [0, 0], sizes = [32, 8192], strides = [1, 1]} : vector<64x8192xi32> to vector<32x8192xi32>
    %shift_right_logical3A_15 = arith.constant 16 : i32
    %shift_right_logical3A_16 = vector.broadcast %shift_right_logical3A_15 : i32 to vector<32x8192xi32>
    %shift_right_logical3A_17 = arith.shrui %slice3A_14, %shift_right_logical3A_16 : vector<32x8192xi32>
    %and3A_18 = arith.constant 65535 : i32
    %and3A_19 = vector.broadcast %and3A_18 : i32 to vector<32x8192xi32>
    %and3A_20 = arith.andi %shift_right_logical3A_17, %and3A_19 : vector<32x8192xi32>
    %slice3A_21 = vector.extract_strided_slice %bitcast_convert_type3A_13 {offsets = [32, 0], sizes = [32, 8192], strides = [1, 1]} : vector<64x8192xi32> to vector<32x8192xi32>
    %and3A_22 = arith.constant -65536 : i32
    %and3A_23 = vector.broadcast %and3A_22 : i32 to vector<32x8192xi32>
    %and3A_24 = arith.andi %slice3A_21, %and3A_23 : vector<32x8192xi32>
    %or3A_25 = arith.ori %and3A_20, %and3A_24 : vector<32x8192xi32>
    %get3A_26 = arith.constant 0 : index
    %get3A_27 = arith.constant 0 : index
    %get3A_28 = vector.load %arg3[%get3A_26, %get3A_27] : memref<64x8192xf32, #tpu.memory_space<vmem>>, vector<64x8192xf32>
    %bitcast_convert_type3A_29 = tpu.bitcast %get3A_28 : vector<64x8192xf32> -> vector<64x8192xi32>
    %slice3A_30 = vector.extract_strided_slice %bitcast_convert_type3A_29 {offsets = [0, 0], sizes = [32, 8192], strides = [1, 1]} : vector<64x8192xi32> to vector<32x8192xi32>
    %shift_right_logical3A_31 = arith.constant 16 : i32
    %shift_right_logical3A_32 = vector.broadcast %shift_right_logical3A_31 : i32 to vector<32x8192xi32>
    %shift_right_logical3A_33 = arith.shrui %slice3A_30, %shift_right_logical3A_32 : vector<32x8192xi32>
    %and3A_34 = arith.constant 65535 : i32
    %and3A_35 = vector.broadcast %and3A_34 : i32 to vector<32x8192xi32>
    %and3A_36 = arith.andi %shift_right_logical3A_33, %and3A_35 : vector<32x8192xi32>
    %slice3A_37 = vector.extract_strided_slice %bitcast_convert_type3A_29 {offsets = [32, 0], sizes = [32, 8192], strides = [1, 1]} : vector<64x8192xi32> to vector<32x8192xi32>
    %and3A_38 = arith.constant -65536 : i32
    %and3A_39 = vector.broadcast %and3A_38 : i32 to vector<32x8192xi32>
    %and3A_40 = arith.andi %slice3A_37, %and3A_39 : vector<32x8192xi32>
    %or3A_41 = arith.ori %and3A_36, %and3A_40 : vector<32x8192xi32>
    %get3A_42 = arith.constant 0 : index
    %get3A_43 = arith.constant 0 : index
    %get3A_44 = vector.load %arg4[%get3A_42, %get3A_43] : memref<64x8192xf32, #tpu.memory_space<vmem>>, vector<64x8192xf32>
    %bitcast_convert_type3A_45 = tpu.bitcast %get3A_44 : vector<64x8192xf32> -> vector<64x8192xi32>
    %slice3A_46 = vector.extract_strided_slice %bitcast_convert_type3A_45 {offsets = [0, 0], sizes = [32, 8192], strides = [1, 1]} : vector<64x8192xi32> to vector<32x8192xi32>
    %shift_right_logical3A_47 = arith.constant 16 : i32
    %shift_right_logical3A_48 = vector.broadcast %shift_right_logical3A_47 : i32 to vector<32x8192xi32>
    %shift_right_logical3A_49 = arith.shrui %slice3A_46, %shift_right_logical3A_48 : vector<32x8192xi32>
    %and3A_50 = arith.constant 65535 : i32
    %and3A_51 = vector.broadcast %and3A_50 : i32 to vector<32x8192xi32>
    %and3A_52 = arith.andi %shift_right_logical3A_49, %and3A_51 : vector<32x8192xi32>
    %slice3A_53 = vector.extract_strided_slice %bitcast_convert_type3A_45 {offsets = [32, 0], sizes = [32, 8192], strides = [1, 1]} : vector<64x8192xi32> to vector<32x8192xi32>
    %and3A_54 = arith.constant -65536 : i32
    %and3A_55 = vector.broadcast %and3A_54 : i32 to vector<32x8192xi32>
    %and3A_56 = arith.andi %slice3A_53, %and3A_55 : vector<32x8192xi32>
    %or3A_57 = arith.ori %and3A_52, %and3A_56 : vector<32x8192xi32>
    %concatenate3A = tpu.concatenate %or3A, %or3A_25, %or3A_41, %or3A_57 in 0 : vector<32x8192xi32>, vector<32x8192xi32>, vector<32x8192xi32>, vector<32x8192xi32> -> vector<128x8192xi32>
    %bitcast_convert_type3A_58 = tpu.bitcast %concatenate3A : vector<128x8192xi32> -> vector<128x8192xf32>
    %get3A_59 = arith.constant 0 : index
    %get3A_60 = arith.constant 0 : index
    %get3A_61 = vector.load %arg5[%get3A_59, %get3A_60] : memref<128x128xf32, #tpu.memory_space<vmem>>, vector<128x128xf32>
    %dot_general3A = arith.constant dense<0.000000e+00> : vector<8192x128xf32>
    %dot_general3A_62 = tpu.matmul %bitcast_convert_type3A_58, %get3A_61, %dot_general3A {dimension_numbers = #tpu.dot_dimension_numbers<[0], [0], [1], [1], [0, 1, 1, 1], [], []>, transpose_lhs_hint = false} : vector<128x8192xf32>, vector<128x128xf32>, vector<8192x128xf32> -> vector<8192x128xf32>
    %bitcast_convert_type3A_63 = tpu.bitcast %dot_general3A_62 : vector<8192x128xf32> -> vector<8192x128xi32>
    %swap3A = arith.constant 0 : index
    %swap3A_64 = arith.constant 0 : index
    %swap3A_65 = vector.load %arg6[%swap3A, %swap3A_64] : memref<8192x128xi32, #tpu.memory_space<vmem>>, vector<8192x128xi32>
    tpu.vector_store %arg6[%swap3A, %swap3A_64], %bitcast_convert_type3A_63 {strides = array<i32>} : memref<8192x128xi32, #tpu.memory_space<vmem>>, vector<8192x128xi32>,
    return
  }
  func.func @transform_0(%arg0: i32) -> (i32, i32) {
    %add3A = arith.constant 0 : i32
    %add3A_0 = arith.addi %add3A, %arg0 : i32
    %min3A = arith.constant 121 : i32
    %min3A_1 = arith.minsi %add3A_0, %min3A : i32
    %c0_i32 = arith.constant 0 : i32
    %c0_i32_2 = arith.constant 0 : i32
    return %c0_i32, %min3A_1 : i32, i32
  }
  func.func @transform_1(%arg0: i32) -> (i32, i32) {
    %add3A = arith.constant 31 : i32
    %add3A_0 = arith.addi %add3A, %arg0 : i32
    %min3A = arith.constant 121 : i32
    %min3A_1 = arith.minsi %add3A_0, %min3A : i32
    %c0_i32 = arith.constant 0 : i32
    %c0_i32_2 = arith.constant 0 : i32
    return %c0_i32, %min3A_1 : i32, i32
  }
  func.func @transform_2(%arg0: i32) -> (i32, i32) {
    %add3A = arith.constant 62 : i32
    %add3A_0 = arith.addi %add3A, %arg0 : i32
    %min3A = arith.constant 121 : i32
    %min3A_1 = arith.minsi %add3A_0, %min3A : i32
    %c0_i32 = arith.constant 0 : i32
    %c0_i32_2 = arith.constant 0 : i32
    return %c0_i32, %min3A_1 : i32, i32
  }
  func.func @transform_3(%arg0: i32) -> (i32, i32) {
    %add3A = arith.constant 93 : i32
    %add3A_0 = arith.addi %add3A, %arg0 : i32
    %min3A = arith.constant 121 : i32
    %min3A_1 = arith.minsi %add3A_0, %min3A : i32
    %c0_i32 = arith.constant 0 : i32
    %c0_i32_2 = arith.constant 0 : i32
    return %c0_i32, %min3A_1 : i32, i32
  }
  func.func @transform_4(%arg0: i32) -> (i32, i32) {
    %c0_i32 = arith.constant 0 : i32
    %c0_i32_0 = arith.constant 0 : i32
    %c0_i32_1 = arith.constant 0 : i32
    return %c0_i32, %c0_i32_0 : i32, i32
  }
  func.func @transform_5(%arg0: i32) -> (i32, i32) {
    %c0_i32 = arith.constant 0 : i32
    %c0_i32_0 = arith.constant 0 : i32
    return %arg0, %c0_i32 : i32, i32
  }
}

module attributes {stable_mosaic.version = 14 : i64} {
  func.func @_mlp_t_entry(%arg0: i32, %arg1: memref<2048x128xi32, #tpu.memory_space<vmem>>, %arg2: memref<2048x128xi32, #tpu.memory_space<vmem>>, %arg3: memref<2048x128xi32, #tpu.memory_space<vmem>>, %arg4: memref<2048x128xi32, #tpu.memory_space<vmem>>, %arg5: memref<2048x128xi32, #tpu.memory_space<vmem>>, %arg6: memref<1x2048xi32, #tpu.memory_space<vmem>>, %arg7: memref<1x2048xi32, #tpu.memory_space<vmem>>, %arg8: memref<1x2048xi32, #tpu.memory_space<vmem>>, %arg9: memref<1x2048xi32, #tpu.memory_space<vmem>>, %arg10: memref<1x2048xi32, #tpu.memory_space<vmem>>, %arg11: memref<128x128xf32, #tpu.memory_space<vmem>>, %arg12: memref<128x320xbf16, #tpu.memory_space<vmem>>, %arg13: memref<128x1xf32, #tpu.memory_space<vmem>>, %arg14: memref<128x128xbf16, #tpu.memory_space<vmem>>, %arg15: memref<128x1xf32, #tpu.memory_space<vmem>>, %arg16: memref<128x128xbf16, #tpu.memory_space<vmem>>, %arg17: memref<128x1xf32, #tpu.memory_space<vmem>>, %arg18: memref<128x2048xf32, #tpu.memory_space<vmem>>) attributes {dimension_semantics = [#tpu.dimension_semantics<arbitrary>], iteration_bounds = array<i64: 8>, scalar_prefetch = 0 : i64, scratch_operands = 0 : i64, tpu.core_type = #tpu.core_type<tc>, window_params = [{transform_indices = @transform_0, window_bounds = array<i64: 2048, 128>}, {transform_indices = @transform_1, window_bounds = array<i64: 2048, 128>}, {transform_indices = @transform_2, window_bounds = array<i64: 2048, 128>}, {transform_indices = @transform_3, window_bounds = array<i64: 2048, 128>}, {transform_indices = @transform_4, window_bounds = array<i64: 2048, 128>}, {transform_indices = @transform_5, window_bounds = array<i64: 1, 2048>}, {transform_indices = @transform_6, window_bounds = array<i64: 1, 2048>}, {transform_indices = @transform_7, window_bounds = array<i64: 1, 2048>}, {transform_indices = @transform_8, window_bounds = array<i64: 1, 2048>}, {transform_indices = @transform_9, window_bounds = array<i64: 1, 2048>}, {pipeline_mode = #tpu.pipeline_mode<synchronous>, transform_indices = @transform_10, window_bounds = array<i64: 128, 128>}, {pipeline_mode = #tpu.pipeline_mode<synchronous>, transform_indices = @transform_11, window_bounds = array<i64: 128, 320>}, {pipeline_mode = #tpu.pipeline_mode<synchronous>, transform_indices = @transform_12, window_bounds = array<i64: 128, 1>}, {pipeline_mode = #tpu.pipeline_mode<synchronous>, transform_indices = @transform_13, window_bounds = array<i64: 128, 128>}, {pipeline_mode = #tpu.pipeline_mode<synchronous>, transform_indices = @transform_14, window_bounds = array<i64: 128, 1>}, {pipeline_mode = #tpu.pipeline_mode<synchronous>, transform_indices = @transform_15, window_bounds = array<i64: 128, 128>}, {pipeline_mode = #tpu.pipeline_mode<synchronous>, transform_indices = @transform_16, window_bounds = array<i64: 128, 1>}, {transform_indices = @transform_17, window_bounds = array<i64: 128, 2048>}]} {
    %get3A = arith.constant 0 : index
    %get3A_0 = arith.constant 0 : index
    %get3A_1 = vector.load %arg11[%get3A, %get3A_0] : memref<128x128xf32, #tpu.memory_space<vmem>>, vector<128x128xf32>
    %get3A_2 = arith.constant 0 : index
    %get3A_3 = arith.constant 0 : index
    %get3A_4 = vector.load %arg1[%get3A_2, %get3A_3] : memref<2048x128xi32, #tpu.memory_space<vmem>>, vector<2048x128xi32>
    %shift_left3A = arith.constant 16 : i32
    %shift_left3A_5 = vector.broadcast %shift_left3A : i32 to vector<2048x128xi32>
    %shift_left3A_6 = arith.shli %get3A_4, %shift_left3A_5 : vector<2048x128xi32>
    %bitcast_convert_type3A = tpu.bitcast %shift_left3A_6 : vector<2048x128xi32> -> vector<2048x128xf32>
    %and3A = arith.constant -65536 : i32
    %and3A_7 = vector.broadcast %and3A : i32 to vector<2048x128xi32>
    %and3A_8 = arith.andi %get3A_4, %and3A_7 : vector<2048x128xi32>
    %bitcast_convert_type3A_9 = tpu.bitcast %and3A_8 : vector<2048x128xi32> -> vector<2048x128xf32>
    %get3A_10 = arith.constant 0 : index
    %get3A_11 = arith.constant 0 : index
    %get3A_12 = vector.load %arg6[%get3A_10, %get3A_11] : memref<1x2048xi32, #tpu.memory_space<vmem>>, vector<1x2048xi32>
    %dot_general3A = arith.constant dense<0.000000e+00> : vector<128x2048xf32>
    %dot_general3A_13 = tpu.matmul %get3A_1, %bitcast_convert_type3A, %dot_general3A {dimension_numbers = #tpu.dot_dimension_numbers<[1], [1], [0], [0], [0, 0, 1, 0], [], []>, transpose_lhs_hint = false} : vector<128x128xf32>, vector<2048x128xf32>, vector<128x2048xf32> -> vector<128x2048xf32>
    %broadcast_in_dim3A = arith.constant 0.000000e+00 : f32
    %broadcast_in_dim3A_14 = vector.broadcast %broadcast_in_dim3A : f32 to vector<32x2048xf32>
    %eq3A = arith.constant 0 : i32
    %eq3A_15 = vector.broadcast %eq3A : i32 to vector<1x2048xi32>
    %eq3A_16 = arith.cmpi eq, %get3A_12, %eq3A_15 : vector<1x2048xi32>
    %slice3A = vector.extract_strided_slice %dot_general3A_13 {offsets = [0, 0], sizes = [32, 2048], strides = [1, 1]} : vector<128x2048xf32> to vector<32x2048xf32>
    %broadcast_in_dim3A_17 = vector.shape_cast %eq3A_16 : vector<1x2048xi1> to vector<1x2048xi1>
    %broadcast_in_dim3A_18 = vector.broadcast %broadcast_in_dim3A_17 : vector<1x2048xi1> to vector<32x2048xi1>
    %select_n3A = arith.select %broadcast_in_dim3A_18, %slice3A, %broadcast_in_dim3A_14 : vector<32x2048xi1>, vector<32x2048xf32>
    %eq3A_19 = arith.constant 1 : i32
    %eq3A_20 = vector.broadcast %eq3A_19 : i32 to vector<1x2048xi32>
    %eq3A_21 = arith.cmpi eq, %get3A_12, %eq3A_20 : vector<1x2048xi32>
    %slice3A_22 = vector.extract_strided_slice %dot_general3A_13 {offsets = [32, 0], sizes = [32, 2048], strides = [1, 1]} : vector<128x2048xf32> to vector<32x2048xf32>
    %broadcast_in_dim3A_23 = vector.shape_cast %eq3A_21 : vector<1x2048xi1> to vector<1x2048xi1>
    %broadcast_in_dim3A_24 = vector.broadcast %broadcast_in_dim3A_23 : vector<1x2048xi1> to vector<32x2048xi1>
    %select_n3A_25 = arith.select %broadcast_in_dim3A_24, %slice3A_22, %select_n3A : vector<32x2048xi1>, vector<32x2048xf32>
    %eq3A_26 = arith.constant 2 : i32
    %eq3A_27 = vector.broadcast %eq3A_26 : i32 to vector<1x2048xi32>
    %eq3A_28 = arith.cmpi eq, %get3A_12, %eq3A_27 : vector<1x2048xi32>
    %slice3A_29 = vector.extract_strided_slice %dot_general3A_13 {offsets = [64, 0], sizes = [32, 2048], strides = [1, 1]} : vector<128x2048xf32> to vector<32x2048xf32>
    %broadcast_in_dim3A_30 = vector.shape_cast %eq3A_28 : vector<1x2048xi1> to vector<1x2048xi1>
    %broadcast_in_dim3A_31 = vector.broadcast %broadcast_in_dim3A_30 : vector<1x2048xi1> to vector<32x2048xi1>
    %select_n3A_32 = arith.select %broadcast_in_dim3A_31, %slice3A_29, %select_n3A_25 : vector<32x2048xi1>, vector<32x2048xf32>
    %eq3A_33 = arith.constant 3 : i32
    %eq3A_34 = vector.broadcast %eq3A_33 : i32 to vector<1x2048xi32>
    %eq3A_35 = arith.cmpi eq, %get3A_12, %eq3A_34 : vector<1x2048xi32>
    %slice3A_36 = vector.extract_strided_slice %dot_general3A_13 {offsets = [96, 0], sizes = [32, 2048], strides = [1, 1]} : vector<128x2048xf32> to vector<32x2048xf32>
    %broadcast_in_dim3A_37 = vector.shape_cast %eq3A_35 : vector<1x2048xi1> to vector<1x2048xi1>
    %broadcast_in_dim3A_38 = vector.broadcast %broadcast_in_dim3A_37 : vector<1x2048xi1> to vector<32x2048xi1>
    %select_n3A_39 = arith.select %broadcast_in_dim3A_38, %slice3A_36, %select_n3A_32 : vector<32x2048xi1>, vector<32x2048xf32>
    %dot_general3A_40 = arith.constant dense<0.000000e+00> : vector<128x2048xf32>
    %dot_general3A_41 = tpu.matmul %get3A_1, %bitcast_convert_type3A_9, %dot_general3A_40 {dimension_numbers = #tpu.dot_dimension_numbers<[1], [1], [0], [0], [0, 0, 1, 0], [], []>, transpose_lhs_hint = false} : vector<128x128xf32>, vector<2048x128xf32>, vector<128x2048xf32> -> vector<128x2048xf32>
    %broadcast_in_dim3A_42 = arith.constant 0.000000e+00 : f32
    %broadcast_in_dim3A_43 = vector.broadcast %broadcast_in_dim3A_42 : f32 to vector<32x2048xf32>
    %eq3A_44 = arith.constant 0 : i32
    %eq3A_45 = vector.broadcast %eq3A_44 : i32 to vector<1x2048xi32>
    %eq3A_46 = arith.cmpi eq, %get3A_12, %eq3A_45 : vector<1x2048xi32>
    %slice3A_47 = vector.extract_strided_slice %dot_general3A_41 {offsets = [0, 0], sizes = [32, 2048], strides = [1, 1]} : vector<128x2048xf32> to vector<32x2048xf32>
    %broadcast_in_dim3A_48 = vector.shape_cast %eq3A_46 : vector<1x2048xi1> to vector<1x2048xi1>
    %broadcast_in_dim3A_49 = vector.broadcast %broadcast_in_dim3A_48 : vector<1x2048xi1> to vector<32x2048xi1>
    %select_n3A_50 = arith.select %broadcast_in_dim3A_49, %slice3A_47, %broadcast_in_dim3A_43 : vector<32x2048xi1>, vector<32x2048xf32>
    %eq3A_51 = arith.constant 1 : i32
    %eq3A_52 = vector.broadcast %eq3A_51 : i32 to vector<1x2048xi32>
    %eq3A_53 = arith.cmpi eq, %get3A_12, %eq3A_52 : vector<1x2048xi32>
    %slice3A_54 = vector.extract_strided_slice %dot_general3A_41 {offsets = [32, 0], sizes = [32, 2048], strides = [1, 1]} : vector<128x2048xf32> to vector<32x2048xf32>
    %broadcast_in_dim3A_55 = vector.shape_cast %eq3A_53 : vector<1x2048xi1> to vector<1x2048xi1>
    %broadcast_in_dim3A_56 = vector.broadcast %broadcast_in_dim3A_55 : vector<1x2048xi1> to vector<32x2048xi1>
    %select_n3A_57 = arith.select %broadcast_in_dim3A_56, %slice3A_54, %select_n3A_50 : vector<32x2048xi1>, vector<32x2048xf32>
    %eq3A_58 = arith.constant 2 : i32
    %eq3A_59 = vector.broadcast %eq3A_58 : i32 to vector<1x2048xi32>
    %eq3A_60 = arith.cmpi eq, %get3A_12, %eq3A_59 : vector<1x2048xi32>
    %slice3A_61 = vector.extract_strided_slice %dot_general3A_41 {offsets = [64, 0], sizes = [32, 2048], strides = [1, 1]} : vector<128x2048xf32> to vector<32x2048xf32>
    %broadcast_in_dim3A_62 = vector.shape_cast %eq3A_60 : vector<1x2048xi1> to vector<1x2048xi1>
    %broadcast_in_dim3A_63 = vector.broadcast %broadcast_in_dim3A_62 : vector<1x2048xi1> to vector<32x2048xi1>
    %select_n3A_64 = arith.select %broadcast_in_dim3A_63, %slice3A_61, %select_n3A_57 : vector<32x2048xi1>, vector<32x2048xf32>
    %eq3A_65 = arith.constant 3 : i32
    %eq3A_66 = vector.broadcast %eq3A_65 : i32 to vector<1x2048xi32>
    %eq3A_67 = arith.cmpi eq, %get3A_12, %eq3A_66 : vector<1x2048xi32>
    %slice3A_68 = vector.extract_strided_slice %dot_general3A_41 {offsets = [96, 0], sizes = [32, 2048], strides = [1, 1]} : vector<128x2048xf32> to vector<32x2048xf32>
    %broadcast_in_dim3A_69 = vector.shape_cast %eq3A_67 : vector<1x2048xi1> to vector<1x2048xi1>
    %broadcast_in_dim3A_70 = vector.broadcast %broadcast_in_dim3A_69 : vector<1x2048xi1> to vector<32x2048xi1>
    %select_n3A_71 = arith.select %broadcast_in_dim3A_70, %slice3A_68, %select_n3A_64 : vector<32x2048xi1>, vector<32x2048xf32>
    %get3A_72 = arith.constant 0 : index
    %get3A_73 = arith.constant 0 : index
    %get3A_74 = vector.load %arg2[%get3A_72, %get3A_73] : memref<2048x128xi32, #tpu.memory_space<vmem>>, vector<2048x128xi32>
    %shift_left3A_75 = arith.constant 16 : i32
    %shift_left3A_76 = vector.broadcast %shift_left3A_75 : i32 to vector<2048x128xi32>
    %shift_left3A_77 = arith.shli %get3A_74, %shift_left3A_76 : vector<2048x128xi32>
    %bitcast_convert_type3A_78 = tpu.bitcast %shift_left3A_77 : vector<2048x128xi32> -> vector<2048x128xf32>
    %and3A_79 = arith.constant -65536 : i32
    %and3A_80 = vector.broadcast %and3A_79 : i32 to vector<2048x128xi32>
    %and3A_81 = arith.andi %get3A_74, %and3A_80 : vector<2048x128xi32>
    %bitcast_convert_type3A_82 = tpu.bitcast %and3A_81 : vector<2048x128xi32> -> vector<2048x128xf32>
    %get3A_83 = arith.constant 0 : index
    %get3A_84 = arith.constant 0 : index
    %get3A_85 = vector.load %arg7[%get3A_83, %get3A_84] : memref<1x2048xi32, #tpu.memory_space<vmem>>, vector<1x2048xi32>
    %dot_general3A_86 = arith.constant dense<0.000000e+00> : vector<128x2048xf32>
    %dot_general3A_87 = tpu.matmul %get3A_1, %bitcast_convert_type3A_78, %dot_general3A_86 {dimension_numbers = #tpu.dot_dimension_numbers<[1], [1], [0], [0], [0, 0, 1, 0], [], []>, transpose_lhs_hint = false} : vector<128x128xf32>, vector<2048x128xf32>, vector<128x2048xf32> -> vector<128x2048xf32>
    %broadcast_in_dim3A_88 = arith.constant 0.000000e+00 : f32
    %broadcast_in_dim3A_89 = vector.broadcast %broadcast_in_dim3A_88 : f32 to vector<32x2048xf32>
    %eq3A_90 = arith.constant 0 : i32
    %eq3A_91 = vector.broadcast %eq3A_90 : i32 to vector<1x2048xi32>
    %eq3A_92 = arith.cmpi eq, %get3A_85, %eq3A_91 : vector<1x2048xi32>
    %slice3A_93 = vector.extract_strided_slice %dot_general3A_87 {offsets = [0, 0], sizes = [32, 2048], strides = [1, 1]} : vector<128x2048xf32> to vector<32x2048xf32>
    %broadcast_in_dim3A_94 = vector.shape_cast %eq3A_92 : vector<1x2048xi1> to vector<1x2048xi1>
    %broadcast_in_dim3A_95 = vector.broadcast %broadcast_in_dim3A_94 : vector<1x2048xi1> to vector<32x2048xi1>
    %select_n3A_96 = arith.select %broadcast_in_dim3A_95, %slice3A_93, %broadcast_in_dim3A_89 : vector<32x2048xi1>, vector<32x2048xf32>
    %eq3A_97 = arith.constant 1 : i32
    %eq3A_98 = vector.broadcast %eq3A_97 : i32 to vector<1x2048xi32>
    %eq3A_99 = arith.cmpi eq, %get3A_85, %eq3A_98 : vector<1x2048xi32>
    %slice3A_100 = vector.extract_strided_slice %dot_general3A_87 {offsets = [32, 0], sizes = [32, 2048], strides = [1, 1]} : vector<128x2048xf32> to vector<32x2048xf32>
    %broadcast_in_dim3A_101 = vector.shape_cast %eq3A_99 : vector<1x2048xi1> to vector<1x2048xi1>
    %broadcast_in_dim3A_102 = vector.broadcast %broadcast_in_dim3A_101 : vector<1x2048xi1> to vector<32x2048xi1>
    %select_n3A_103 = arith.select %broadcast_in_dim3A_102, %slice3A_100, %select_n3A_96 : vector<32x2048xi1>, vector<32x2048xf32>
    %eq3A_104 = arith.constant 2 : i32
    %eq3A_105 = vector.broadcast %eq3A_104 : i32 to vector<1x2048xi32>
    %eq3A_106 = arith.cmpi eq, %get3A_85, %eq3A_105 : vector<1x2048xi32>
    %slice3A_107 = vector.extract_strided_slice %dot_general3A_87 {offsets = [64, 0], sizes = [32, 2048], strides = [1, 1]} : vector<128x2048xf32> to vector<32x2048xf32>
    %broadcast_in_dim3A_108 = vector.shape_cast %eq3A_106 : vector<1x2048xi1> to vector<1x2048xi1>
    %broadcast_in_dim3A_109 = vector.broadcast %broadcast_in_dim3A_108 : vector<1x2048xi1> to vector<32x2048xi1>
    %select_n3A_110 = arith.select %broadcast_in_dim3A_109, %slice3A_107, %select_n3A_103 : vector<32x2048xi1>, vector<32x2048xf32>
    %eq3A_111 = arith.constant 3 : i32
    %eq3A_112 = vector.broadcast %eq3A_111 : i32 to vector<1x2048xi32>
    %eq3A_113 = arith.cmpi eq, %get3A_85, %eq3A_112 : vector<1x2048xi32>
    %slice3A_114 = vector.extract_strided_slice %dot_general3A_87 {offsets = [96, 0], sizes = [32, 2048], strides = [1, 1]} : vector<128x2048xf32> to vector<32x2048xf32>
    %broadcast_in_dim3A_115 = vector.shape_cast %eq3A_113 : vector<1x2048xi1> to vector<1x2048xi1>
    %broadcast_in_dim3A_116 = vector.broadcast %broadcast_in_dim3A_115 : vector<1x2048xi1> to vector<32x2048xi1>
    %select_n3A_117 = arith.select %broadcast_in_dim3A_116, %slice3A_114, %select_n3A_110 : vector<32x2048xi1>, vector<32x2048xf32>
    %dot_general3A_118 = arith.constant dense<0.000000e+00> : vector<128x2048xf32>
    %dot_general3A_119 = tpu.matmul %get3A_1, %bitcast_convert_type3A_82, %dot_general3A_118 {dimension_numbers = #tpu.dot_dimension_numbers<[1], [1], [0], [0], [0, 0, 1, 0], [], []>, transpose_lhs_hint = false} : vector<128x128xf32>, vector<2048x128xf32>, vector<128x2048xf32> -> vector<128x2048xf32>
    %broadcast_in_dim3A_120 = arith.constant 0.000000e+00 : f32
    %broadcast_in_dim3A_121 = vector.broadcast %broadcast_in_dim3A_120 : f32 to vector<32x2048xf32>
    %eq3A_122 = arith.constant 0 : i32
    %eq3A_123 = vector.broadcast %eq3A_122 : i32 to vector<1x2048xi32>
    %eq3A_124 = arith.cmpi eq, %get3A_85, %eq3A_123 : vector<1x2048xi32>
    %slice3A_125 = vector.extract_strided_slice %dot_general3A_119 {offsets = [0, 0], sizes = [32, 2048], strides = [1, 1]} : vector<128x2048xf32> to vector<32x2048xf32>
    %broadcast_in_dim3A_126 = vector.shape_cast %eq3A_124 : vector<1x2048xi1> to vector<1x2048xi1>
    %broadcast_in_dim3A_127 = vector.broadcast %broadcast_in_dim3A_126 : vector<1x2048xi1> to vector<32x2048xi1>
    %select_n3A_128 = arith.select %broadcast_in_dim3A_127, %slice3A_125, %broadcast_in_dim3A_121 : vector<32x2048xi1>, vector<32x2048xf32>
    %eq3A_129 = arith.constant 1 : i32
    %eq3A_130 = vector.broadcast %eq3A_129 : i32 to vector<1x2048xi32>
    %eq3A_131 = arith.cmpi eq, %get3A_85, %eq3A_130 : vector<1x2048xi32>
    %slice3A_132 = vector.extract_strided_slice %dot_general3A_119 {offsets = [32, 0], sizes = [32, 2048], strides = [1, 1]} : vector<128x2048xf32> to vector<32x2048xf32>
    %broadcast_in_dim3A_133 = vector.shape_cast %eq3A_131 : vector<1x2048xi1> to vector<1x2048xi1>
    %broadcast_in_dim3A_134 = vector.broadcast %broadcast_in_dim3A_133 : vector<1x2048xi1> to vector<32x2048xi1>
    %select_n3A_135 = arith.select %broadcast_in_dim3A_134, %slice3A_132, %select_n3A_128 : vector<32x2048xi1>, vector<32x2048xf32>
    %eq3A_136 = arith.constant 2 : i32
    %eq3A_137 = vector.broadcast %eq3A_136 : i32 to vector<1x2048xi32>
    %eq3A_138 = arith.cmpi eq, %get3A_85, %eq3A_137 : vector<1x2048xi32>
    %slice3A_139 = vector.extract_strided_slice %dot_general3A_119 {offsets = [64, 0], sizes = [32, 2048], strides = [1, 1]} : vector<128x2048xf32> to vector<32x2048xf32>
    %broadcast_in_dim3A_140 = vector.shape_cast %eq3A_138 : vector<1x2048xi1> to vector<1x2048xi1>
    %broadcast_in_dim3A_141 = vector.broadcast %broadcast_in_dim3A_140 : vector<1x2048xi1> to vector<32x2048xi1>
    %select_n3A_142 = arith.select %broadcast_in_dim3A_141, %slice3A_139, %select_n3A_135 : vector<32x2048xi1>, vector<32x2048xf32>
    %eq3A_143 = arith.constant 3 : i32
    %eq3A_144 = vector.broadcast %eq3A_143 : i32 to vector<1x2048xi32>
    %eq3A_145 = arith.cmpi eq, %get3A_85, %eq3A_144 : vector<1x2048xi32>
    %slice3A_146 = vector.extract_strided_slice %dot_general3A_119 {offsets = [96, 0], sizes = [32, 2048], strides = [1, 1]} : vector<128x2048xf32> to vector<32x2048xf32>
    %broadcast_in_dim3A_147 = vector.shape_cast %eq3A_145 : vector<1x2048xi1> to vector<1x2048xi1>
    %broadcast_in_dim3A_148 = vector.broadcast %broadcast_in_dim3A_147 : vector<1x2048xi1> to vector<32x2048xi1>
    %select_n3A_149 = arith.select %broadcast_in_dim3A_148, %slice3A_146, %select_n3A_142 : vector<32x2048xi1>, vector<32x2048xf32>
    %get3A_150 = arith.constant 0 : index
    %get3A_151 = arith.constant 0 : index
    %get3A_152 = vector.load %arg3[%get3A_150, %get3A_151] : memref<2048x128xi32, #tpu.memory_space<vmem>>, vector<2048x128xi32>
    %shift_left3A_153 = arith.constant 16 : i32
    %shift_left3A_154 = vector.broadcast %shift_left3A_153 : i32 to vector<2048x128xi32>
    %shift_left3A_155 = arith.shli %get3A_152, %shift_left3A_154 : vector<2048x128xi32>
    %bitcast_convert_type3A_156 = tpu.bitcast %shift_left3A_155 : vector<2048x128xi32> -> vector<2048x128xf32>
    %and3A_157 = arith.constant -65536 : i32
    %and3A_158 = vector.broadcast %and3A_157 : i32 to vector<2048x128xi32>
    %and3A_159 = arith.andi %get3A_152, %and3A_158 : vector<2048x128xi32>
    %bitcast_convert_type3A_160 = tpu.bitcast %and3A_159 : vector<2048x128xi32> -> vector<2048x128xf32>
    %get3A_161 = arith.constant 0 : index
    %get3A_162 = arith.constant 0 : index
    %get3A_163 = vector.load %arg8[%get3A_161, %get3A_162] : memref<1x2048xi32, #tpu.memory_space<vmem>>, vector<1x2048xi32>
    %dot_general3A_164 = arith.constant dense<0.000000e+00> : vector<128x2048xf32>
    %dot_general3A_165 = tpu.matmul %get3A_1, %bitcast_convert_type3A_156, %dot_general3A_164 {dimension_numbers = #tpu.dot_dimension_numbers<[1], [1], [0], [0], [0, 0, 1, 0], [], []>, transpose_lhs_hint = false} : vector<128x128xf32>, vector<2048x128xf32>, vector<128x2048xf32> -> vector<128x2048xf32>
    %broadcast_in_dim3A_166 = arith.constant 0.000000e+00 : f32
    %broadcast_in_dim3A_167 = vector.broadcast %broadcast_in_dim3A_166 : f32 to vector<32x2048xf32>
    %eq3A_168 = arith.constant 0 : i32
    %eq3A_169 = vector.broadcast %eq3A_168 : i32 to vector<1x2048xi32>
    %eq3A_170 = arith.cmpi eq, %get3A_163, %eq3A_169 : vector<1x2048xi32>
    %slice3A_171 = vector.extract_strided_slice %dot_general3A_165 {offsets = [0, 0], sizes = [32, 2048], strides = [1, 1]} : vector<128x2048xf32> to vector<32x2048xf32>
    %broadcast_in_dim3A_172 = vector.shape_cast %eq3A_170 : vector<1x2048xi1> to vector<1x2048xi1>
    %broadcast_in_dim3A_173 = vector.broadcast %broadcast_in_dim3A_172 : vector<1x2048xi1> to vector<32x2048xi1>
    %select_n3A_174 = arith.select %broadcast_in_dim3A_173, %slice3A_171, %broadcast_in_dim3A_167 : vector<32x2048xi1>, vector<32x2048xf32>
    %eq3A_175 = arith.constant 1 : i32
    %eq3A_176 = vector.broadcast %eq3A_175 : i32 to vector<1x2048xi32>
    %eq3A_177 = arith.cmpi eq, %get3A_163, %eq3A_176 : vector<1x2048xi32>
    %slice3A_178 = vector.extract_strided_slice %dot_general3A_165 {offsets = [32, 0], sizes = [32, 2048], strides = [1, 1]} : vector<128x2048xf32> to vector<32x2048xf32>
    %broadcast_in_dim3A_179 = vector.shape_cast %eq3A_177 : vector<1x2048xi1> to vector<1x2048xi1>
    %broadcast_in_dim3A_180 = vector.broadcast %broadcast_in_dim3A_179 : vector<1x2048xi1> to vector<32x2048xi1>
    %select_n3A_181 = arith.select %broadcast_in_dim3A_180, %slice3A_178, %select_n3A_174 : vector<32x2048xi1>, vector<32x2048xf32>
    %eq3A_182 = arith.constant 2 : i32
    %eq3A_183 = vector.broadcast %eq3A_182 : i32 to vector<1x2048xi32>
    %eq3A_184 = arith.cmpi eq, %get3A_163, %eq3A_183 : vector<1x2048xi32>
    %slice3A_185 = vector.extract_strided_slice %dot_general3A_165 {offsets = [64, 0], sizes = [32, 2048], strides = [1, 1]} : vector<128x2048xf32> to vector<32x2048xf32>
    %broadcast_in_dim3A_186 = vector.shape_cast %eq3A_184 : vector<1x2048xi1> to vector<1x2048xi1>
    %broadcast_in_dim3A_187 = vector.broadcast %broadcast_in_dim3A_186 : vector<1x2048xi1> to vector<32x2048xi1>
    %select_n3A_188 = arith.select %broadcast_in_dim3A_187, %slice3A_185, %select_n3A_181 : vector<32x2048xi1>, vector<32x2048xf32>
    %eq3A_189 = arith.constant 3 : i32
    %eq3A_190 = vector.broadcast %eq3A_189 : i32 to vector<1x2048xi32>
    %eq3A_191 = arith.cmpi eq, %get3A_163, %eq3A_190 : vector<1x2048xi32>
    %slice3A_192 = vector.extract_strided_slice %dot_general3A_165 {offsets = [96, 0], sizes = [32, 2048], strides = [1, 1]} : vector<128x2048xf32> to vector<32x2048xf32>
    %broadcast_in_dim3A_193 = vector.shape_cast %eq3A_191 : vector<1x2048xi1> to vector<1x2048xi1>
    %broadcast_in_dim3A_194 = vector.broadcast %broadcast_in_dim3A_193 : vector<1x2048xi1> to vector<32x2048xi1>
    %select_n3A_195 = arith.select %broadcast_in_dim3A_194, %slice3A_192, %select_n3A_188 : vector<32x2048xi1>, vector<32x2048xf32>
    %dot_general3A_196 = arith.constant dense<0.000000e+00> : vector<128x2048xf32>
    %dot_general3A_197 = tpu.matmul %get3A_1, %bitcast_convert_type3A_160, %dot_general3A_196 {dimension_numbers = #tpu.dot_dimension_numbers<[1], [1], [0], [0], [0, 0, 1, 0], [], []>, transpose_lhs_hint = false} : vector<128x128xf32>, vector<2048x128xf32>, vector<128x2048xf32> -> vector<128x2048xf32>
    %broadcast_in_dim3A_198 = arith.constant 0.000000e+00 : f32
    %broadcast_in_dim3A_199 = vector.broadcast %broadcast_in_dim3A_198 : f32 to vector<32x2048xf32>
    %eq3A_200 = arith.constant 0 : i32
    %eq3A_201 = vector.broadcast %eq3A_200 : i32 to vector<1x2048xi32>
    %eq3A_202 = arith.cmpi eq, %get3A_163, %eq3A_201 : vector<1x2048xi32>
    %slice3A_203 = vector.extract_strided_slice %dot_general3A_197 {offsets = [0, 0], sizes = [32, 2048], strides = [1, 1]} : vector<128x2048xf32> to vector<32x2048xf32>
    %broadcast_in_dim3A_204 = vector.shape_cast %eq3A_202 : vector<1x2048xi1> to vector<1x2048xi1>
    %broadcast_in_dim3A_205 = vector.broadcast %broadcast_in_dim3A_204 : vector<1x2048xi1> to vector<32x2048xi1>
    %select_n3A_206 = arith.select %broadcast_in_dim3A_205, %slice3A_203, %broadcast_in_dim3A_199 : vector<32x2048xi1>, vector<32x2048xf32>
    %eq3A_207 = arith.constant 1 : i32
    %eq3A_208 = vector.broadcast %eq3A_207 : i32 to vector<1x2048xi32>
    %eq3A_209 = arith.cmpi eq, %get3A_163, %eq3A_208 : vector<1x2048xi32>
    %slice3A_210 = vector.extract_strided_slice %dot_general3A_197 {offsets = [32, 0], sizes = [32, 2048], strides = [1, 1]} : vector<128x2048xf32> to vector<32x2048xf32>
    %broadcast_in_dim3A_211 = vector.shape_cast %eq3A_209 : vector<1x2048xi1> to vector<1x2048xi1>
    %broadcast_in_dim3A_212 = vector.broadcast %broadcast_in_dim3A_211 : vector<1x2048xi1> to vector<32x2048xi1>
    %select_n3A_213 = arith.select %broadcast_in_dim3A_212, %slice3A_210, %select_n3A_206 : vector<32x2048xi1>, vector<32x2048xf32>
    %eq3A_214 = arith.constant 2 : i32
    %eq3A_215 = vector.broadcast %eq3A_214 : i32 to vector<1x2048xi32>
    %eq3A_216 = arith.cmpi eq, %get3A_163, %eq3A_215 : vector<1x2048xi32>
    %slice3A_217 = vector.extract_strided_slice %dot_general3A_197 {offsets = [64, 0], sizes = [32, 2048], strides = [1, 1]} : vector<128x2048xf32> to vector<32x2048xf32>
    %broadcast_in_dim3A_218 = vector.shape_cast %eq3A_216 : vector<1x2048xi1> to vector<1x2048xi1>
    %broadcast_in_dim3A_219 = vector.broadcast %broadcast_in_dim3A_218 : vector<1x2048xi1> to vector<32x2048xi1>
    %select_n3A_220 = arith.select %broadcast_in_dim3A_219, %slice3A_217, %select_n3A_213 : vector<32x2048xi1>, vector<32x2048xf32>
    %eq3A_221 = arith.constant 3 : i32
    %eq3A_222 = vector.broadcast %eq3A_221 : i32 to vector<1x2048xi32>
    %eq3A_223 = arith.cmpi eq, %get3A_163, %eq3A_222 : vector<1x2048xi32>
    %slice3A_224 = vector.extract_strided_slice %dot_general3A_197 {offsets = [96, 0], sizes = [32, 2048], strides = [1, 1]} : vector<128x2048xf32> to vector<32x2048xf32>
    %broadcast_in_dim3A_225 = vector.shape_cast %eq3A_223 : vector<1x2048xi1> to vector<1x2048xi1>
    %broadcast_in_dim3A_226 = vector.broadcast %broadcast_in_dim3A_225 : vector<1x2048xi1> to vector<32x2048xi1>
    %select_n3A_227 = arith.select %broadcast_in_dim3A_226, %slice3A_224, %select_n3A_220 : vector<32x2048xi1>, vector<32x2048xf32>
    %get3A_228 = arith.constant 0 : index
    %get3A_229 = arith.constant 0 : index
    %get3A_230 = vector.load %arg4[%get3A_228, %get3A_229] : memref<2048x128xi32, #tpu.memory_space<vmem>>, vector<2048x128xi32>
    %shift_left3A_231 = arith.constant 16 : i32
    %shift_left3A_232 = vector.broadcast %shift_left3A_231 : i32 to vector<2048x128xi32>
    %shift_left3A_233 = arith.shli %get3A_230, %shift_left3A_232 : vector<2048x128xi32>
    %bitcast_convert_type3A_234 = tpu.bitcast %shift_left3A_233 : vector<2048x128xi32> -> vector<2048x128xf32>
    %and3A_235 = arith.constant -65536 : i32
    %and3A_236 = vector.broadcast %and3A_235 : i32 to vector<2048x128xi32>
    %and3A_237 = arith.andi %get3A_230, %and3A_236 : vector<2048x128xi32>
    %bitcast_convert_type3A_238 = tpu.bitcast %and3A_237 : vector<2048x128xi32> -> vector<2048x128xf32>
    %get3A_239 = arith.constant 0 : index
    %get3A_240 = arith.constant 0 : index
    %get3A_241 = vector.load %arg9[%get3A_239, %get3A_240] : memref<1x2048xi32, #tpu.memory_space<vmem>>, vector<1x2048xi32>
    %dot_general3A_242 = arith.constant dense<0.000000e+00> : vector<128x2048xf32>
    %dot_general3A_243 = tpu.matmul %get3A_1, %bitcast_convert_type3A_234, %dot_general3A_242 {dimension_numbers = #tpu.dot_dimension_numbers<[1], [1], [0], [0], [0, 0, 1, 0], [], []>, transpose_lhs_hint = false} : vector<128x128xf32>, vector<2048x128xf32>, vector<128x2048xf32> -> vector<128x2048xf32>
    %broadcast_in_dim3A_244 = arith.constant 0.000000e+00 : f32
    %broadcast_in_dim3A_245 = vector.broadcast %broadcast_in_dim3A_244 : f32 to vector<32x2048xf32>
    %eq3A_246 = arith.constant 0 : i32
    %eq3A_247 = vector.broadcast %eq3A_246 : i32 to vector<1x2048xi32>
    %eq3A_248 = arith.cmpi eq, %get3A_241, %eq3A_247 : vector<1x2048xi32>
    %slice3A_249 = vector.extract_strided_slice %dot_general3A_243 {offsets = [0, 0], sizes = [32, 2048], strides = [1, 1]} : vector<128x2048xf32> to vector<32x2048xf32>
    %broadcast_in_dim3A_250 = vector.shape_cast %eq3A_248 : vector<1x2048xi1> to vector<1x2048xi1>
    %broadcast_in_dim3A_251 = vector.broadcast %broadcast_in_dim3A_250 : vector<1x2048xi1> to vector<32x2048xi1>
    %select_n3A_252 = arith.select %broadcast_in_dim3A_251, %slice3A_249, %broadcast_in_dim3A_245 : vector<32x2048xi1>, vector<32x2048xf32>
    %eq3A_253 = arith.constant 1 : i32
    %eq3A_254 = vector.broadcast %eq3A_253 : i32 to vector<1x2048xi32>
    %eq3A_255 = arith.cmpi eq, %get3A_241, %eq3A_254 : vector<1x2048xi32>
    %slice3A_256 = vector.extract_strided_slice %dot_general3A_243 {offsets = [32, 0], sizes = [32, 2048], strides = [1, 1]} : vector<128x2048xf32> to vector<32x2048xf32>
    %broadcast_in_dim3A_257 = vector.shape_cast %eq3A_255 : vector<1x2048xi1> to vector<1x2048xi1>
    %broadcast_in_dim3A_258 = vector.broadcast %broadcast_in_dim3A_257 : vector<1x2048xi1> to vector<32x2048xi1>
    %select_n3A_259 = arith.select %broadcast_in_dim3A_258, %slice3A_256, %select_n3A_252 : vector<32x2048xi1>, vector<32x2048xf32>
    %eq3A_260 = arith.constant 2 : i32
    %eq3A_261 = vector.broadcast %eq3A_260 : i32 to vector<1x2048xi32>
    %eq3A_262 = arith.cmpi eq, %get3A_241, %eq3A_261 : vector<1x2048xi32>
    %slice3A_263 = vector.extract_strided_slice %dot_general3A_243 {offsets = [64, 0], sizes = [32, 2048], strides = [1, 1]} : vector<128x2048xf32> to vector<32x2048xf32>
    %broadcast_in_dim3A_264 = vector.shape_cast %eq3A_262 : vector<1x2048xi1> to vector<1x2048xi1>
    %broadcast_in_dim3A_265 = vector.broadcast %broadcast_in_dim3A_264 : vector<1x2048xi1> to vector<32x2048xi1>
    %select_n3A_266 = arith.select %broadcast_in_dim3A_265, %slice3A_263, %select_n3A_259 : vector<32x2048xi1>, vector<32x2048xf32>
    %eq3A_267 = arith.constant 3 : i32
    %eq3A_268 = vector.broadcast %eq3A_267 : i32 to vector<1x2048xi32>
    %eq3A_269 = arith.cmpi eq, %get3A_241, %eq3A_268 : vector<1x2048xi32>
    %slice3A_270 = vector.extract_strided_slice %dot_general3A_243 {offsets = [96, 0], sizes = [32, 2048], strides = [1, 1]} : vector<128x2048xf32> to vector<32x2048xf32>
    %broadcast_in_dim3A_271 = vector.shape_cast %eq3A_269 : vector<1x2048xi1> to vector<1x2048xi1>
    %broadcast_in_dim3A_272 = vector.broadcast %broadcast_in_dim3A_271 : vector<1x2048xi1> to vector<32x2048xi1>
    %select_n3A_273 = arith.select %broadcast_in_dim3A_272, %slice3A_270, %select_n3A_266 : vector<32x2048xi1>, vector<32x2048xf32>
    %dot_general3A_274 = arith.constant dense<0.000000e+00> : vector<128x2048xf32>
    %dot_general3A_275 = tpu.matmul %get3A_1, %bitcast_convert_type3A_238, %dot_general3A_274 {dimension_numbers = #tpu.dot_dimension_numbers<[1], [1], [0], [0], [0, 0, 1, 0], [], []>, transpose_lhs_hint = false} : vector<128x128xf32>, vector<2048x128xf32>, vector<128x2048xf32> -> vector<128x2048xf32>
    %broadcast_in_dim3A_276 = arith.constant 0.000000e+00 : f32
    %broadcast_in_dim3A_277 = vector.broadcast %broadcast_in_dim3A_276 : f32 to vector<32x2048xf32>
    %eq3A_278 = arith.constant 0 : i32
    %eq3A_279 = vector.broadcast %eq3A_278 : i32 to vector<1x2048xi32>
    %eq3A_280 = arith.cmpi eq, %get3A_241, %eq3A_279 : vector<1x2048xi32>
    %slice3A_281 = vector.extract_strided_slice %dot_general3A_275 {offsets = [0, 0], sizes = [32, 2048], strides = [1, 1]} : vector<128x2048xf32> to vector<32x2048xf32>
    %broadcast_in_dim3A_282 = vector.shape_cast %eq3A_280 : vector<1x2048xi1> to vector<1x2048xi1>
    %broadcast_in_dim3A_283 = vector.broadcast %broadcast_in_dim3A_282 : vector<1x2048xi1> to vector<32x2048xi1>
    %select_n3A_284 = arith.select %broadcast_in_dim3A_283, %slice3A_281, %broadcast_in_dim3A_277 : vector<32x2048xi1>, vector<32x2048xf32>
    %eq3A_285 = arith.constant 1 : i32
    %eq3A_286 = vector.broadcast %eq3A_285 : i32 to vector<1x2048xi32>
    %eq3A_287 = arith.cmpi eq, %get3A_241, %eq3A_286 : vector<1x2048xi32>
    %slice3A_288 = vector.extract_strided_slice %dot_general3A_275 {offsets = [32, 0], sizes = [32, 2048], strides = [1, 1]} : vector<128x2048xf32> to vector<32x2048xf32>
    %broadcast_in_dim3A_289 = vector.shape_cast %eq3A_287 : vector<1x2048xi1> to vector<1x2048xi1>
    %broadcast_in_dim3A_290 = vector.broadcast %broadcast_in_dim3A_289 : vector<1x2048xi1> to vector<32x2048xi1>
    %select_n3A_291 = arith.select %broadcast_in_dim3A_290, %slice3A_288, %select_n3A_284 : vector<32x2048xi1>, vector<32x2048xf32>
    %eq3A_292 = arith.constant 2 : i32
    %eq3A_293 = vector.broadcast %eq3A_292 : i32 to vector<1x2048xi32>
    %eq3A_294 = arith.cmpi eq, %get3A_241, %eq3A_293 : vector<1x2048xi32>
    %slice3A_295 = vector.extract_strided_slice %dot_general3A_275 {offsets = [64, 0], sizes = [32, 2048], strides = [1, 1]} : vector<128x2048xf32> to vector<32x2048xf32>
    %broadcast_in_dim3A_296 = vector.shape_cast %eq3A_294 : vector<1x2048xi1> to vector<1x2048xi1>
    %broadcast_in_dim3A_297 = vector.broadcast %broadcast_in_dim3A_296 : vector<1x2048xi1> to vector<32x2048xi1>
    %select_n3A_298 = arith.select %broadcast_in_dim3A_297, %slice3A_295, %select_n3A_291 : vector<32x2048xi1>, vector<32x2048xf32>
    %eq3A_299 = arith.constant 3 : i32
    %eq3A_300 = vector.broadcast %eq3A_299 : i32 to vector<1x2048xi32>
    %eq3A_301 = arith.cmpi eq, %get3A_241, %eq3A_300 : vector<1x2048xi32>
    %slice3A_302 = vector.extract_strided_slice %dot_general3A_275 {offsets = [96, 0], sizes = [32, 2048], strides = [1, 1]} : vector<128x2048xf32> to vector<32x2048xf32>
    %broadcast_in_dim3A_303 = vector.shape_cast %eq3A_301 : vector<1x2048xi1> to vector<1x2048xi1>
    %broadcast_in_dim3A_304 = vector.broadcast %broadcast_in_dim3A_303 : vector<1x2048xi1> to vector<32x2048xi1>
    %select_n3A_305 = arith.select %broadcast_in_dim3A_304, %slice3A_302, %select_n3A_298 : vector<32x2048xi1>, vector<32x2048xf32>
    %get3A_306 = arith.constant 0 : index
    %get3A_307 = arith.constant 0 : index
    %get3A_308 = vector.load %arg5[%get3A_306, %get3A_307] : memref<2048x128xi32, #tpu.memory_space<vmem>>, vector<2048x128xi32>
    %shift_left3A_309 = arith.constant 16 : i32
    %shift_left3A_310 = vector.broadcast %shift_left3A_309 : i32 to vector<2048x128xi32>
    %shift_left3A_311 = arith.shli %get3A_308, %shift_left3A_310 : vector<2048x128xi32>
    %bitcast_convert_type3A_312 = tpu.bitcast %shift_left3A_311 : vector<2048x128xi32> -> vector<2048x128xf32>
    %and3A_313 = arith.constant -65536 : i32
    %and3A_314 = vector.broadcast %and3A_313 : i32 to vector<2048x128xi32>
    %and3A_315 = arith.andi %get3A_308, %and3A_314 : vector<2048x128xi32>
    %bitcast_convert_type3A_316 = tpu.bitcast %and3A_315 : vector<2048x128xi32> -> vector<2048x128xf32>
    %get3A_317 = arith.constant 0 : index
    %get3A_318 = arith.constant 0 : index
    %get3A_319 = vector.load %arg10[%get3A_317, %get3A_318] : memref<1x2048xi32, #tpu.memory_space<vmem>>, vector<1x2048xi32>
    %dot_general3A_320 = arith.constant dense<0.000000e+00> : vector<128x2048xf32>
    %dot_general3A_321 = tpu.matmul %get3A_1, %bitcast_convert_type3A_312, %dot_general3A_320 {dimension_numbers = #tpu.dot_dimension_numbers<[1], [1], [0], [0], [0, 0, 1, 0], [], []>, transpose_lhs_hint = false} : vector<128x128xf32>, vector<2048x128xf32>, vector<128x2048xf32> -> vector<128x2048xf32>
    %broadcast_in_dim3A_322 = arith.constant 0.000000e+00 : f32
    %broadcast_in_dim3A_323 = vector.broadcast %broadcast_in_dim3A_322 : f32 to vector<32x2048xf32>
    %eq3A_324 = arith.constant 0 : i32
    %eq3A_325 = vector.broadcast %eq3A_324 : i32 to vector<1x2048xi32>
    %eq3A_326 = arith.cmpi eq, %get3A_319, %eq3A_325 : vector<1x2048xi32>
    %slice3A_327 = vector.extract_strided_slice %dot_general3A_321 {offsets = [0, 0], sizes = [32, 2048], strides = [1, 1]} : vector<128x2048xf32> to vector<32x2048xf32>
    %broadcast_in_dim3A_328 = vector.shape_cast %eq3A_326 : vector<1x2048xi1> to vector<1x2048xi1>
    %broadcast_in_dim3A_329 = vector.broadcast %broadcast_in_dim3A_328 : vector<1x2048xi1> to vector<32x2048xi1>
    %select_n3A_330 = arith.select %broadcast_in_dim3A_329, %slice3A_327, %broadcast_in_dim3A_323 : vector<32x2048xi1>, vector<32x2048xf32>
    %eq3A_331 = arith.constant 1 : i32
    %eq3A_332 = vector.broadcast %eq3A_331 : i32 to vector<1x2048xi32>
    %eq3A_333 = arith.cmpi eq, %get3A_319, %eq3A_332 : vector<1x2048xi32>
    %slice3A_334 = vector.extract_strided_slice %dot_general3A_321 {offsets = [32, 0], sizes = [32, 2048], strides = [1, 1]} : vector<128x2048xf32> to vector<32x2048xf32>
    %broadcast_in_dim3A_335 = vector.shape_cast %eq3A_333 : vector<1x2048xi1> to vector<1x2048xi1>
    %broadcast_in_dim3A_336 = vector.broadcast %broadcast_in_dim3A_335 : vector<1x2048xi1> to vector<32x2048xi1>
    %select_n3A_337 = arith.select %broadcast_in_dim3A_336, %slice3A_334, %select_n3A_330 : vector<32x2048xi1>, vector<32x2048xf32>
    %eq3A_338 = arith.constant 2 : i32
    %eq3A_339 = vector.broadcast %eq3A_338 : i32 to vector<1x2048xi32>
    %eq3A_340 = arith.cmpi eq, %get3A_319, %eq3A_339 : vector<1x2048xi32>
    %slice3A_341 = vector.extract_strided_slice %dot_general3A_321 {offsets = [64, 0], sizes = [32, 2048], strides = [1, 1]} : vector<128x2048xf32> to vector<32x2048xf32>
    %broadcast_in_dim3A_342 = vector.shape_cast %eq3A_340 : vector<1x2048xi1> to vector<1x2048xi1>
    %broadcast_in_dim3A_343 = vector.broadcast %broadcast_in_dim3A_342 : vector<1x2048xi1> to vector<32x2048xi1>
    %select_n3A_344 = arith.select %broadcast_in_dim3A_343, %slice3A_341, %select_n3A_337 : vector<32x2048xi1>, vector<32x2048xf32>
    %eq3A_345 = arith.constant 3 : i32
    %eq3A_346 = vector.broadcast %eq3A_345 : i32 to vector<1x2048xi32>
    %eq3A_347 = arith.cmpi eq, %get3A_319, %eq3A_346 : vector<1x2048xi32>
    %slice3A_348 = vector.extract_strided_slice %dot_general3A_321 {offsets = [96, 0], sizes = [32, 2048], strides = [1, 1]} : vector<128x2048xf32> to vector<32x2048xf32>
    %broadcast_in_dim3A_349 = vector.shape_cast %eq3A_347 : vector<1x2048xi1> to vector<1x2048xi1>
    %broadcast_in_dim3A_350 = vector.broadcast %broadcast_in_dim3A_349 : vector<1x2048xi1> to vector<32x2048xi1>
    %select_n3A_351 = arith.select %broadcast_in_dim3A_350, %slice3A_348, %select_n3A_344 : vector<32x2048xi1>, vector<32x2048xf32>
    %dot_general3A_352 = arith.constant dense<0.000000e+00> : vector<128x2048xf32>
    %dot_general3A_353 = tpu.matmul %get3A_1, %bitcast_convert_type3A_316, %dot_general3A_352 {dimension_numbers = #tpu.dot_dimension_numbers<[1], [1], [0], [0], [0, 0, 1, 0], [], []>, transpose_lhs_hint = false} : vector<128x128xf32>, vector<2048x128xf32>, vector<128x2048xf32> -> vector<128x2048xf32>
    %broadcast_in_dim3A_354 = arith.constant 0.000000e+00 : f32
    %broadcast_in_dim3A_355 = vector.broadcast %broadcast_in_dim3A_354 : f32 to vector<32x2048xf32>
    %eq3A_356 = arith.constant 0 : i32
    %eq3A_357 = vector.broadcast %eq3A_356 : i32 to vector<1x2048xi32>
    %eq3A_358 = arith.cmpi eq, %get3A_319, %eq3A_357 : vector<1x2048xi32>
    %slice3A_359 = vector.extract_strided_slice %dot_general3A_353 {offsets = [0, 0], sizes = [32, 2048], strides = [1, 1]} : vector<128x2048xf32> to vector<32x2048xf32>
    %broadcast_in_dim3A_360 = vector.shape_cast %eq3A_358 : vector<1x2048xi1> to vector<1x2048xi1>
    %broadcast_in_dim3A_361 = vector.broadcast %broadcast_in_dim3A_360 : vector<1x2048xi1> to vector<32x2048xi1>
    %select_n3A_362 = arith.select %broadcast_in_dim3A_361, %slice3A_359, %broadcast_in_dim3A_355 : vector<32x2048xi1>, vector<32x2048xf32>
    %eq3A_363 = arith.constant 1 : i32
    %eq3A_364 = vector.broadcast %eq3A_363 : i32 to vector<1x2048xi32>
    %eq3A_365 = arith.cmpi eq, %get3A_319, %eq3A_364 : vector<1x2048xi32>
    %slice3A_366 = vector.extract_strided_slice %dot_general3A_353 {offsets = [32, 0], sizes = [32, 2048], strides = [1, 1]} : vector<128x2048xf32> to vector<32x2048xf32>
    %broadcast_in_dim3A_367 = vector.shape_cast %eq3A_365 : vector<1x2048xi1> to vector<1x2048xi1>
    %broadcast_in_dim3A_368 = vector.broadcast %broadcast_in_dim3A_367 : vector<1x2048xi1> to vector<32x2048xi1>
    %select_n3A_369 = arith.select %broadcast_in_dim3A_368, %slice3A_366, %select_n3A_362 : vector<32x2048xi1>, vector<32x2048xf32>
    %eq3A_370 = arith.constant 2 : i32
    %eq3A_371 = vector.broadcast %eq3A_370 : i32 to vector<1x2048xi32>
    %eq3A_372 = arith.cmpi eq, %get3A_319, %eq3A_371 : vector<1x2048xi32>
    %slice3A_373 = vector.extract_strided_slice %dot_general3A_353 {offsets = [64, 0], sizes = [32, 2048], strides = [1, 1]} : vector<128x2048xf32> to vector<32x2048xf32>
    %broadcast_in_dim3A_374 = vector.shape_cast %eq3A_372 : vector<1x2048xi1> to vector<1x2048xi1>
    %broadcast_in_dim3A_375 = vector.broadcast %broadcast_in_dim3A_374 : vector<1x2048xi1> to vector<32x2048xi1>
    %select_n3A_376 = arith.select %broadcast_in_dim3A_375, %slice3A_373, %select_n3A_369 : vector<32x2048xi1>, vector<32x2048xf32>
    %eq3A_377 = arith.constant 3 : i32
    %eq3A_378 = vector.broadcast %eq3A_377 : i32 to vector<1x2048xi32>
    %eq3A_379 = arith.cmpi eq, %get3A_319, %eq3A_378 : vector<1x2048xi32>
    %slice3A_380 = vector.extract_strided_slice %dot_general3A_353 {offsets = [96, 0], sizes = [32, 2048], strides = [1, 1]} : vector<128x2048xf32> to vector<32x2048xf32>
    %broadcast_in_dim3A_381 = vector.shape_cast %eq3A_379 : vector<1x2048xi1> to vector<1x2048xi1>
    %broadcast_in_dim3A_382 = vector.broadcast %broadcast_in_dim3A_381 : vector<1x2048xi1> to vector<32x2048xi1>
    %select_n3A_383 = arith.select %broadcast_in_dim3A_382, %slice3A_380, %select_n3A_376 : vector<32x2048xi1>, vector<32x2048xf32>
    %concatenate3A = tpu.concatenate %select_n3A_39, %select_n3A_71, %select_n3A_117, %select_n3A_149, %select_n3A_195, %select_n3A_227, %select_n3A_273, %select_n3A_305, %select_n3A_351, %select_n3A_383 in 0 : vector<32x2048xf32>, vector<32x2048xf32>, vector<32x2048xf32>, vector<32x2048xf32>, vector<32x2048xf32>, vector<32x2048xf32>, vector<32x2048xf32>, vector<32x2048xf32>, vector<32x2048xf32>, vector<32x2048xf32> -> vector<320x2048xf32>
    %convert_element_type3A = arith.truncf %concatenate3A : vector<320x2048xf32> to vector<320x2048xbf16>
    %get3A_384 = arith.constant 0 : index
    %get3A_385 = arith.constant 0 : index
    %get3A_386 = vector.load %arg12[%get3A_384, %get3A_385] : memref<128x320xbf16, #tpu.memory_space<vmem>>, vector<128x320xbf16>
    %dot_general3A_387 = arith.constant dense<0.000000e+00> : vector<128x2048xf32>
    %dot_general3A_388 = tpu.matmul %get3A_386, %convert_element_type3A, %dot_general3A_387 {dimension_numbers = #tpu.dot_dimension_numbers<[1], [0], [0], [1], [0, 0, 1, 1], [], []>, transpose_lhs_hint = false} : vector<128x320xbf16>, vector<320x2048xbf16>, vector<128x2048xf32> -> vector<128x2048xf32>
    %get3A_389 = arith.constant 0 : index
    %get3A_390 = arith.constant 0 : index
    %get3A_391 = vector.load %arg13[%get3A_389, %get3A_390] : memref<128x1xf32, #tpu.memory_space<vmem>>, vector<128x1xf32>
    %add3A = vector.broadcast %get3A_391 : vector<128x1xf32> to vector<128x2048xf32>
    %add3A_392 = arith.addf %dot_general3A_388, %add3A : vector<128x2048xf32>
    %max3A = arith.constant 0.000000e+00 : f32
    %max3A_393 = vector.broadcast %max3A : f32 to vector<128x2048xf32>
    %max3A_394 = arith.maximumf %add3A_392, %max3A_393 : vector<128x2048xf32>
    %convert_element_type3A_395 = arith.truncf %max3A_394 : vector<128x2048xf32> to vector<128x2048xbf16>
    %get3A_396 = arith.constant 0 : index
    %get3A_397 = arith.constant 0 : index
    %get3A_398 = vector.load %arg14[%get3A_396, %get3A_397] : memref<128x128xbf16, #tpu.memory_space<vmem>>, vector<128x128xbf16>
    %dot_general3A_399 = arith.constant dense<0.000000e+00> : vector<128x2048xf32>
    %dot_general3A_400 = tpu.matmul %get3A_398, %convert_element_type3A_395, %dot_general3A_399 {dimension_numbers = #tpu.dot_dimension_numbers<[1], [0], [0], [1], [0, 0, 1, 1], [], []>, transpose_lhs_hint = false} : vector<128x128xbf16>, vector<128x2048xbf16>, vector<128x2048xf32> -> vector<128x2048xf32>
    %get3A_401 = arith.constant 0 : index
    %get3A_402 = arith.constant 0 : index
    %get3A_403 = vector.load %arg15[%get3A_401, %get3A_402] : memref<128x1xf32, #tpu.memory_space<vmem>>, vector<128x1xf32>
    %add3A_404 = vector.broadcast %get3A_403 : vector<128x1xf32> to vector<128x2048xf32>
    %add3A_405 = arith.addf %dot_general3A_400, %add3A_404 : vector<128x2048xf32>
    %max3A_406 = arith.constant 0.000000e+00 : f32
    %max3A_407 = vector.broadcast %max3A_406 : f32 to vector<128x2048xf32>
    %max3A_408 = arith.maximumf %add3A_405, %max3A_407 : vector<128x2048xf32>
    %get3A_409 = arith.constant 0 : index
    %get3A_410 = arith.constant 0 : index
    %get3A_411 = vector.load %arg16[%get3A_409, %get3A_410] : memref<128x128xbf16, #tpu.memory_space<vmem>>, vector<128x128xbf16>
    %convert_element_type3A_412 = arith.truncf %max3A_408 : vector<128x2048xf32> to vector<128x2048xbf16>
    %dot_general3A_413 = arith.constant dense<0.000000e+00> : vector<128x2048xf32>
    %dot_general3A_414 = tpu.matmul %get3A_411, %convert_element_type3A_412, %dot_general3A_413 {dimension_numbers = #tpu.dot_dimension_numbers<[1], [0], [0], [1], [0, 0, 1, 1], [], []>, transpose_lhs_hint = false} : vector<128x128xbf16>, vector<128x2048xbf16>, vector<128x2048xf32> -> vector<128x2048xf32>
    %get3A_415 = arith.constant 0 : index
    %get3A_416 = arith.constant 0 : index
    %get3A_417 = vector.load %arg17[%get3A_415, %get3A_416] : memref<128x1xf32, #tpu.memory_space<vmem>>, vector<128x1xf32>
    %add3A_418 = vector.broadcast %get3A_417 : vector<128x1xf32> to vector<128x2048xf32>
    %add3A_419 = arith.addf %dot_general3A_414, %add3A_418 : vector<128x2048xf32>
    %iota3A = tpu.iota {dimensions = array<i32: 0>} : vector<128x2048xi32>
    %lt3A = arith.constant 2 : i32
    %lt3A_420 = vector.broadcast %lt3A : i32 to vector<128x2048xi32>
    %lt3A_421 = arith.cmpi slt, %iota3A, %lt3A_420 : vector<128x2048xi32>
    %jit3A = arith.constant -1.000000e+30 : f32
    %broadcast_in_dim3A_422 = vector.broadcast %jit3A : f32 to vector<128x2048xf32>
    %select_n3A_423 = arith.select %lt3A_421, %add3A_419, %broadcast_in_dim3A_422 : vector<128x2048xi1>, vector<128x2048xf32>
    %reduce_max3A = arith.constant dense<0xFF800000> : vector<2048xf32>
    %reduce_max3A_424 = vector.multi_reduction <maximumf>, %select_n3A_423, %reduce_max3A [0] : vector<128x2048xf32> to vector<2048xf32>
    %broadcast_in_dim3A_425 = vector.shape_cast %reduce_max3A_424 : vector<2048xf32> to vector<1x2048xf32>
    %sub3A = vector.broadcast %broadcast_in_dim3A_425 : vector<1x2048xf32> to vector<128x2048xf32>
    %sub3A_426 = arith.subf %select_n3A_423, %sub3A : vector<128x2048xf32>
    %exp3A = math.exp %sub3A_426 : vector<128x2048xf32>
    %reduce_sum3A = arith.constant dense<0.000000e+00> : vector<2048xf32>
    %reduce_sum3A_427 = vector.multi_reduction <add>, %exp3A, %reduce_sum3A [0] : vector<128x2048xf32> to vector<2048xf32>
    %broadcast_in_dim3A_428 = vector.shape_cast %reduce_sum3A_427 : vector<2048xf32> to vector<1x2048xf32>
    %div3A = vector.broadcast %broadcast_in_dim3A_428 : vector<1x2048xf32> to vector<128x2048xf32>
    %div3A_429 = arith.divf %exp3A, %div3A : vector<128x2048xf32>
    %swap3A = arith.constant 0 : index
    %swap3A_430 = arith.constant 0 : index
    %swap3A_431 = vector.load %arg18[%swap3A, %swap3A_430] : memref<128x2048xf32, #tpu.memory_space<vmem>>, vector<128x2048xf32>
    tpu.vector_store %arg18[%swap3A, %swap3A_430], %div3A_429 {strides = array<i32>} : memref<128x2048xf32, #tpu.memory_space<vmem>>, vector<128x2048xf32>,
    return
  }
  func.func @transform_0(%arg0: i32) -> (i32, i32) {
    %add3A = arith.constant 0 : i32
    %add3A_0 = arith.addi %add3A, %arg0 : i32
    %c0_i32 = arith.constant 0 : i32
    %c0_i32_1 = arith.constant 0 : i32
    return %add3A_0, %c0_i32 : i32, i32
  }
  func.func @transform_1(%arg0: i32) -> (i32, i32) {
    %add3A = arith.constant 8 : i32
    %add3A_0 = arith.addi %add3A, %arg0 : i32
    %c0_i32 = arith.constant 0 : i32
    %c0_i32_1 = arith.constant 0 : i32
    return %add3A_0, %c0_i32 : i32, i32
  }
  func.func @transform_2(%arg0: i32) -> (i32, i32) {
    %add3A = arith.constant 16 : i32
    %add3A_0 = arith.addi %add3A, %arg0 : i32
    %c0_i32 = arith.constant 0 : i32
    %c0_i32_1 = arith.constant 0 : i32
    return %add3A_0, %c0_i32 : i32, i32
  }
  func.func @transform_3(%arg0: i32) -> (i32, i32) {
    %add3A = arith.constant 24 : i32
    %add3A_0 = arith.addi %add3A, %arg0 : i32
    %c0_i32 = arith.constant 0 : i32
    %c0_i32_1 = arith.constant 0 : i32
    return %add3A_0, %c0_i32 : i32, i32
  }
  func.func @transform_4(%arg0: i32) -> (i32, i32) {
    %add3A = arith.constant 32 : i32
    %add3A_0 = arith.addi %add3A, %arg0 : i32
    %c0_i32 = arith.constant 0 : i32
    %c0_i32_1 = arith.constant 0 : i32
    return %add3A_0, %c0_i32 : i32, i32
  }
  func.func @transform_5(%arg0: i32) -> (i32, i32) {
    %add3A = arith.constant 0 : i32
    %add3A_0 = arith.addi %add3A, %arg0 : i32
    %c0_i32 = arith.constant 0 : i32
    %c0_i32_1 = arith.constant 0 : i32
    return %c0_i32, %add3A_0 : i32, i32
  }
  func.func @transform_6(%arg0: i32) -> (i32, i32) {
    %add3A = arith.constant 8 : i32
    %add3A_0 = arith.addi %add3A, %arg0 : i32
    %c0_i32 = arith.constant 0 : i32
    %c0_i32_1 = arith.constant 0 : i32
    return %c0_i32, %add3A_0 : i32, i32
  }
  func.func @transform_7(%arg0: i32) -> (i32, i32) {
    %add3A = arith.constant 16 : i32
    %add3A_0 = arith.addi %add3A, %arg0 : i32
    %c0_i32 = arith.constant 0 : i32
    %c0_i32_1 = arith.constant 0 : i32
    return %c0_i32, %add3A_0 : i32, i32
  }
  func.func @transform_8(%arg0: i32) -> (i32, i32) {
    %add3A = arith.constant 24 : i32
    %add3A_0 = arith.addi %add3A, %arg0 : i32
    %c0_i32 = arith.constant 0 : i32
    %c0_i32_1 = arith.constant 0 : i32
    return %c0_i32, %add3A_0 : i32, i32
  }
  func.func @transform_9(%arg0: i32) -> (i32, i32) {
    %add3A = arith.constant 32 : i32
    %add3A_0 = arith.addi %add3A, %arg0 : i32
    %c0_i32 = arith.constant 0 : i32
    %c0_i32_1 = arith.constant 0 : i32
    return %c0_i32, %add3A_0 : i32, i32
  }
  func.func @transform_10(%arg0: i32) -> (i32, i32) {
    %c0_i32 = arith.constant 0 : i32
    %c0_i32_0 = arith.constant 0 : i32
    %c0_i32_1 = arith.constant 0 : i32
    return %c0_i32, %c0_i32_0 : i32, i32
  }
  func.func @transform_11(%arg0: i32) -> (i32, i32) {
    %c0_i32 = arith.constant 0 : i32
    %c0_i32_0 = arith.constant 0 : i32
    %c0_i32_1 = arith.constant 0 : i32
    return %c0_i32, %c0_i32_0 : i32, i32
  }
  func.func @transform_12(%arg0: i32) -> (i32, i32) {
    %c0_i32 = arith.constant 0 : i32
    %c0_i32_0 = arith.constant 0 : i32
    %c0_i32_1 = arith.constant 0 : i32
    return %c0_i32, %c0_i32_0 : i32, i32
  }
  func.func @transform_13(%arg0: i32) -> (i32, i32) {
    %c0_i32 = arith.constant 0 : i32
    %c0_i32_0 = arith.constant 0 : i32
    %c0_i32_1 = arith.constant 0 : i32
    return %c0_i32, %c0_i32_0 : i32, i32
  }
  func.func @transform_14(%arg0: i32) -> (i32, i32) {
    %c0_i32 = arith.constant 0 : i32
    %c0_i32_0 = arith.constant 0 : i32
    %c0_i32_1 = arith.constant 0 : i32
    return %c0_i32, %c0_i32_0 : i32, i32
  }
  func.func @transform_15(%arg0: i32) -> (i32, i32) {
    %c0_i32 = arith.constant 0 : i32
    %c0_i32_0 = arith.constant 0 : i32
    %c0_i32_1 = arith.constant 0 : i32
    return %c0_i32, %c0_i32_0 : i32, i32
  }
  func.func @transform_16(%arg0: i32) -> (i32, i32) {
    %c0_i32 = arith.constant 0 : i32
    %c0_i32_0 = arith.constant 0 : i32
    %c0_i32_1 = arith.constant 0 : i32
    return %c0_i32, %c0_i32_0 : i32, i32
  }
  func.func @transform_17(%arg0: i32) -> (i32, i32) {
    %c0_i32 = arith.constant 0 : i32
    %c0_i32_0 = arith.constant 0 : i32
    return %c0_i32, %arg0 : i32, i32
  }
}

</mosaic_0001>

<sc_bundles>
// kernel: kernel.5.cloned.1.call-start
scs
__scs_entry_jumppad:
0x0: {  	(pc) =	sbr.rel $0x88, $3  }
0x1: {  	(tag) =	ssettag $0x0;
	lr =	simm.s32 $0x1  }
0x2: {  	[smem:$0x3F99] =	sst lr;
	_ =	strace $0xD0000000  }
0x3: {  	_ = 	snop  }
0x4: {  	_ = 	snop  }
0x5: {  	_ = 	snop  }
0x6: {  	_ = 	snop  }
0x7: {  	_ = 	snop  }
__scs_overlays_trampoline_lowered:
0x8: {  	[smem:$0x3FA8] =	sst s0  }
0x9: {  	[smem:$0x3FA9] =	sst s1  }
0xa: {  	[smem:$0x3FAA] =	sst s2  }
0xb: {  	[smem:$0x3FAB] =	sst s3  }
0xc: {  	[smem:$0x3FAC] =	sst s4  }
0xd: {  	[smem:$0x3FAD] =	sst s5  }
0xe: {  	[smem:$0x3FAE] =	sst s6  }
0xf: {  	[smem:$0x3FAF] =	sst s7  }
0x10: {  	[smem:$0x3FB0] =	sst s8  }
0x11: {  	[smem:$0x3FB1] =	sst s9;
	s0 =	simm.s32 @!p0 $0x0  }
0x12: {  	s1 =	sld [smem:$0x3F97];
	s0 =	simm.s32 @p0 $0x1  }
0x13: {  	[smem:$0x3FB2] =	sst s0;
	s0 =	simm.s32 @!p1 $0x0  }
0x14: {  	s2 =	sld [smem:$0x3F96];
	s0 =	simm.s32 @p1 $0x1  }
0x15: {  	[smem:$0x3FB3] =	sst s0;
	s0 =	simm.s32 @!p2 $0x0  }
0x16: {  	s3 =	sld [smem:$0x3FDB];
	s0 =	simm.s32 @p2 $0x1  }
0x17: {  	s4 =	simm.s32 $0x1BF5;
	[smem:$0x3FB5] =	sst s0  }
0x18: {  	s0 =	sld [smem:$0x3F98];
	_ =	swait.ge [sflag:s4], $0x0  }
0x19: {  	s7 =	sld [smem:$0x3F99]  }
0x1a: {  	s8 =	sadd.s32 $0xFFFFE003, lr  }
0x1b: {  	s9 =	sadd.s32 $0xFFFFFEF7, lr;
	s5 =	simm.s32 $0xFFFFFFFF;
	p2 =	slt.u32 s8, $0xFFFFF086  }
0x1c: {  	p1 =	slt.u32 s9, $0xF7A;
	s5 =	simm.s32 @!p2 $0x0  }
0x1d: {  	s5 =	simm.s32 @p1 $0x1;
	p0 =	seq.s32 s7, s2  }
0x1e: {  	s7 =	smul.u32 @!p0 $0xF7A, s2;
	p2 =	seq.s32 @!p0 s5, $0x0  }
0x1f: {  	s9 =	smul.u32 $0xF7A, s1;
	s8 =	simm.s32 @!p0 $0x1BF5;
	p2 =	por !p2, p0  }
0x20: {  	[sflag:s8] =	ssyncset.s32 @!p0 $0xFFFFF086;
	s6 =	sadd.s32 @!p0 s3, s7;
	s7 =	simm.s32 @!p0 $0x108  }
0x21: {  	s3 =	sadd.s32 s3, s9;
	s6 =	sadd.s32 @!p0 $0x88, s6;
	s7 =	simm.s32 @p2 $0x1082  }
0x22: {  	[simem:s7], [sflag:s8] =	dma.local @!p0 [hbm:s6], $0xF7A  }
0x23: {  	s9 =	sor.u32 $0xD0000000, s2;
	s6 =	simm.s32 $0x108;
	_ =	swait.ge @!p0 [sflag:s8], $0x0  }
0x24: {  	s3 =	sadd.s32 $0x88, s3;
	s6 =	simm.s32 @!p1 $0x1082;
	[sflag:s4] =	ssyncset.s32 $0xFFFFF086  }
0x25: {  	[simem:s6], [sflag:s4] =	dma.local [hbm:s3], $0xF7A  }
0x26: {  	[smem:$0x3F99] =	sst s1;
	(tag) =	ssettag s2;
	_ =	strace s9  }
0x27: {  	s1 =	sld [smem:$0x3FA9]  }
0x28: {  	s2 =	sld [smem:$0x3FAA]  }
0x29: {  	s4 =	sld [smem:$0x3FAC]  }
0x2a: {  	p0 =	seq.s32 s5, $0x0;
	s5 =	sld [smem:$0x3FAD]  }
0x2b: {  	s6 =	sld [smem:$0x3FAE]  }
0x2c: {  	s7 =	sld [smem:$0x3FAF]  }
0x2d: {  	s3 =	simm.s32 $0x108;
	s8 =	sld [smem:$0x3FB0]  }
0x2e: {  	s3 =	simm.s32 @!p0 $0x1082;
	s9 =	sld [smem:$0x3FB1]  }
0x2f: {  	lr =	sadd.s32 s0, s3;
	s0 =	sld [smem:$0x3FA8]  }
0x30: {  	s3 =	sld [smem:$0x3FAB]  }
0x31: {  	[smem:$0x3FB4] =	sst s10  }
0x32: {  	s10 =	sld [smem:$0x3FB2];
	_ =	sdelay $0x3  }
0x33: {  	p0 =	seq.s32 s10, $0x1;
	s10 =	sld [smem:$0x3FB4];
	_ =	sdelay $0x3  }
0x34: {  	[smem:$0x3FB4] =	sst s10  }
0x35: {  	s10 =	sld [smem:$0x3FB3];
	_ =	sdelay $0x3  }
0x36: {  	p1 =	seq.s32 s10, $0x1;
	s10 =	sld [smem:$0x3FB4];
	_ =	sdelay $0x3  }
0x37: {  	[smem:$0x3FB4] =	sst s10  }
0x38: {  	s10 =	sld [smem:$0x3FB5]  }
0x39: {  	_ = 	snop;
	(pc) =	sbr.ind lr, $3  }
0x3a: {  	_ = 	snop  }
0x3b: {  	_ = 	snop  }
0x3c: {  	p2 =	seq.s32 s10, $0x1;
	s10 =	sld [smem:$0x3FB4]  }
0x3d: {  	_ =	shalt  }
0x3e: {  	_ =	shalt  }
0x3f: {  	_ =	shalt  }
0x40: {  	_ =	shalt  }
0x41: {  	_ =	shalt  }
0x42: {  	_ =	shalt  }
0x43: {  	_ =	shalt  }
0x44: {  	_ =	shalt  }
0x45: {  	_ =	shalt  }
0x46: {  	_ =	shalt  }
0x47: {  	_ =	shalt  }
0x48: {  	_ =	shalt  }
0x49: {  	_ =	shalt  }
0x4a: {  	_ =	shalt  }
0x4b: {  	_ =	shalt  }
0x4c: {  	_ =	shalt  }
0x4d: {  	_ =	shalt  }
0x4e: {  	_ =	shalt  }
0x4f: {  	_ =	shalt  }
0x50: {  	_ =	shalt  }
0x51: {  	_ =	shalt  }
0x52: {  	_ =	shalt  }
0x53: {  	_ =	shalt  }
0x54: {  	_ =	shalt  }
0x55: {  	_ =	shalt  }
0x56: {  	_ =	shalt  }
0x57: {  	_ =	shalt  }
0x58: {  	_ =	shalt  }
0x59: {  	_ =	shalt  }
0x5a: {  	_ =	shalt  }
0x5b: {  	_ =	shalt  }
0x5c: {  	_ =	shalt  }
0x5d: {  	_ =	shalt  }
0x5e: {  	_ =	shalt  }
0x5f: {  	_ =	shalt  }
0x60: {  	_ =	shalt  }
0x61: {  	_ =	shalt  }
0x62: {  	_ =	shalt  }
0x63: {  	_ =	shalt  }
0x64: {  	_ =	shalt  }
0x65: {  	_ =	shalt  }
0x66: {  	_ =	shalt  }
0x67: {  	_ =	shalt  }
0x68: {  	_ =	shalt  }
0x69: {  	_ =	shalt  }
0x6a: {  	_ =	shalt  }
0x6b: {  	_ =	shalt  }
0x6c: {  	_ =	shalt  }
0x6d: {  	_ =	shalt  }
0x6e: {  	_ =	shalt  }
0x6f: {  	_ =	shalt  }
0x70: {  	_ =	shalt  }
0x71: {  	_ =	shalt  }
0x72: {  	_ =	shalt  }
0x73: {  	_ =	shalt  }
0x74: {  	_ =	shalt  }
0x75: {  	_ =	shalt  }
0x76: {  	_ =	shalt  }
0x77: {  	_ =	shalt  }
0x78: {  	_ =	shalt  }
0x79: {  	_ =	shalt  }
0x7a: {  	_ =	shalt  }
0x7b: {  	_ =	shalt  }
0x7c: {  	_ =	shalt  }
0x7d: {  	_ =	shalt  }
0x7e: {  	_ =	shalt  }
0x7f: {  	_ =	shalt  }
0x80: {  	_ =	shalt  }
0x81: {  	_ =	shalt  }
0x82: {  	_ =	shalt  }
0x83: {  	_ =	shalt  }
0x84: {  	_ =	shalt  }
0x85: {  	_ =	shalt  }
0x86: {  	_ =	shalt  }
0x87: {  	_ =	shalt  }
.Lfunc_end0:
.L_simem_size_0:
called_computation_lowered:
.L_overlay_start_0:
0x88: {  	s2 =	sld [smem:$0x3FD9]  }
0x89: {  	s3 =	sld [smem:$0x3FFE];
	_ =	sdelay $0x1  }
0x8a: {  	s1 =	srdreg.scid  }
0x8b: {  	s0 =	sand.u32 $0x1, s1  }
0x8c: {  	s16 =	sshll.u32 s0, $0xA;
	s2 =	sadd.s32 s3, s2  }
0x8d: {  	s2 =	sadd.s32 s2, s16  }
0x8e: {  	[smem:$0x3FC0] =	sst s2  }
0x8f: {  	_ = 	snop  }
0x90: {  	(tm) =	ssettm $0x1  }
0x91: {  	s17 =	sld [smem:$0x3FFB];
	_ =	sdelay $0x3  }
0x92: {  	_ =	strace s17  }
0x93: {  	s2 =	sld [smem:$0x3FFC];
	_ =	sdelay $0x3  }
0x94: {  	_ =	strace s2  }
0x95: {  	s2 =	sld [smem:$0x3FFD];
	_ =	sdelay $0x3  }
0x96: {  	_ =	strace s2  }
0x97: {  	_ =	strace $0x8FFFFFFF  }
0x98: {  	s18 =	sld [smem:$0x3FDB];
	_ =	sdelay $0x1  }
0x99: {  	s19 =	simm.s32 $_scs_section_size  }
0x9a: {  	s4 =	simm.s32 $_size__tile_overlayer_lowered;
	s5 =	simm.s32 $_tile_overlayer_lowered  }
0x9b: {  	s22 =	simm.s32 $0x1BFF;
	s21 =	sshll.u32 s5, $0x1;
	s2 =	sadd.s32 s19, s18  }
0x9c: {  	s6 =	simm.s32 $0x0;
	s20 =	sshll.u32 s4, $0x1;
	s4 =	sadd.s32 s21, s2  }
0x9d: {  	[timem:s6], [sflag:s22] =	dma.local [hbm:s4], s20  }
0x9e: {  	_ =	swait.ge [sflag:s22], s20  }
0x9f: {  	s3 =	ssub.s32 $0x0, s20;
	[sflag:s22] =	ssyncset.done $0x0  }
0xa0: {  	[sflag:s22] =	ssyncadd.s32 s3;
	_ =	sdelay $0x1  }
0xa1: {  	s23 =	simm.s32 $0x1B8B  }
0xa2: {  	_ =	swait.ge [sflag:s23], $0x1  }
0xa3: {  	[sflag:s23] =	ssyncset.done $0x0  }
0xa4: {  	s25 =	simm.s32 $0x1B8E;
	s24 =	sld [smem:$0x3FFE];
	[sflag:s23] =	ssyncadd.s32 $0xFFFFFFFF  }
0xa5: {  	s26 =	simm.s32 $execute0_lowered;
	[smem:$0x3FD2] =	sst s25  }
0xa6: {  	s4 =	sshll.u32 s26, $0x1;
	_ =	strace $0x80000046;
	[dreg:$0x1] =	wrdreg $0xFFFFFFFF  }
0xa7: {  	s28 =	simm.s32 $_size_execute0_lowered;
	s2 =	sadd.s32 s2, s4;
	[dreg:$0x0] =	wrdreg $0x0  }
0xa8: {  	s4 =	sshll.u32 s28, $0x1;
	[dreg:$0x2] =	wrdreg s2  }
0xa9: {  	[dreg:$0x3] =	wrdreg s4  }
0xaa: {  	[dreg:$0x4] =	wrdreg $0xC0  }
0xab: {  	_ =	task [dreg:s6], $0x5FFFF  }
0xac: {  	[dreg:$0x1] =	wrdreg $0xFFFFFFFF  }
0xad: {  	[dreg:$0x0] =	wrdreg $0x60  }
0xae: {  	[dreg:$0x2] =	wrdreg s24  }
0xaf: {  	[dreg:$0x3] =	wrdreg $0x9  }
0xb0: {  	_ =	task.clear_ibuf [dreg:s6], $0x4FFFF;
	_ =	strace $0x90000046  }
0xb1: {  	s29 =	simm.s32 $0x9;
	_ =	strace $0x80000048  }
0xb2: {  	_ =	swait.ge [sflag:s29], $0x1  }
0xb3: {  	[sflag:s29] =	ssyncadd.s32 $0xFFFFFFFF  }
0xb4: {  	_ =	strace $0x90000048  }
0xb5: {  	_ =	sfence  }
0xb6: {  	s30 =	sld [smem:$0x0];
	_ =	sdelay $0x2  }
0xb7: {  	s31 =	sshll.u32 s1, $0xD;
	s1 =	sshrl.u32 s1, $0x2  }
0xb8: {  	s3 =	sand.u32 $0x4000, s31;
	s1 =	sadd.s32 s1, s30  }
0xb9: {  	s0 =	sor.u32 s3, s0;
	s1 =	sshll.u32 s1, $0x11  }
0xba: {  	s0 =	sor.u32 s1, s0  }
0xbb: {  	s0 =	sadd.s32 $0x8F2B, s0  }
0xbc: {  	[sflag:s0] =	ssyncadd.remote.s32 $0x1  }
0xbd: {  	_ =	sfence.sel $0xFFFF  }
0xbe: {  	[dreg:$0x0] =	wrdreg $0xFFFFFFFF;
	(pc) =	sbr.abs _section_cstart, $3  }
0xbf: {  	[dreg:$0x1] =	wrdreg $0xFFFFFFFF  }
0xc0: {  	_ =	task.clear_ibuf [dreg:s6], $0x2FFFF;
	_ =	strace $0x9FFFFFFF  }
0xc1: {  	(tm) =	ssettm $0x7FFFFFFF  }
tec
execute0_lowered:
.L_overlay_start_1:
0x0: {  	(tag) =	ssettag $0x1  }
0x1: {  	s0 =	srdreg.scid;
	s18 =	stileid.u32  }
0x2: {  	s0 =	sand.u32 $0x1, s0;
	s1 =	sshll.u32 s18, $0x1  }
0x3: {  	s3 =	rddreg [dreg:$0x0];
	s1 =	sor.u32 s0, s1  }
0x4: {  	s2 =	simm.s32 $0x0;
	s20 =	simm.s32 $0x100;
	s4 =	smul.u32 $0x180, s1  }
0x5: {  	[smem:$0x7FF] =	sst s2;
	s6 =	sadd.s32 $0x3E4200, s3;
	s5 =	smul.u32 $0xA000, s1  }
0x6: {  	_ =	strace $0x80000047;
	[dreg:$0x16] =	wrdreg s20;
	s4 =	sadd.s32 s4, s3  }
0x7: {  	s1 =	smul.u32 $0x50000, s1;
	s23 =	sadd.s32 s6, s5;
	s4 =	sadd.s32 $0x1200, s4  }
0x8: {  	s21 =	sadd.s32 $0x800, s23;
	[dreg:$0x2] =	wrdreg s4  }
0x9: {  	s1 =	sshrl.u32 s1, $0x3;
	s22 =	sadd.s32 $0x1000, s23;
	[dreg:$0x3] =	wrdreg s21  }
0xa: {  	s24 =	sadd.s32 $0x1800, s23;
	s1 =	sadd.s32 s6, s1;
	[dreg:$0x4] =	wrdreg s22  }
0xb: {  	s31 =	simm.s32 $0x480;
	[dreg:$0x5] =	wrdreg s24;
	s25 =	sadd.s32 $0x2000, s1  }
0xc: {  	s30 =	simm.s32 $0x500;
	s26 =	sadd.s32 $0x2800, s1;
	[dreg:$0x6] =	wrdreg s25  }
0xd: {  	s29 =	simm.s32 $0x580;
	s5 =	sadd.s32 $0x3000, s1;
	[dreg:$0x7] =	wrdreg s26  }
0xe: {  	s28 =	simm.s32 $0x600;
	s6 =	sadd.s32 $0x3800, s1;
	[dreg:$0x8] =	wrdreg s5  }
0xf: {  	p0 =	por $0x0, $0x0;
	s7 =	sadd.s32 $0x4000, s1;
	[dreg:$0x9] =	wrdreg s6  }
0x10: {  	s0 =	ssub.s32 $0x2, s0;
	s8 =	sadd.s32 $0x4800, s1;
	[dreg:$0xa] =	wrdreg s7  }
0x11: {  	s20 =	simm.s32 $0x900;
	s9 =	sadd.s32 $0x5000, s1;
	[dreg:$0xb] =	wrdreg s8  }
0x12: {  	s17 =	sshrl.u32 s0, $0x1;
	s10 =	sadd.s32 $0x5800, s1;
	[dreg:$0xc] =	wrdreg s9  }
0x13: {  	s0 =	ssub.s32 s0, s17;
	s11 =	sadd.s32 $0x6000, s1;
	[dreg:$0xd] =	wrdreg s10  }
0x14: {  	s17 =	simm.s32 $0x3;
	s12 =	sadd.s32 $0x6800, s1;
	[dreg:$0xe] =	wrdreg s11  }
0x15: {  	s0 =	smax.u32 s0, $0x1;
	s13 =	sadd.s32 $0x7000, s1;
	[dreg:$0xf] =	wrdreg s12  }
0x16: {  	p1 =	sne.s32 s0, $0x1;
	s14 =	sadd.s32 $0x7800, s1;
	[dreg:$0x10] =	wrdreg s13  }
0x17: {  	s15 =	sadd.s32 $0x8000, s1;
	s16 =	sadd.s32 $0x8800, s1;
	[dreg:$0x11] =	wrdreg s14  }
0x18: {  	s19 =	sadd.s32 $0x9000, s1;
	s1 =	sadd.s32 $0x9800, s1;
	[dreg:$0x12] =	wrdreg s15  }
0x19: {  	s21 =	simm.s32 $0x180;
	s4 =	simm.s32 $0x4C00;
	[dreg:$0x13] =	wrdreg s16  }
0x1a: {  	s22 =	simm.s32 $0x200;
	s24 =	simm.s32 $0x280;
	[dreg:$0x14] =	wrdreg s19  }
0x1b: {  	s10 =	sadd.s32 $0x4200, s3;
	[dreg:$0x15] =	wrdreg s1;
	s3 =	simm.s32 $0x7  }
0x1c: {  	s13 =	simm.s32 $0x80;
	s5 =	simm.s32 $0xC00;
	[dreg:$0x17] =	wrdreg s21  }
0x1d: {  	s14 =	simm.s32 $0x8C00;
	[dreg:$0x18] =	wrdreg s22;
	s11 =	simm.s32 $0xCC00  }
0x1e: {  	s9 =	simm.s32 $0x10C00;
	[dreg:$0x19] =	wrdreg s24;
	s8 =	simm.s32 $0x14C00  }
0x1f: {  	s7 =	simm.s32 $0x1;
	s25 =	simm.s32 $0x300;
	s6 =	simm.s32 $0x2  }
.Ltmp0:
0x20: {  	s26 =	simm.s32 $0x380;
	s16 =	simm.s32 $0x4;
	(pc) =	sbr.rel @!p1 .LBB2_1-.Ltmp0, $4  }
0x21: {  	s15 =	simm.s32 $0x5;
	s12 =	simm.s32 $0x6;
	s1 =	sadd.s32 $0xFFFFFFFF, s0  }
0x22: {  	s24 =	simm.s32 $0x780;
	s22 =	simm.s32 $0x800;
	s0 =	rddreg [dreg:$0x2]  }
0x23: {  	s21 =	simm.s32 $0x880;
	s19 =	simm.s32 $0x980;
	[dreg:$0x1a] =	wrdreg s25  }
0x24: {  	[dreg:$0x1b] =	wrdreg s26;
	s26 =	simm.s32 $0x680;
	s25 =	simm.s32 $0x700  }
0x25: {  	[tilespmem:s2], [sflag:$0x7] =	stream.linear.gather [hbm4b:s0+s2], $0xA00, $0x38;
	[tilespmem:$0x18C00] =	vst v63  }
0x26: {  	_ =	swait.ge [sflag:s3], $0xA00  }
0x27: {  	[sflag:s3] =	ssyncset.done $0x0  }
0x28: {  	[sflag:s3] =	ssyncadd.s32 $0xFFFFF600  }
0x29: {  	[tilespmem:s5], [sflag:$0x1] =	stream.indirect.gather [hbm4b:s10+s13], $0x80, s2, s13, $0xb8;
	[tilespmem:$0x18C00] =	vst v63  }
0x2a: {  	_ = 	snop  }
0x2b: {  	[tilespmem:s4], [sflag:$0x2] =	stream.indirect.gather [hbm4b:s10+s13], $0x80, s13, s13, $0xb8;
	[tilespmem:$0x18C00] =	vst v63  }
0x2c: {  	s0 =	rddreg [dreg:$0x16]  }
0x2d: {  	[tilespmem:s14], [sflag:$0x3] =	stream.indirect.gather [hbm4b:s10+s13], $0x80, s0, s13, $0xb8;
	[tilespmem:$0x18C00] =	vst v63  }
0x2e: {  	s18 =	smov.u32 s1;
	s1 =	rddreg [dreg:$0x17]  }
0x2f: {  	[tilespmem:s11], [sflag:$0x4] =	stream.indirect.gather [hbm4b:s10+s13], $0x80, s1, s13, $0xb8;
	[tilespmem:$0x18C00] =	vst v63  }
0x30: {  	s0 =	rddreg [dreg:$0x18]  }
0x31: {  	[tilespmem:s9], [sflag:$0x5] =	stream.indirect.gather [hbm4b:s10+s13], $0x80, s0, s13, $0xb8;
	[tilespmem:$0x18C00] =	vst v63  }
0x32: {  	s1 =	rddreg [dreg:$0x19]  }
0x33: {  	[tilespmem:s8], [sflag:$0x6] =	stream.indirect.gather [hbm4b:s10+s13], $0x80, s1, s13, $0xb8;
	[tilespmem:$0x18C00] =	vst v63  }
0x34: {  	_ =	swait.ge [sflag:s7], $0x4000  }
0x35: {  	[sflag:s7] =	ssyncset.done $0x0  }
0x36: {  	[sflag:s7] =	ssyncadd.s32 $0xFFFFC000  }
0x37: {  	[hbm4b:s23+s2] =	stream.linear.scatter [tilespmem:s5], [sflag:$0x7], $0x4000, $0x38;
	[tilespmem:$0x18C00] =	vst v63  }
0x38: {  	_ =	swait.ge [sflag:s3], $0x4000  }
0x39: {  	[sflag:s3] =	ssyncset.done $0x0  }
0x3a: {  	s1 =	rddreg [dreg:$0x1a];
	[sflag:s3] =	ssyncadd.s32 $0xFFFFC000  }
0x3b: {  	[tilespmem:s5], [sflag:$0x1] =	stream.indirect.gather [hbm4b:s10+s13], $0x80, s1, s13, $0xb8;
	[tilespmem:$0x18C00] =	vst v63  }
0x3c: {  	_ =	swait.ge [sflag:s6], $0x4000  }
0x3d: {  	[sflag:s6] =	ssyncset.done $0x0  }
0x3e: {  	s1 =	rddreg [dreg:$0x3];
	[sflag:s6] =	ssyncadd.s32 $0xFFFFC000  }
0x3f: {  	[hbm4b:s1+s2] =	stream.linear.scatter [tilespmem:s4], [sflag:$0x7], $0x4000, $0x38;
	[tilespmem:$0x18C00] =	vst v63  }
0x40: {  	_ =	swait.ge [sflag:s3], $0x4000  }
0x41: {  	[sflag:s3] =	ssyncset.done $0x0  }
0x42: {  	s1 =	rddreg [dreg:$0x1b];
	[sflag:s3] =	ssyncadd.s32 $0xFFFFC000  }
0x43: {  	[tilespmem:s4], [sflag:$0x2] =	stream.indirect.gather [hbm4b:s10+s13], $0x80, s1, s13, $0xb8;
	[tilespmem:$0x18C00] =	vst v63  }
0x44: {  	_ =	swait.ge [sflag:s17], $0x4000  }
0x45: {  	[sflag:s17] =	ssyncset.done $0x0  }
0x46: {  	s1 =	rddreg [dreg:$0x4];
	[sflag:s17] =	ssyncadd.s32 $0xFFFFC000  }
0x47: {  	[hbm4b:s1+s2] =	stream.linear.scatter [tilespmem:s14], [sflag:$0x7], $0x4000, $0x38;
	[tilespmem:$0x18C00] =	vst v63  }
0x48: {  	_ =	swait.ge [sflag:s3], $0x4000  }
0x49: {  	[sflag:s3] =	ssyncset.done $0x0  }
0x4a: {  	s1 =	simm.s32 $0x400;
	[sflag:s3] =	ssyncadd.s32 $0xFFFFC000  }
0x4b: {  	[tilespmem:s14], [sflag:$0x3] =	stream.indirect.gather [hbm4b:s10+s13], $0x80, s1, s13, $0xb8;
	[tilespmem:$0x18C00] =	vst v63  }
0x4c: {  	_ =	swait.ge [sflag:s16], $0x4000  }
0x4d: {  	[sflag:s16] =	ssyncset.done $0x0  }
0x4e: {  	s1 =	rddreg [dreg:$0x5];
	[sflag:s16] =	ssyncadd.s32 $0xFFFFC000  }
0x4f: {  	[hbm4b:s1+s2] =	stream.linear.scatter [tilespmem:s11], [sflag:$0x7], $0x4000, $0x38;
	[tilespmem:$0x18C00] =	vst v63  }
0x50: {  	_ =	swait.ge [sflag:s3], $0x4000  }
0x51: {  	[sflag:s3] =	ssyncset.done $0x0  }
0x52: {  	[sflag:s3] =	ssyncadd.s32 $0xFFFFC000  }
0x53: {  	[tilespmem:s11], [sflag:$0x4] =	stream.indirect.gather [hbm4b:s10+s13], $0x80, s31, s13, $0xb8;
	[tilespmem:$0x18C00] =	vst v63  }
0x54: {  	_ =	swait.ge [sflag:s15], $0x4000  }
0x55: {  	[sflag:s15] =	ssyncset.done $0x0  }
0x56: {  	s1 =	rddreg [dreg:$0x6];
	[sflag:s15] =	ssyncadd.s32 $0xFFFFC000  }
0x57: {  	[hbm4b:s1+s2] =	stream.linear.scatter [tilespmem:s9], [sflag:$0x7], $0x4000, $0x38;
	[tilespmem:$0x18C00] =	vst v63  }
0x58: {  	_ =	swait.ge [sflag:s3], $0x4000  }
0x59: {  	[sflag:s3] =	ssyncset.done $0x0  }
0x5a: {  	[sflag:s3] =	ssyncadd.s32 $0xFFFFC000  }
0x5b: {  	[tilespmem:s9], [sflag:$0x5] =	stream.indirect.gather [hbm4b:s10+s13], $0x80, s30, s13, $0xb8;
	[tilespmem:$0x18C00] =	vst v63  }
0x5c: {  	_ =	swait.ge [sflag:s12], $0x4000  }
0x5d: {  	[sflag:s12] =	ssyncset.done $0x0  }
0x5e: {  	s1 =	rddreg [dreg:$0x7];
	[sflag:s12] =	ssyncadd.s32 $0xFFFFC000  }
0x5f: {  	[hbm4b:s1+s2] =	stream.linear.scatter [tilespmem:s8], [sflag:$0x7], $0x4000, $0x38;
	[tilespmem:$0x18C00] =	vst v63  }
0x60: {  	_ =	swait.ge [sflag:s3], $0x4000  }
0x61: {  	[sflag:s3] =	ssyncset.done $0x0  }
0x62: {  	[sflag:s3] =	ssyncadd.s32 $0xFFFFC000  }
0x63: {  	[tilespmem:s8], [sflag:$0x6] =	stream.indirect.gather [hbm4b:s10+s13], $0x80, s29, s13, $0xb8;
	[tilespmem:$0x18C00] =	vst v63  }
0x64: {  	_ =	swait.ge [sflag:s7], $0x4000  }
0x65: {  	[sflag:s7] =	ssyncset.done $0x0  }
0x66: {  	s1 =	rddreg [dreg:$0x8];
	[sflag:s7] =	ssyncadd.s32 $0xFFFFC000  }
0x67: {  	[hbm4b:s1+s2] =	stream.linear.scatter [tilespmem:s5], [sflag:$0x7], $0x4000, $0x38;
	[tilespmem:$0x18C00] =	vst v63  }
0x68: {  	_ =	swait.ge [sflag:s3], $0x4000  }
0x69: {  	[sflag:s3] =	ssyncset.done $0x0  }
0x6a: {  	[sflag:s3] =	ssyncadd.s32 $0xFFFFC000  }
0x6b: {  	[tilespmem:s5], [sflag:$0x1] =	stream.indirect.gather [hbm4b:s10+s13], $0x80, s28, s13, $0xb8;
	[tilespmem:$0x18C00] =	vst v63  }
0x6c: {  	_ =	swait.ge [sflag:s6], $0x4000  }
0x6d: {  	[sflag:s6] =	ssyncset.done $0x0  }
0x6e: {  	s1 =	rddreg [dreg:$0x9];
	[sflag:s6] =	ssyncadd.s32 $0xFFFFC000  }
0x6f: {  	[hbm4b:s1+s2] =	stream.linear.scatter [tilespmem:s4], [sflag:$0x7], $0x4000, $0x38;
	[tilespmem:$0x18C00] =	vst v63  }
0x70: {  	_ =	swait.ge [sflag:s3], $0x4000  }
0x71: {  	[sflag:s3] =	ssyncset.done $0x0  }
0x72: {  	[sflag:s3] =	ssyncadd.s32 $0xFFFFC000  }
0x73: {  	[tilespmem:s4], [sflag:$0x2] =	stream.indirect.gather [hbm4b:s10+s13], $0x80, s26, s13, $0xb8;
	[tilespmem:$0x18C00] =	vst v63  }
0x74: {  	_ =	swait.ge [sflag:s17], $0x4000  }
0x75: {  	[sflag:s17] =	ssyncset.done $0x0  }
0x76: {  	s1 =	rddreg [dreg:$0xa];
	[sflag:s17] =	ssyncadd.s32 $0xFFFFC000  }
0x77: {  	[hbm4b:s1+s2] =	stream.linear.scatter [tilespmem:s14], [sflag:$0x7], $0x4000, $0x38;
	[tilespmem:$0x18C00] =	vst v63  }
0x78: {  	_ =	swait.ge [sflag:s3], $0x4000  }
0x79: {  	[sflag:s3] =	ssyncset.done $0x0  }
0x7a: {  	[sflag:s3] =	ssyncadd.s32 $0xFFFFC000  }
0x7b: {  	[tilespmem:s14], [sflag:$0x3] =	stream.indirect.gather [hbm4b:s10+s13], $0x80, s25, s13, $0xb8;
	[tilespmem:$0x18C00] =	vst v63  }
0x7c: {  	_ =	swait.ge [sflag:s16], $0x4000  }
0x7d: {  	[sflag:s16] =	ssyncset.done $0x0  }
0x7e: {  	s1 =	rddreg [dreg:$0xb];
	[sflag:s16] =	ssyncadd.s32 $0xFFFFC000  }
0x7f: {  	[hbm4b:s1+s2] =	stream.linear.scatter [tilespmem:s11], [sflag:$0x7], $0x4000, $0x38;
	[tilespmem:$0x18C00] =	vst v63  }
0x80: {  	_ =	swait.ge [sflag:s3], $0x4000  }
0x81: {  	[sflag:s3] =	ssyncset.done $0x0  }
0x82: {  	[sflag:s3] =	ssyncadd.s32 $0xFFFFC000  }
0x83: {  	[tilespmem:s11], [sflag:$0x4] =	stream.indirect.gather [hbm4b:s10+s13], $0x80, s24, s13, $0xb8;
	[tilespmem:$0x18C00] =	vst v63  }
0x84: {  	_ =	swait.ge [sflag:s15], $0x4000  }
0x85: {  	[sflag:s15] =	ssyncset.done $0x0  }
0x86: {  	s1 =	rddreg [dreg:$0xc];
	[sflag:s15] =	ssyncadd.s32 $0xFFFFC000  }
0x87: {  	[hbm4b:s1+s2] =	stream.linear.scatter [tilespmem:s9], [sflag:$0x7], $0x4000, $0x38;
	[tilespmem:$0x18C00] =	vst v63  }
0x88: {  	_ =	swait.ge [sflag:s3], $0x4000  }
0x89: {  	[sflag:s3] =	ssyncset.done $0x0  }
0x8a: {  	[sflag:s3] =	ssyncadd.s32 $0xFFFFC000  }
0x8b: {  	[tilespmem:s9], [sflag:$0x5] =	stream.indirect.gather [hbm4b:s10+s13], $0x80, s22, s13, $0xb8;
	[tilespmem:$0x18C00] =	vst v63  }
0x8c: {  	_ =	swait.ge [sflag:s12], $0x4000  }
0x8d: {  	[sflag:s12] =	ssyncset.done $0x0  }
0x8e: {  	s1 =	rddreg [dreg:$0xd];
	[sflag:s12] =	ssyncadd.s32 $0xFFFFC000  }
0x8f: {  	[hbm4b:s1+s2] =	stream.linear.scatter [tilespmem:s8], [sflag:$0x7], $0x4000, $0x38;
	[tilespmem:$0x18C00] =	vst v63  }
0x90: {  	_ =	swait.ge [sflag:s3], $0x4000  }
0x91: {  	[sflag:s3] =	ssyncset.done $0x0  }
0x92: {  	[sflag:s3] =	ssyncadd.s32 $0xFFFFC000  }
0x93: {  	[tilespmem:s8], [sflag:$0x6] =	stream.indirect.gather [hbm4b:s10+s13], $0x80, s21, s13, $0xb8;
	[tilespmem:$0x18C00] =	vst v63  }
0x94: {  	_ =	swait.ge [sflag:s7], $0x4000  }
0x95: {  	[sflag:s7] =	ssyncset.done $0x0  }
0x96: {  	s1 =	rddreg [dreg:$0xe];
	[sflag:s7] =	ssyncadd.s32 $0xFFFFC000  }
0x97: {  	[hbm4b:s1+s2] =	stream.linear.scatter [tilespmem:s5], [sflag:$0x7], $0x4000, $0x38;
	[tilespmem:$0x18C00] =	vst v63  }
0x98: {  	_ =	swait.ge [sflag:s3], $0x4000  }
0x99: {  	[sflag:s3] =	ssyncset.done $0x0  }
0x9a: {  	[sflag:s3] =	ssyncadd.s32 $0xFFFFC000  }
0x9b: {  	[tilespmem:s5], [sflag:$0x1] =	stream.indirect.gather [hbm4b:s10+s13], $0x80, s20, s13, $0xb8;
	[tilespmem:$0x18C00] =	vst v63  }
0x9c: {  	_ =	swait.ge [sflag:s6], $0x4000  }
0x9d: {  	[sflag:s6] =	ssyncset.done $0x0  }
0x9e: {  	s1 =	rddreg [dreg:$0xf];
	[sflag:s6] =	ssyncadd.s32 $0xFFFFC000  }
0x9f: {  	[hbm4b:s1+s2] =	stream.linear.scatter [tilespmem:s4], [sflag:$0x7], $0x4000, $0x38;
	[tilespmem:$0x18C00] =	vst v63  }
0xa0: {  	_ =	swait.ge [sflag:s3], $0x4000  }
0xa1: {  	[sflag:s3] =	ssyncset.done $0x0  }
0xa2: {  	[sflag:s3] =	ssyncadd.s32 $0xFFFFC000  }
0xa3: {  	[tilespmem:s4], [sflag:$0x2] =	stream.indirect.gather [hbm4b:s10+s13], $0x80, s19, s13, $0xb8;
	[tilespmem:$0x18C00] =	vst v63  }
0xa4: {  	_ =	swait.ge [sflag:s17], $0x4000  }
0xa5: {  	[sflag:s17] =	ssyncset.done $0x0  }
0xa6: {  	s1 =	rddreg [dreg:$0x10];
	[sflag:s17] =	ssyncadd.s32 $0xFFFFC000  }
0xa7: {  	[hbm4b:s1+s2] =	stream.linear.scatter [tilespmem:s14], [sflag:$0x7], $0x4000, $0x38;
	[tilespmem:$0x18C00] =	vst v63  }
0xa8: {  	_ =	swait.ge [sflag:s3], $0x4000  }
0xa9: {  	[sflag:s3] =	ssyncset.done $0x0  }
0xaa: {  	[sflag:s3] =	ssyncadd.s32 $0xFFFFC000  }
0xab: {  	_ =	swait.ge [sflag:s16], $0x4000  }
0xac: {  	[sflag:s16] =	ssyncset.done $0x0  }
0xad: {  	s1 =	rddreg [dreg:$0x11];
	[sflag:s16] =	ssyncadd.s32 $0xFFFFC000  }
0xae: {  	[hbm4b:s1+s2] =	stream.linear.scatter [tilespmem:s11], [sflag:$0x7], $0x4000, $0x38;
	[tilespmem:$0x18C00] =	vst v63  }
0xaf: {  	_ =	swait.ge [sflag:s3], $0x4000  }
0xb0: {  	[sflag:s3] =	ssyncset.done $0x0  }
0xb1: {  	[sflag:s3] =	ssyncadd.s32 $0xFFFFC000  }
0xb2: {  	_ =	swait.ge [sflag:s15], $0x4000  }
0xb3: {  	[sflag:s15] =	ssyncset.done $0x0  }
0xb4: {  	s1 =	rddreg [dreg:$0x12];
	[sflag:s15] =	ssyncadd.s32 $0xFFFFC000  }
0xb5: {  	[hbm4b:s1+s2] =	stream.linear.scatter [tilespmem:s9], [sflag:$0x7], $0x4000, $0x38;
	[tilespmem:$0x18C00] =	vst v63  }
0xb6: {  	_ =	swait.ge [sflag:s3], $0x4000  }
0xb7: {  	[sflag:s3] =	ssyncset.done $0x0  }
0xb8: {  	[sflag:s3] =	ssyncadd.s32 $0xFFFFC000  }
0xb9: {  	_ =	swait.ge [sflag:s12], $0x4000  }
0xba: {  	[sflag:s12] =	ssyncset.done $0x0  }
0xbb: {  	s1 =	rddreg [dreg:$0x13];
	[sflag:s12] =	ssyncadd.s32 $0xFFFFC000  }
0xbc: {  	[hbm4b:s1+s2] =	stream.linear.scatter [tilespmem:s8], [sflag:$0x7], $0x4000, $0x38;
	[tilespmem:$0x18C00] =	vst v63  }
0xbd: {  	_ =	swait.ge [sflag:s3], $0x4000  }
0xbe: {  	[sflag:s3] =	ssyncset.done $0x0  }
0xbf: {  	[sflag:s3] =	ssyncadd.s32 $0xFFFFC000  }
0xc0: {  	_ =	swait.ge [sflag:s7], $0x4000  }
0xc1: {  	[sflag:s7] =	ssyncset.done $0x0  }
0xc2: {  	s1 =	rddreg [dreg:$0x14];
	[sflag:s7] =	ssyncadd.s32 $0xFFFFC000  }
0xc3: {  	[hbm4b:s1+s2] =	stream.linear.scatter [tilespmem:s5], [sflag:$0x7], $0x4000, $0x38;
	[tilespmem:$0x18C00] =	vst v63  }
0xc4: {  	_ =	swait.ge [sflag:s3], $0x4000  }
0xc5: {  	[sflag:s3] =	ssyncset.done $0x0  }
0xc6: {  	[sflag:s3] =	ssyncadd.s32 $0xFFFFC000  }
0xc7: {  	p1 =	sne.s32 s18, $0x1;
	_ =	swait.ge [sflag:s6], $0x4000  }
.Ltmp1:
0xc8: {  	[sflag:s6] =	ssyncset.done $0x0;
	(pc) =	sbr.rel @!p1 .LBB2_3-.Ltmp1, $4  }
0xc9: {  	s1 =	rddreg [dreg:$0x15];
	[sflag:s6] =	ssyncadd.s32 $0xFFFFC000  }
0xca: {  	[hbm4b:s1+s2] =	stream.linear.scatter [tilespmem:s4], [sflag:$0x7], $0x4000, $0x38;
	[tilespmem:$0x18C00] =	vst v63  }
0xcb: {  	p0 =	por $0x1, $0x1;
	_ =	swait.ge [sflag:s3], $0x4000  }
0xcc: {  	s1 =	sadd.s32 $0xFFFFFFFF, s18;
	s0 =	rddreg [dreg:$0x2];
	[sflag:s3] =	ssyncset.done $0x0  }
.LBB2_4:
0xcd: {  	[sflag:s3] =	ssyncadd.s32 $0xFFFFC000  }
0xce: {  	[tilespmem:s2], [sflag:$0x7] =	stream.linear.gather [hbm4b:s0+s2], $0xA00, $0x38;
	[tilespmem:$0x18C00] =	vst v63  }
0xcf: {  	_ =	swait.ge [sflag:s3], $0xA00  }
0xd0: {  	[sflag:s3] =	ssyncset.done $0x0  }
0xd1: {  	[sflag:s3] =	ssyncadd.s32 $0xFFFFF600  }
0xd2: {  	[tilespmem:s5], [sflag:$0x1] =	stream.indirect.gather [hbm4b:s10+s13], $0x80, s2, s13, $0xb8;
	[tilespmem:$0x18C00] =	vst v63  }
0xd3: {  	_ = 	snop  }
0xd4: {  	[tilespmem:s4], [sflag:$0x2] =	stream.indirect.gather [hbm4b:s10+s13], $0x80, s13, s13, $0xb8;
	[tilespmem:$0x18C00] =	vst v63  }
0xd5: {  	s0 =	rddreg [dreg:$0x16]  }
0xd6: {  	[tilespmem:s14], [sflag:$0x3] =	stream.indirect.gather [hbm4b:s10+s13], $0x80, s0, s13, $0xb8;
	[tilespmem:$0x18C00] =	vst v63  }
0xd7: {  	s18 =	rddreg [dreg:$0x17]  }
0xd8: {  	[tilespmem:s11], [sflag:$0x4] =	stream.indirect.gather [hbm4b:s10+s13], $0x80, s18, s13, $0xb8;
	[tilespmem:$0x18C00] =	vst v63  }
0xd9: {  	s0 =	rddreg [dreg:$0x18]  }
0xda: {  	[tilespmem:s9], [sflag:$0x5] =	stream.indirect.gather [hbm4b:s10+s13], $0x80, s0, s13, $0xb8;
	[tilespmem:$0x18C00] =	vst v63  }
0xdb: {  	s18 =	rddreg [dreg:$0x19]  }
0xdc: {  	[tilespmem:s8], [sflag:$0x6] =	stream.indirect.gather [hbm4b:s10+s13], $0x80, s18, s13, $0xb8;
	[tilespmem:$0x18C00] =	vst v63  }
0xdd: {  	_ =	swait.ge [sflag:s7], $0x4000  }
0xde: {  	[sflag:s7] =	ssyncset.done $0x0  }
0xdf: {  	[sflag:s7] =	ssyncadd.s32 $0xFFFFC000  }
0xe0: {  	[hbm4b:s23+s2] =	stream.linear.scatter [tilespmem:s5], [sflag:$0x7], $0x4000, $0x38;
	[tilespmem:$0x18C00] =	vst v63  }
0xe1: {  	_ =	swait.ge [sflag:s3], $0x4000  }
0xe2: {  	[sflag:s3] =	ssyncset.done $0x0  }
0xe3: {  	s18 =	rddreg [dreg:$0x1a];
	[sflag:s3] =	ssyncadd.s32 $0xFFFFC000  }
0xe4: {  	[tilespmem:s5], [sflag:$0x1] =	stream.indirect.gather [hbm4b:s10+s13], $0x80, s18, s13, $0xb8;
	[tilespmem:$0x18C00] =	vst v63  }
0xe5: {  	_ =	swait.ge [sflag:s6], $0x4000  }
0xe6: {  	[sflag:s6] =	ssyncset.done $0x0  }
0xe7: {  	s18 =	rddreg [dreg:$0x3];
	[sflag:s6] =	ssyncadd.s32 $0xFFFFC000  }
0xe8: {  	[hbm4b:s18+s2] =	stream.linear.scatter [tilespmem:s4], [sflag:$0x7], $0x4000, $0x38;
	[tilespmem:$0x18C00] =	vst v63  }
0xe9: {  	_ =	swait.ge [sflag:s3], $0x4000  }
0xea: {  	[sflag:s3] =	ssyncset.done $0x0  }
0xeb: {  	s18 =	rddreg [dreg:$0x1b];
	[sflag:s3] =	ssyncadd.s32 $0xFFFFC000  }
0xec: {  	[tilespmem:s4], [sflag:$0x2] =	stream.indirect.gather [hbm4b:s10+s13], $0x80, s18, s13, $0xb8;
	[tilespmem:$0x18C00] =	vst v63  }
0xed: {  	_ =	swait.ge [sflag:s17], $0x4000  }
0xee: {  	[sflag:s17] =	ssyncset.done $0x0  }
0xef: {  	s18 =	rddreg [dreg:$0x4];
	[sflag:s17] =	ssyncadd.s32 $0xFFFFC000  }
0xf0: {  	[hbm4b:s18+s2] =	stream.linear.scatter [tilespmem:s14], [sflag:$0x7], $0x4000, $0x38;
	[tilespmem:$0x18C00] =	vst v63  }
0xf1: {  	_ =	swait.ge [sflag:s3], $0x4000  }
0xf2: {  	[sflag:s3] =	ssyncset.done $0x0  }
0xf3: {  	s18 =	simm.s32 $0x400;
	[sflag:s3] =	ssyncadd.s32 $0xFFFFC000  }
0xf4: {  	[tilespmem:s14], [sflag:$0x3] =	stream.indirect.gather [hbm4b:s10+s13], $0x80, s18, s13, $0xb8;
	[tilespmem:$0x18C00] =	vst v63  }
0xf5: {  	_ =	swait.ge [sflag:s16], $0x4000  }
0xf6: {  	[sflag:s16] =	ssyncset.done $0x0  }
0xf7: {  	s18 =	rddreg [dreg:$0x5];
	[sflag:s16] =	ssyncadd.s32 $0xFFFFC000  }
0xf8: {  	[hbm4b:s18+s2] =	stream.linear.scatter [tilespmem:s11], [sflag:$0x7], $0x4000, $0x38;
	[tilespmem:$0x18C00] =	vst v63  }
0xf9: {  	_ =	swait.ge [sflag:s3], $0x4000  }
0xfa: {  	[sflag:s3] =	ssyncset.done $0x0  }
0xfb: {  	[sflag:s3] =	ssyncadd.s32 $0xFFFFC000  }
0xfc: {  	[tilespmem:s11], [sflag:$0x4] =	stream.indirect.gather [hbm4b:s10+s13], $0x80, s31, s13, $0xb8;
	[tilespmem:$0x18C00] =	vst v63  }
0xfd: {  	_ =	swait.ge [sflag:s15], $0x4000  }
0xfe: {  	[sflag:s15] =	ssyncset.done $0x0  }
0xff: {  	s18 =	rddreg [dreg:$0x6];
	[sflag:s15] =	ssyncadd.s32 $0xFFFFC000  }
0x100: {  	[hbm4b:s18+s2] =	stream.linear.scatter [tilespmem:s9], [sflag:$0x7], $0x4000, $0x38;
	[tilespmem:$0x18C00] =	vst v63  }
0x101: {  	_ =	swait.ge [sflag:s3], $0x4000  }
0x102: {  	[sflag:s3] =	ssyncset.done $0x0  }
0x103: {  	[sflag:s3] =	ssyncadd.s32 $0xFFFFC000  }
0x104: {  	[tilespmem:s9], [sflag:$0x5] =	stream.indirect.gather [hbm4b:s10+s13], $0x80, s30, s13, $0xb8;
	[tilespmem:$0x18C00] =	vst v63  }
0x105: {  	_ =	swait.ge [sflag:s12], $0x4000  }
0x106: {  	[sflag:s12] =	ssyncset.done $0x0  }
0x107: {  	s18 =	rddreg [dreg:$0x7];
	[sflag:s12] =	ssyncadd.s32 $0xFFFFC000  }
0x108: {  	[hbm4b:s18+s2] =	stream.linear.scatter [tilespmem:s8], [sflag:$0x7], $0x4000, $0x38;
	[tilespmem:$0x18C00] =	vst v63  }
0x109: {  	_ =	swait.ge [sflag:s3], $0x4000  }
0x10a: {  	[sflag:s3] =	ssyncset.done $0x0  }
0x10b: {  	[sflag:s3] =	ssyncadd.s32 $0xFFFFC000  }
0x10c: {  	[tilespmem:s8], [sflag:$0x6] =	stream.indirect.gather [hbm4b:s10+s13], $0x80, s29, s13, $0xb8;
	[tilespmem:$0x18C00] =	vst v63  }
0x10d: {  	_ =	swait.ge [sflag:s7], $0x4000  }
0x10e: {  	[sflag:s7] =	ssyncset.done $0x0  }
0x10f: {  	s18 =	rddreg [dreg:$0x8];
	[sflag:s7] =	ssyncadd.s32 $0xFFFFC000  }
0x110: {  	[hbm4b:s18+s2] =	stream.linear.scatter [tilespmem:s5], [sflag:$0x7], $0x4000, $0x38;
	[tilespmem:$0x18C00] =	vst v63  }
0x111: {  	_ =	swait.ge [sflag:s3], $0x4000  }
0x112: {  	[sflag:s3] =	ssyncset.done $0x0  }
0x113: {  	[sflag:s3] =	ssyncadd.s32 $0xFFFFC000  }
0x114: {  	[tilespmem:s5], [sflag:$0x1] =	stream.indirect.gather [hbm4b:s10+s13], $0x80, s28, s13, $0xb8;
	[tilespmem:$0x18C00] =	vst v63  }
0x115: {  	_ =	swait.ge [sflag:s6], $0x4000  }
0x116: {  	[sflag:s6] =	ssyncset.done $0x0  }
0x117: {  	s18 =	rddreg [dreg:$0x9];
	[sflag:s6] =	ssyncadd.s32 $0xFFFFC000  }
0x118: {  	[hbm4b:s18+s2] =	stream.linear.scatter [tilespmem:s4], [sflag:$0x7], $0x4000, $0x38;
	[tilespmem:$0x18C00] =	vst v63  }
0x119: {  	_ =	swait.ge [sflag:s3], $0x4000  }
0x11a: {  	[sflag:s3] =	ssyncset.done $0x0  }
0x11b: {  	[sflag:s3] =	ssyncadd.s32 $0xFFFFC000  }
0x11c: {  	[tilespmem:s4], [sflag:$0x2] =	stream.indirect.gather [hbm4b:s10+s13], $0x80, s26, s13, $0xb8;
	[tilespmem:$0x18C00] =	vst v63  }
0x11d: {  	_ =	swait.ge [sflag:s17], $0x4000  }
0x11e: {  	[sflag:s17] =	ssyncset.done $0x0  }
0x11f: {  	s18 =	rddreg [dreg:$0xa];
	[sflag:s17] =	ssyncadd.s32 $0xFFFFC000  }
0x120: {  	[hbm4b:s18+s2] =	stream.linear.scatter [tilespmem:s14], [sflag:$0x7], $0x4000, $0x38;
	[tilespmem:$0x18C00] =	vst v63  }
0x121: {  	_ =	swait.ge [sflag:s3], $0x4000  }
0x122: {  	[sflag:s3] =	ssyncset.done $0x0  }
0x123: {  	[sflag:s3] =	ssyncadd.s32 $0xFFFFC000  }
0x124: {  	[tilespmem:s14], [sflag:$0x3] =	stream.indirect.gather [hbm4b:s10+s13], $0x80, s25, s13, $0xb8;
	[tilespmem:$0x18C00] =	vst v63  }
0x125: {  	_ =	swait.ge [sflag:s16], $0x4000  }
0x126: {  	[sflag:s16] =	ssyncset.done $0x0  }
0x127: {  	s18 =	rddreg [dreg:$0xb];
	[sflag:s16] =	ssyncadd.s32 $0xFFFFC000  }
0x128: {  	[hbm4b:s18+s2] =	stream.linear.scatter [tilespmem:s11], [sflag:$0x7], $0x4000, $0x38;
	[tilespmem:$0x18C00] =	vst v63  }
0x129: {  	_ =	swait.ge [sflag:s3], $0x4000  }
0x12a: {  	[sflag:s3] =	ssyncset.done $0x0  }
0x12b: {  	[sflag:s3] =	ssyncadd.s32 $0xFFFFC000  }
0x12c: {  	[tilespmem:s11], [sflag:$0x4] =	stream.indirect.gather [hbm4b:s10+s13], $0x80, s24, s13, $0xb8;
	[tilespmem:$0x18C00] =	vst v63  }
0x12d: {  	_ =	swait.ge [sflag:s15], $0x4000  }
0x12e: {  	[sflag:s15] =	ssyncset.done $0x0  }
0x12f: {  	s18 =	rddreg [dreg:$0xc];
	[sflag:s15] =	ssyncadd.s32 $0xFFFFC000  }
0x130: {  	[hbm4b:s18+s2] =	stream.linear.scatter [tilespmem:s9], [sflag:$0x7], $0x4000, $0x38;
	[tilespmem:$0x18C00] =	vst v63  }
0x131: {  	_ =	swait.ge [sflag:s3], $0x4000  }
0x132: {  	[sflag:s3] =	ssyncset.done $0x0  }
0x133: {  	[sflag:s3] =	ssyncadd.s32 $0xFFFFC000  }
0x134: {  	[tilespmem:s9], [sflag:$0x5] =	stream.indirect.gather [hbm4b:s10+s13], $0x80, s22, s13, $0xb8;
	[tilespmem:$0x18C00] =	vst v63  }
0x135: {  	_ =	swait.ge [sflag:s12], $0x4000  }
0x136: {  	[sflag:s12] =	ssyncset.done $0x0  }
0x137: {  	s18 =	rddreg [dreg:$0xd];
	[sflag:s12] =	ssyncadd.s32 $0xFFFFC000  }
0x138: {  	[hbm4b:s18+s2] =	stream.linear.scatter [tilespmem:s8], [sflag:$0x7], $0x4000, $0x38;
	[tilespmem:$0x18C00] =	vst v63  }
0x139: {  	_ =	swait.ge [sflag:s3], $0x4000  }
0x13a: {  	[sflag:s3] =	ssyncset.done $0x0  }
0x13b: {  	[sflag:s3] =	ssyncadd.s32 $0xFFFFC000  }
0x13c: {  	[tilespmem:s8], [sflag:$0x6] =	stream.indirect.gather [hbm4b:s10+s13], $0x80, s21, s13, $0xb8;
	[tilespmem:$0x18C00] =	vst v63  }
0x13d: {  	_ =	swait.ge [sflag:s7], $0x4000  }
0x13e: {  	[sflag:s7] =	ssyncset.done $0x0  }
0x13f: {  	s18 =	rddreg [dreg:$0xe];
	[sflag:s7] =	ssyncadd.s32 $0xFFFFC000  }
0x140: {  	[hbm4b:s18+s2] =	stream.linear.scatter [tilespmem:s5], [sflag:$0x7], $0x4000, $0x38;
	[tilespmem:$0x18C00] =	vst v63  }
0x141: {  	_ =	swait.ge [sflag:s3], $0x4000  }
0x142: {  	[sflag:s3] =	ssyncset.done $0x0  }
0x143: {  	[sflag:s3] =	ssyncadd.s32 $0xFFFFC000  }
0x144: {  	[tilespmem:s5], [sflag:$0x1] =	stream.indirect.gather [hbm4b:s10+s13], $0x80, s20, s13, $0xb8;
	[tilespmem:$0x18C00] =	vst v63  }
0x145: {  	_ =	swait.ge [sflag:s6], $0x4000  }
0x146: {  	[sflag:s6] =	ssyncset.done $0x0  }
0x147: {  	s18 =	rddreg [dreg:$0xf];
	[sflag:s6] =	ssyncadd.s32 $0xFFFFC000  }
0x148: {  	[hbm4b:s18+s2] =	stream.linear.scatter [tilespmem:s4], [sflag:$0x7], $0x4000, $0x38;
	[tilespmem:$0x18C00] =	vst v63  }
0x149: {  	_ =	swait.ge [sflag:s3], $0x4000  }
0x14a: {  	[sflag:s3] =	ssyncset.done $0x0  }
0x14b: {  	[sflag:s3] =	ssyncadd.s32 $0xFFFFC000  }
0x14c: {  	[tilespmem:s4], [sflag:$0x2] =	stream.indirect.gather [hbm4b:s10+s13], $0x80, s19, s13, $0xb8;
	[tilespmem:$0x18C00] =	vst v63  }
0x14d: {  	_ =	swait.ge [sflag:s17], $0x4000  }
0x14e: {  	[sflag:s17] =	ssyncset.done $0x0  }
0x14f: {  	s18 =	rddreg [dreg:$0x10];
	[sflag:s17] =	ssyncadd.s32 $0xFFFFC000  }
0x150: {  	[hbm4b:s18+s2] =	stream.linear.scatter [tilespmem:s14], [sflag:$0x7], $0x4000, $0x38;
	[tilespmem:$0x18C00] =	vst v63  }
0x151: {  	_ =	swait.ge [sflag:s3], $0x4000  }
0x152: {  	[sflag:s3] =	ssyncset.done $0x0  }
0x153: {  	[sflag:s3] =	ssyncadd.s32 $0xFFFFC000  }
0x154: {  	_ =	swait.ge [sflag:s16], $0x4000  }
0x155: {  	[sflag:s16] =	ssyncset.done $0x0  }
0x156: {  	s18 =	rddreg [dreg:$0x11];
	[sflag:s16] =	ssyncadd.s32 $0xFFFFC000  }
0x157: {  	[hbm4b:s18+s2] =	stream.linear.scatter [tilespmem:s11], [sflag:$0x7], $0x4000, $0x38;
	[tilespmem:$0x18C00] =	vst v63  }
0x158: {  	_ =	swait.ge [sflag:s3], $0x4000  }
0x159: {  	[sflag:s3] =	ssyncset.done $0x0  }
0x15a: {  	[sflag:s3] =	ssyncadd.s32 $0xFFFFC000  }
0x15b: {  	_ =	swait.ge [sflag:s15], $0x4000  }
0x15c: {  	[sflag:s15] =	ssyncset.done $0x0  }
0x15d: {  	s18 =	rddreg [dreg:$0x12];
	[sflag:s15] =	ssyncadd.s32 $0xFFFFC000  }
0x15e: {  	[hbm4b:s18+s2] =	stream.linear.scatter [tilespmem:s9], [sflag:$0x7], $0x4000, $0x38;
	[tilespmem:$0x18C00] =	vst v63  }
0x15f: {  	_ =	swait.ge [sflag:s3], $0x4000  }
0x160: {  	[sflag:s3] =	ssyncset.done $0x0  }
0x161: {  	[sflag:s3] =	ssyncadd.s32 $0xFFFFC000  }
0x162: {  	_ =	swait.ge [sflag:s12], $0x4000  }
0x163: {  	[sflag:s12] =	ssyncset.done $0x0  }
0x164: {  	s18 =	rddreg [dreg:$0x13];
	[sflag:s12] =	ssyncadd.s32 $0xFFFFC000  }
0x165: {  	[hbm4b:s18+s2] =	stream.linear.scatter [tilespmem:s8], [sflag:$0x7], $0x4000, $0x38;
	[tilespmem:$0x18C00] =	vst v63  }
0x166: {  	_ =	swait.ge [sflag:s3], $0x4000  }
0x167: {  	[sflag:s3] =	ssyncset.done $0x0  }
0x168: {  	[sflag:s3] =	ssyncadd.s32 $0xFFFFC000  }
0x169: {  	_ =	swait.ge [sflag:s7], $0x4000  }
0x16a: {  	[sflag:s7] =	ssyncset.done $0x0  }
0x16b: {  	s18 =	rddreg [dreg:$0x14];
	[sflag:s7] =	ssyncadd.s32 $0xFFFFC000  }
0x16c: {  	[hbm4b:s18+s2] =	stream.linear.scatter [tilespmem:s5], [sflag:$0x7], $0x4000, $0x38;
	[tilespmem:$0x18C00] =	vst v63  }
0x16d: {  	_ =	swait.ge [sflag:s3], $0x4000  }
0x16e: {  	[sflag:s3] =	ssyncset.done $0x0  }
0x16f: {  	[sflag:s3] =	ssyncadd.s32 $0xFFFFC000  }
0x170: {  	p1 =	sne.s32 s1, $0x1;
	_ =	swait.ge [sflag:s6], $0x4000  }
.Ltmp2:
0x171: {  	[sflag:s6] =	ssyncset.done $0x0;
	(pc) =	sbr.rel @p1 .LBB2_4-.Ltmp2, $4  }
0x172: {  	s18 =	rddreg [dreg:$0x15];
	[sflag:s6] =	ssyncadd.s32 $0xFFFFC000  }
0x173: {  	[hbm4b:s18+s2] =	stream.linear.scatter [tilespmem:s4], [sflag:$0x7], $0x4000, $0x38;
	[tilespmem:$0x18C00] =	vst v63  }
0x174: {  	_ =	swait.ge [sflag:s3], $0x4000  }
0x175: {  	s1 =	sadd.s32 $0xFFFFFFFF, s1;
	s0 =	rddreg [dreg:$0x2];
	[sflag:s3] =	ssyncset.done $0x0  }
0x176: {  	s19 =	simm.s32 $0x400;
	s31 =	simm.s32 $0x480;
	s30 =	simm.s32 $0x500  }
0x177: {  	s29 =	simm.s32 $0x580;
	s28 =	simm.s32 $0x600;
	s26 =	simm.s32 $0x680  }
0x178: {  	s25 =	simm.s32 $0x700;
	s24 =	simm.s32 $0x780;
	s22 =	simm.s32 $0x800  }
0x179: {  	s21 =	simm.s32 $0x880;
	s20 =	simm.s32 $0x900;
	s18 =	stileid.u32  }
.LBB2_6:
0x17a: {  	[sflag:s3] =	ssyncadd.s32 @p0 $0xFFFFC000  }
0x17b: {  	[tilespmem:s2], [sflag:$0x7] =	stream.linear.gather [hbm4b:s0+s2], $0xA00, $0x38;
	[tilespmem:$0x18C00] =	vst v63  }
0x17c: {  	_ =	swait.ge [sflag:s3], $0xA00  }
0x17d: {  	[sflag:s3] =	ssyncset.done $0x0  }
0x17e: {  	[sflag:s3] =	ssyncadd.s32 $0xFFFFF600  }
0x17f: {  	[tilespmem:s5], [sflag:$0x1] =	stream.indirect.gather [hbm4b:s10+s13], $0x80, s2, s13, $0xb8;
	[tilespmem:$0x18C00] =	vst v63  }
0x180: {  	_ = 	snop  }
0x181: {  	[tilespmem:s4], [sflag:$0x2] =	stream.indirect.gather [hbm4b:s10+s13], $0x80, s13, s13, $0xb8;
	[tilespmem:$0x18C00] =	vst v63  }
0x182: {  	s0 =	rddreg [dreg:$0x16]  }
0x183: {  	[tilespmem:s14], [sflag:$0x3] =	stream.indirect.gather [hbm4b:s10+s13], $0x80, s0, s13, $0xb8;
	[tilespmem:$0x18C00] =	vst v63  }
0x184: {  	s1 =	rddreg [dreg:$0x17]  }
0x185: {  	[tilespmem:s11], [sflag:$0x4] =	stream.indirect.gather [hbm4b:s10+s13], $0x80, s1, s13, $0xb8;
	[tilespmem:$0x18C00] =	vst v63  }
0x186: {  	s0 =	rddreg [dreg:$0x18]  }
0x187: {  	[tilespmem:s9], [sflag:$0x5] =	stream.indirect.gather [hbm4b:s10+s13], $0x80, s0, s13, $0xb8;
	[tilespmem:$0x18C00] =	vst v63  }
0x188: {  	s1 =	rddreg [dreg:$0x19]  }
0x189: {  	[tilespmem:s8], [sflag:$0x6] =	stream.indirect.gather [hbm4b:s10+s13], $0x80, s1, s13, $0xb8;
	[tilespmem:$0x18C00] =	vst v63  }
0x18a: {  	_ =	swait.ge [sflag:s7], $0x4000  }
0x18b: {  	[sflag:s7] =	ssyncset.done $0x0  }
0x18c: {  	[sflag:s7] =	ssyncadd.s32 $0xFFFFC000  }
0x18d: {  	[hbm4b:s23+s2] =	stream.linear.scatter [tilespmem:s5], [sflag:$0x7], $0x4000, $0x38;
	[tilespmem:$0x18C00] =	vst v63  }
0x18e: {  	_ =	swait.ge [sflag:s3], $0x4000  }
0x18f: {  	[sflag:s3] =	ssyncset.done $0x0  }
0x190: {  	s23 =	rddreg [dreg:$0x1a];
	[sflag:s3] =	ssyncadd.s32 $0xFFFFC000  }
0x191: {  	[tilespmem:s5], [sflag:$0x1] =	stream.indirect.gather [hbm4b:s10+s13], $0x80, s23, s13, $0xb8;
	[tilespmem:$0x18C00] =	vst v63  }
0x192: {  	_ =	swait.ge [sflag:s6], $0x4000  }
0x193: {  	[sflag:s6] =	ssyncset.done $0x0  }
0x194: {  	s1 =	rddreg [dreg:$0x3];
	[sflag:s6] =	ssyncadd.s32 $0xFFFFC000  }
0x195: {  	[hbm4b:s1+s2] =	stream.linear.scatter [tilespmem:s4], [sflag:$0x7], $0x4000, $0x38;
	[tilespmem:$0x18C00] =	vst v63  }
0x196: {  	_ =	swait.ge [sflag:s3], $0x4000  }
0x197: {  	[sflag:s3] =	ssyncset.done $0x0  }
0x198: {  	s23 =	rddreg [dreg:$0x1b];
	[sflag:s3] =	ssyncadd.s32 $0xFFFFC000  }
0x199: {  	[tilespmem:s4], [sflag:$0x2] =	stream.indirect.gather [hbm4b:s10+s13], $0x80, s23, s13, $0xb8;
	[tilespmem:$0x18C00] =	vst v63  }
0x19a: {  	_ =	swait.ge [sflag:s17], $0x4000  }
0x19b: {  	[sflag:s17] =	ssyncset.done $0x0  }
0x19c: {  	s1 =	rddreg [dreg:$0x4];
	[sflag:s17] =	ssyncadd.s32 $0xFFFFC000  }
0x19d: {  	[hbm4b:s1+s2] =	stream.linear.scatter [tilespmem:s14], [sflag:$0x7], $0x4000, $0x38;
	[tilespmem:$0x18C00] =	vst v63  }
0x19e: {  	_ =	swait.ge [sflag:s3], $0x4000  }
0x19f: {  	[sflag:s3] =	ssyncset.done $0x0  }
0x1a0: {  	[sflag:s3] =	ssyncadd.s32 $0xFFFFC000  }
0x1a1: {  	[tilespmem:s14], [sflag:$0x3] =	stream.indirect.gather [hbm4b:s10+s13], $0x80, s19, s13, $0xb8;
	[tilespmem:$0x18C00] =	vst v63  }
0x1a2: {  	_ =	swait.ge [sflag:s16], $0x4000  }
0x1a3: {  	[sflag:s16] =	ssyncset.done $0x0  }
0x1a4: {  	s23 =	rddreg [dreg:$0x5];
	[sflag:s16] =	ssyncadd.s32 $0xFFFFC000  }
0x1a5: {  	[hbm4b:s23+s2] =	stream.linear.scatter [tilespmem:s11], [sflag:$0x7], $0x4000, $0x38;
	[tilespmem:$0x18C00] =	vst v63  }
0x1a6: {  	_ =	swait.ge [sflag:s3], $0x4000  }
0x1a7: {  	[sflag:s3] =	ssyncset.done $0x0  }
0x1a8: {  	[sflag:s3] =	ssyncadd.s32 $0xFFFFC000  }
0x1a9: {  	[tilespmem:s11], [sflag:$0x4] =	stream.indirect.gather [hbm4b:s10+s13], $0x80, s31, s13, $0xb8;
	[tilespmem:$0x18C00] =	vst v63  }
0x1aa: {  	_ =	swait.ge [sflag:s15], $0x4000  }
0x1ab: {  	[sflag:s15] =	ssyncset.done $0x0  }
0x1ac: {  	s1 =	rddreg [dreg:$0x6];
	[sflag:s15] =	ssyncadd.s32 $0xFFFFC000  }
0x1ad: {  	[hbm4b:s1+s2] =	stream.linear.scatter [tilespmem:s9], [sflag:$0x7], $0x4000, $0x38;
	[tilespmem:$0x18C00] =	vst v63  }
0x1ae: {  	_ =	swait.ge [sflag:s3], $0x4000  }
0x1af: {  	[sflag:s3] =	ssyncset.done $0x0  }
0x1b0: {  	[sflag:s3] =	ssyncadd.s32 $0xFFFFC000  }
0x1b1: {  	[tilespmem:s9], [sflag:$0x5] =	stream.indirect.gather [hbm4b:s10+s13], $0x80, s30, s13, $0xb8;
	[tilespmem:$0x18C00] =	vst v63  }
0x1b2: {  	_ =	swait.ge [sflag:s12], $0x4000  }
0x1b3: {  	[sflag:s12] =	ssyncset.done $0x0  }
0x1b4: {  	s19 =	rddreg [dreg:$0x7];
	[sflag:s12] =	ssyncadd.s32 $0xFFFFC000  }
0x1b5: {  	[hbm4b:s19+s2] =	stream.linear.scatter [tilespmem:s8], [sflag:$0x7], $0x4000, $0x38;
	[tilespmem:$0x18C00] =	vst v63  }
0x1b6: {  	_ =	swait.ge [sflag:s3], $0x4000  }
0x1b7: {  	[sflag:s3] =	ssyncset.done $0x0  }
0x1b8: {  	[sflag:s3] =	ssyncadd.s32 $0xFFFFC000  }
0x1b9: {  	[tilespmem:s8], [sflag:$0x6] =	stream.indirect.gather [hbm4b:s10+s13], $0x80, s29, s13, $0xb8;
	[tilespmem:$0x18C00] =	vst v63  }
0x1ba: {  	_ =	swait.ge [sflag:s7], $0x4000  }
0x1bb: {  	[sflag:s7] =	ssyncset.done $0x0  }
0x1bc: {  	s23 =	rddreg [dreg:$0x8];
	[sflag:s7] =	ssyncadd.s32 $0xFFFFC000  }
0x1bd: {  	[hbm4b:s23+s2] =	stream.linear.scatter [tilespmem:s5], [sflag:$0x7], $0x4000, $0x38;
	[tilespmem:$0x18C00] =	vst v63  }
0x1be: {  	_ =	swait.ge [sflag:s3], $0x4000  }
0x1bf: {  	[sflag:s3] =	ssyncset.done $0x0  }
0x1c0: {  	[sflag:s3] =	ssyncadd.s32 $0xFFFFC000  }
0x1c1: {  	[tilespmem:s5], [sflag:$0x1] =	stream.indirect.gather [hbm4b:s10+s13], $0x80, s28, s13, $0xb8;
	[tilespmem:$0x18C00] =	vst v63  }
0x1c2: {  	_ =	swait.ge [sflag:s6], $0x4000  }
0x1c3: {  	[sflag:s6] =	ssyncset.done $0x0  }
0x1c4: {  	s29 =	rddreg [dreg:$0x9];
	[sflag:s6] =	ssyncadd.s32 $0xFFFFC000  }
0x1c5: {  	[hbm4b:s29+s2] =	stream.linear.scatter [tilespmem:s4], [sflag:$0x7], $0x4000, $0x38;
	[tilespmem:$0x18C00] =	vst v63  }
0x1c6: {  	_ =	swait.ge [sflag:s3], $0x4000  }
0x1c7: {  	[sflag:s3] =	ssyncset.done $0x0  }
0x1c8: {  	[sflag:s3] =	ssyncadd.s32 $0xFFFFC000  }
0x1c9: {  	[tilespmem:s4], [sflag:$0x2] =	stream.indirect.gather [hbm4b:s10+s13], $0x80, s26, s13, $0xb8;
	[tilespmem:$0x18C00] =	vst v63  }
0x1ca: {  	_ =	swait.ge [sflag:s17], $0x4000  }
0x1cb: {  	[sflag:s17] =	ssyncset.done $0x0  }
0x1cc: {  	s30 =	rddreg [dreg:$0xa];
	[sflag:s17] =	ssyncadd.s32 $0xFFFFC000  }
0x1cd: {  	[hbm4b:s30+s2] =	stream.linear.scatter [tilespmem:s14], [sflag:$0x7], $0x4000, $0x38;
	[tilespmem:$0x18C00] =	vst v63  }
0x1ce: {  	_ =	swait.ge [sflag:s3], $0x4000  }
0x1cf: {  	[sflag:s3] =	ssyncset.done $0x0  }
0x1d0: {  	[sflag:s3] =	ssyncadd.s32 $0xFFFFC000  }
0x1d1: {  	[tilespmem:s14], [sflag:$0x3] =	stream.indirect.gather [hbm4b:s10+s13], $0x80, s25, s13, $0xb8;
	[tilespmem:$0x18C00] =	vst v63  }
0x1d2: {  	_ =	swait.ge [sflag:s16], $0x4000  }
0x1d3: {  	[sflag:s16] =	ssyncset.done $0x0  }
0x1d4: {  	s31 =	rddreg [dreg:$0xb];
	[sflag:s16] =	ssyncadd.s32 $0xFFFFC000  }
0x1d5: {  	[hbm4b:s31+s2] =	stream.linear.scatter [tilespmem:s11], [sflag:$0x7], $0x4000, $0x38;
	[tilespmem:$0x18C00] =	vst v63  }
0x1d6: {  	_ =	swait.ge [sflag:s3], $0x4000  }
0x1d7: {  	[sflag:s3] =	ssyncset.done $0x0  }
0x1d8: {  	[sflag:s3] =	ssyncadd.s32 $0xFFFFC000  }
0x1d9: {  	[tilespmem:s11], [sflag:$0x4] =	stream.indirect.gather [hbm4b:s10+s13], $0x80, s24, s13, $0xb8;
	[tilespmem:$0x18C00] =	vst v63  }
0x1da: {  	_ =	swait.ge [sflag:s15], $0x4000  }
0x1db: {  	[sflag:s15] =	ssyncset.done $0x0  }
0x1dc: {  	s1 =	rddreg [dreg:$0xc];
	[sflag:s15] =	ssyncadd.s32 $0xFFFFC000  }
0x1dd: {  	[hbm4b:s1+s2] =	stream.linear.scatter [tilespmem:s9], [sflag:$0x7], $0x4000, $0x38;
	[tilespmem:$0x18C00] =	vst v63  }
0x1de: {  	_ =	swait.ge [sflag:s3], $0x4000  }
0x1df: {  	[sflag:s3] =	ssyncset.done $0x0  }
0x1e0: {  	[sflag:s3] =	ssyncadd.s32 $0xFFFFC000  }
0x1e1: {  	[tilespmem:s9], [sflag:$0x5] =	stream.indirect.gather [hbm4b:s10+s13], $0x80, s22, s13, $0xb8;
	[tilespmem:$0x18C00] =	vst v63  }
0x1e2: {  	_ =	swait.ge [sflag:s12], $0x4000  }
0x1e3: {  	[sflag:s12] =	ssyncset.done $0x0  }
0x1e4: {  	s19 =	rddreg [dreg:$0xd];
	[sflag:s12] =	ssyncadd.s32 $0xFFFFC000  }
0x1e5: {  	[hbm4b:s19+s2] =	stream.linear.scatter [tilespmem:s8], [sflag:$0x7], $0x4000, $0x38;
	[tilespmem:$0x18C00] =	vst v63  }
0x1e6: {  	_ =	swait.ge [sflag:s3], $0x4000  }
0x1e7: {  	[sflag:s3] =	ssyncset.done $0x0  }
0x1e8: {  	[sflag:s3] =	ssyncadd.s32 $0xFFFFC000  }
0x1e9: {  	[tilespmem:s8], [sflag:$0x6] =	stream.indirect.gather [hbm4b:s10+s13], $0x80, s21, s13, $0xb8;
	[tilespmem:$0x18C00] =	vst v63  }
0x1ea: {  	_ =	swait.ge [sflag:s7], $0x4000  }
0x1eb: {  	[sflag:s7] =	ssyncset.done $0x0  }
0x1ec: {  	s22 =	rddreg [dreg:$0xe];
	[sflag:s7] =	ssyncadd.s32 $0xFFFFC000  }
0x1ed: {  	[hbm4b:s22+s2] =	stream.linear.scatter [tilespmem:s5], [sflag:$0x7], $0x4000, $0x38;
	[tilespmem:$0x18C00] =	vst v63  }
0x1ee: {  	_ =	swait.ge [sflag:s3], $0x4000  }
0x1ef: {  	[sflag:s3] =	ssyncset.done $0x0  }
0x1f0: {  	[sflag:s3] =	ssyncadd.s32 $0xFFFFC000  }
0x1f1: {  	[tilespmem:s5], [sflag:$0x1] =	stream.indirect.gather [hbm4b:s10+s13], $0x80, s20, s13, $0xb8;
	[tilespmem:$0x18C00] =	vst v63  }
0x1f2: {  	_ =	swait.ge [sflag:s6], $0x4000  }
0x1f3: {  	[sflag:s6] =	ssyncset.done $0x0  }
0x1f4: {  	s23 =	rddreg [dreg:$0xf];
	[sflag:s6] =	ssyncadd.s32 $0xFFFFC000  }
0x1f5: {  	[hbm4b:s23+s2] =	stream.linear.scatter [tilespmem:s4], [sflag:$0x7], $0x4000, $0x38;
	[tilespmem:$0x18C00] =	vst v63  }
0x1f6: {  	_ =	swait.ge [sflag:s3], $0x4000  }
0x1f7: {  	[sflag:s3] =	ssyncset.done $0x0  }
0x1f8: {  	s24 =	simm.s32 $0x980;
	[sflag:s3] =	ssyncadd.s32 $0xFFFFC000  }
0x1f9: {  	[tilespmem:s4], [sflag:$0x2] =	stream.indirect.gather [hbm4b:s10+s13], $0x80, s24, s13, $0xb8;
	[tilespmem:$0x18C00] =	vst v63  }
0x1fa: {  	_ =	swait.ge [sflag:s17], $0x4000  }
0x1fb: {  	[sflag:s17] =	ssyncset.done $0x0  }
0x1fc: {  	s25 =	rddreg [dreg:$0x10];
	[sflag:s17] =	ssyncadd.s32 $0xFFFFC000  }
0x1fd: {  	[hbm4b:s25+s2] =	stream.linear.scatter [tilespmem:s14], [sflag:$0x7], $0x4000, $0x38;
	[tilespmem:$0x18C00] =	vst v63  }
0x1fe: {  	_ =	swait.ge [sflag:s3], $0x4000  }
0x1ff: {  	[sflag:s3] =	ssyncset.done $0x0  }
0x200: {  	[sflag:s3] =	ssyncadd.s32 $0xFFFFC000  }
0x201: {  	_ =	swait.ge [sflag:s16], $0x4000  }
0x202: {  	[sflag:s16] =	ssyncset.done $0x0  }
0x203: {  	s26 =	rddreg [dreg:$0x11];
	[sflag:s16] =	ssyncadd.s32 $0xFFFFC000  }
0x204: {  	[hbm4b:s26+s2] =	stream.linear.scatter [tilespmem:s11], [sflag:$0x7], $0x4000, $0x38;
	[tilespmem:$0x18C00] =	vst v63  }
0x205: {  	_ =	swait.ge [sflag:s3], $0x4000  }
0x206: {  	[sflag:s3] =	ssyncset.done $0x0  }
0x207: {  	[sflag:s3] =	ssyncadd.s32 $0xFFFFC000  }
0x208: {  	_ =	swait.ge [sflag:s15], $0x4000  }
0x209: {  	[sflag:s15] =	ssyncset.done $0x0  }
0x20a: {  	s28 =	rddreg [dreg:$0x12];
	[sflag:s15] =	ssyncadd.s32 $0xFFFFC000  }
0x20b: {  	[hbm4b:s28+s2] =	stream.linear.scatter [tilespmem:s9], [sflag:$0x7], $0x4000, $0x38;
	[tilespmem:$0x18C00] =	vst v63  }
0x20c: {  	_ =	swait.ge [sflag:s3], $0x4000  }
0x20d: {  	[sflag:s3] =	ssyncset.done $0x0  }
0x20e: {  	[sflag:s3] =	ssyncadd.s32 $0xFFFFC000  }
0x20f: {  	_ =	swait.ge [sflag:s12], $0x4000  }
0x210: {  	[sflag:s12] =	ssyncset.done $0x0  }
0x211: {  	s29 =	rddreg [dreg:$0x13];
	[sflag:s12] =	ssyncadd.s32 $0xFFFFC000  }
0x212: {  	[hbm4b:s29+s2] =	stream.linear.scatter [tilespmem:s8], [sflag:$0x7], $0x4000, $0x38;
	[tilespmem:$0x18C00] =	vst v63  }
0x213: {  	_ =	swait.ge [sflag:s3], $0x4000  }
0x214: {  	[sflag:s3] =	ssyncset.done $0x0  }
0x215: {  	[sflag:s3] =	ssyncadd.s32 $0xFFFFC000  }
0x216: {  	_ =	swait.ge [sflag:s7], $0x4000  }
0x217: {  	[sflag:s7] =	ssyncset.done $0x0  }
0x218: {  	s30 =	rddreg [dreg:$0x14];
	[sflag:s7] =	ssyncadd.s32 $0xFFFFC000  }
0x219: {  	[hbm4b:s30+s2] =	stream.linear.scatter [tilespmem:s5], [sflag:$0x7], $0x4000, $0x38;
	[tilespmem:$0x18C00] =	vst v63  }
0x21a: {  	_ =	swait.ge [sflag:s3], $0x4000  }
0x21b: {  	[sflag:s3] =	ssyncset.done $0x0  }
0x21c: {  	[sflag:s3] =	ssyncadd.s32 $0xFFFFC000  }
0x21d: {  	_ =	swait.ge [sflag:s6], $0x4000  }
0x21e: {  	[sflag:s6] =	ssyncset.done $0x0  }
0x21f: {  	s31 =	rddreg [dreg:$0x15];
	[sflag:s6] =	ssyncadd.s32 $0xFFFFC000  }
0x220: {  	[hbm4b:s31+s2] =	stream.linear.scatter [tilespmem:s4], [sflag:$0x7], $0x4000, $0x38;
	[tilespmem:$0x18C00] =	vst v63  }
0x221: {  	_ =	swait.ge [sflag:s3], $0x4000  }
0x222: {  	[sflag:s3] =	ssyncset.done $0x0  }
0x223: {  	[sflag:s3] =	ssyncadd.s32 $0xFFFFC000  }
0x224: {  	_ =	sfence.sel $0x180000  }
0x225: {  	[bflag:$0x0] =	sbarrier.arrive $0xFFFF  }
0x226: {  	_ =	strace $0x90000047  }
0x227: {  	[bflag:$0x2] =	sbarrier.arrive $0xFFFF  }
0x228: {  	p0 =	sne.s32 s18, $0x0;
	s0 =	rddreg [dreg:$0x1]  }
0x229: {  	s0 =	sadd.s32 @!p0 $0x100000, s0  }
0x22a: {  	[sflag:s0] =	ssyncadd.tile.s32 @!p0 $0x1;
	_ =	shalt  }
.LBB2_1:
.Ltmp3:
0x22b: {  	(pc) =	sbr.rel .LBB2_6-.Ltmp3, $4  }
0x22c: {  	s19 =	simm.s32 $0x400;
	s31 =	simm.s32 $0x480  }
0x22d: {  	s30 =	simm.s32 $0x500;
	s29 =	simm.s32 $0x580;
	s28 =	simm.s32 $0x600  }
0x22e: {  	s26 =	simm.s32 $0x680;
	s25 =	simm.s32 $0x700;
	s24 =	simm.s32 $0x780  }
0x22f: {  	s22 =	simm.s32 $0x800;
	s21 =	simm.s32 $0x880;
	s20 =	simm.s32 $0x900  }
.LBB2_3:
.Ltmp4:
0x230: {  	(pc) =	sbr.rel .LBB2_6-.Ltmp4, $4  }
0x231: {  	s19 =	simm.s32 $0x400;
	s31 =	simm.s32 $0x480;
	s30 =	simm.s32 $0x500  }
0x232: {  	s29 =	simm.s32 $0x580;
	s28 =	simm.s32 $0x600;
	s26 =	simm.s32 $0x680  }
0x233: {  	s25 =	simm.s32 $0x700;
	s24 =	simm.s32 $0x780;
	s22 =	simm.s32 $0x800  }
0x234: {  	s21 =	simm.s32 $0x880;
	s20 =	simm.s32 $0x900;
	s18 =	stileid.u32  }
.Lfunc_end2:
_tile_overlayer_lowered:
.L_overlay_start_2:
0x235: {  	(tag) =	ssettag $0x2  }
0x236: {  	s0 =	rddreg [dreg:$0x0];
	s2 =	stileid.u32  }
0x237: {  	s1 =	rddreg [dreg:$0x1];
	p0 =	sne.s32 s2, $0x0  }
0x238: {  	s3 =	rddreg [dreg:$0x2];
	[bflag:$0x3] =	sbarrier.arrive $0xFFFF;
	s2 =	simm.s32 @!p0 $0x1C07  }
0x239: {  	[timem:s3], [sflag:s2] =	dma.local @!p0 [hbm:s0], s1  }
0x23a: {  	s0 =	simm.s32 @!p0 $0x7  }
0x23b: {  	_ =	swait.ge @!p0 [sflag:s0], s1  }
0x23c: {  	s1 =	ssub.s32 @!p0 $0x0, s1;
	[sflag:s0] =	ssyncset.done @!p0 $0x0  }
0x23d: {  	[sflag:s0] =	ssyncadd.s32 @!p0 s1  }
0x23e: {  	[bflag:$0x3] =	sbarrier.arrive $0xFFFF  }
0x23f: {  	_ =	shalt  }

</sc_bundles>
